<compile_context>
chip_gen: v7x
topology: tpu7x:2x2x1
jax: 0.10.2.dev20260603
libtpu: 0.0.44.dev20260713+nightly
codegen_flags: <defaults>
</compile_context>

<pallas_src>
import functools

import jax
import jax.numpy as jnp
from jax import lax
from jax.experimental import pallas as pl
from jax.experimental.pallas import tpu as pltpu
from jax.experimental.pallas import tpu_sc as plsc

V_DIM = 100000
EMB_DIM = 64
BATCH = 4096
CTX = 20

NUM_CORES = 2
NUM_SUBCORES = 16
NUM_WORKERS = NUM_CORES * NUM_SUBCORES
FEATS_PER_W = EMB_DIM // NUM_WORKERS
LANES = 16
NB = 512
N_BLOCKS = BATCH // NB
INV_CTX = 1.0 / CTX


def _cbow_body(tbl_hbm, xt_hbm, out_hbm,
               tbl_v, xb0, xb1, acc_v, sem_t, sem_x0, sem_x1):
    wid = lax.axis_index("c") * NUM_SUBCORES + lax.axis_index("s")

    xbufs = (xb0, xb1)
    xsems = (sem_x0, sem_x1)

    def process_block(xb, base):
        @plsc.parallel_loop(0, NB // LANES, unroll=2)
        def _(c):
            sl = pl.ds(c * LANES, LANES)
            s0 = plsc.load_gather(tbl_v, [xb[0, sl]])
            s1 = plsc.load_gather(tbl_v, [xb[1, sl]])
            for p in range(2, CTX, 2):
                s0 = s0 + plsc.load_gather(tbl_v, [xb[p, sl]])
                s1 = s1 + plsc.load_gather(tbl_v, [xb[p + 1, sl]])
            acc_v[pl.ds(base + c * LANES, LANES)] = (s0 + s1) * INV_CTX

    for f in range(FEATS_PER_W):
        d = wid * FEATS_PER_W + f
        ct = pltpu.async_copy(tbl_hbm.at[d], tbl_v, sem_t)
        cx0 = pltpu.async_copy(
            xt_hbm.at[:, pl.ds(0, NB)], xbufs[0], xsems[0])
        ct.wait()

        @pl.loop(0, N_BLOCKS, step=2)
        def _(blk):
            pltpu.async_copy(
                xt_hbm.at[:, pl.ds(((blk + 1) % N_BLOCKS) * NB, NB)],
                xbufs[1], xsems[1])
            cx0.wait()
            process_block(xbufs[0], blk * NB)
            pltpu.async_copy(
                xt_hbm.at[:, pl.ds(((blk + 2) % N_BLOCKS) * NB, NB)],
                xbufs[0], xsems[0])
            cx1 = pltpu.make_async_copy(
                xt_hbm.at[:, pl.ds(((blk + 1) % N_BLOCKS) * NB, NB)],
                xbufs[1], xsems[1])
            cx1.wait()
            process_block(xbufs[1], (blk + 1) * NB)

        pltpu.make_async_copy(
            xt_hbm.at[:, pl.ds(0, NB)], xbufs[0], xsems[0]).wait()
        pltpu.sync_copy(acc_v, out_hbm.at[d])


@jax.jit
def _cbow_sc(tbl_t, xt):
    mesh = plsc.VectorSubcoreMesh(core_axis_name="c", subcore_axis_name="s")
    kern = functools.partial(
        pl.kernel,
        out_type=jax.ShapeDtypeStruct((EMB_DIM, BATCH), jnp.float32),
        mesh=mesh,
        compiler_params=pltpu.CompilerParams(
            use_tc_tiling_on_sc=True, needs_layout_passes=False),
        scratch_types=[
            pltpu.VMEM((V_DIM,), jnp.float32),
            pltpu.VMEM((CTX, NB), jnp.int32),
            pltpu.VMEM((CTX, NB), jnp.int32),
            pltpu.VMEM((BATCH,), jnp.float32),
            pltpu.SemaphoreType.DMA,
            pltpu.SemaphoreType.DMA,
            pltpu.SemaphoreType.DMA,
        ],
    )(_cbow_body)
    return kern(tbl_t, xt)


def kernel(x, embeddings):
    out_t = _cbow_sc(embeddings.T, x.astype(jnp.int32).T)
    return out_t.T

# --- scband reference (transcript-rebuilt; emitter-appended) ---
"""Pipeline reference for scband-cbow-64948495450435 (READ-ONLY COPY).

The authoritative reference and input builder live on the scoring server;
editing this copy changes nothing except your own understanding.
"""

import jax, jax.numpy as jnp
import numpy as np

V_DIM = 100000
EMB_DIM = 64
BATCH = 4096
CTX = 20

def setup_inputs(seed: int = 0) -> dict:
    key = jax.random.key(seed)
    k_idx, k_emb = jax.random.split(key)
    x = jax.random.randint(k_idx, (BATCH, CTX), 0, V_DIM, dtype=jnp.int64 if jax.config.jax_enable_x64 else jnp.int32)
    embeddings = jax.random.normal(k_emb, (V_DIM, EMB_DIM), dtype=jnp.float32) * 0.1
    return {"x": x, "embeddings": embeddings}

def reference(x, embeddings):
    # CBOW forward: embedding lookup over context window, then mean over axis=1
    o = jnp.take(embeddings, x, axis=0)  # [B, CTX, EMB]
    o = jnp.mean(o, axis=1)              # [B, EMB]
    return o

if __name__ == "__main__":
    import jax
    _d = setup_inputs()
    print(jax.jit(kernel)(*tuple(_d.values())))

</pallas_src>

<mosaic_0001>
#map = affine_map<(d0, d1) -> (0, 0)>
module attributes {stable_mosaic.version = 14 : i64} {
  func.func @_cbow_body(%arg0: i32, %arg1: i32, %arg2: memref<64x100000xf32, #tpu.memory_space<hbm>>, %arg3: memref<20x4096xi32, #tpu.memory_space<hbm>>, %arg4: memref<64x4096xf32, #tpu.memory_space<hbm>>, %arg5: memref<100000xf32, #tpu.memory_space<vmem>>, %arg6: memref<20x512xi32, #tpu.memory_space<vmem>>, %arg7: memref<20x512xi32, #tpu.memory_space<vmem>>, %arg8: memref<4096xf32, #tpu.memory_space<vmem>>, %arg9: memref<!tpu.dma_semaphore, #tpu.memory_space<semaphore_mem>>, %arg10: memref<!tpu.dma_semaphore, #tpu.memory_space<semaphore_mem>>, %arg11: memref<!tpu.dma_semaphore, #tpu.memory_space<semaphore_mem>>) attributes {dimension_semantics = [#tpu.dimension_semantics<core_parallel>, #tpu.dimension_semantics<subcore_parallel>], iteration_bounds = array<i64: 2, 16>, scalar_prefetch = 0 : i64, scratch_operands = 7 : i64, tpu.core_type = #tpu.core_type<sc_vector_subcore>, window_params = [{transform_indices = #map}, {transform_indices = #map}, {transform_indices = #map}]} {
    %mul3A = arith.constant 16 : i32
    %mul3A_0 = arith.muli %arg0, %mul3A : i32
    %add3A = arith.addi %mul3A_0, %arg1 : i32
    %mul3A_1 = arith.constant 2 : i32
    %mul3A_2 = arith.muli %add3A, %mul3A_1 : i32
    %add3A_3 = arith.constant 0 : i32
    %add3A_4 = arith.addi %mul3A_2, %add3A_3 : i32
    %dma_start3A = arith.constant 0 : i32
    %dma_start3A_5 = tpu.memref_slice %arg2[%add3A_4, %dma_start3A] : memref<64x100000xf32, #tpu.memory_space<hbm>> -> memref<1x100000xf32, #tpu.memory_space<hbm>>
    %dma_start3A_6 = tpu.memref_squeeze %dma_start3A_5 : memref<1x100000xf32, #tpu.memory_space<hbm>> -> memref<100000xf32, #tpu.memory_space<hbm>>
    %dma_start3A_7 = arith.constant 0 : i32
    %dma_start3A_8 = tpu.memref_slice %arg2[%add3A_4, %dma_start3A_7] : memref<64x100000xf32, #tpu.memory_space<hbm>> -> memref<1x100000xf32, #tpu.memory_space<hbm>>
    %dma_start3A_9 = tpu.memref_squeeze %dma_start3A_8 : memref<1x100000xf32, #tpu.memory_space<hbm>> -> memref<100000xf32, #tpu.memory_space<hbm>>
    tpu.enqueue_dma source(%dma_start3A_9 : memref<100000xf32, #tpu.memory_space<hbm>>) target(%arg5 : memref<100000xf32, #tpu.memory_space<vmem>>) target_semaphore(%arg9 : memref<!tpu.dma_semaphore, #tpu.memory_space<semaphore_mem>>)
    %dma_start3A_10 = arith.constant 0 : i32
    %dma_start3A_11 = arith.constant 0 : i32
    %dma_start3A_12 = tpu.memref_slice %arg3[%dma_start3A_10, %dma_start3A_11] : memref<20x4096xi32, #tpu.memory_space<hbm>> -> memref<20x512xi32, #tpu.memory_space<hbm>>
    %dma_start3A_13 = arith.constant 0 : i32
    %dma_start3A_14 = arith.constant 0 : i32
    %dma_start3A_15 = tpu.memref_slice %arg3[%dma_start3A_13, %dma_start3A_14] : memref<20x4096xi32, #tpu.memory_space<hbm>> -> memref<20x512xi32, #tpu.memory_space<hbm>>
    tpu.enqueue_dma source(%dma_start3A_15 : memref<20x512xi32, #tpu.memory_space<hbm>>) target(%arg6 : memref<20x512xi32, #tpu.memory_space<vmem>>) target_semaphore(%arg10 : memref<!tpu.dma_semaphore, #tpu.memory_space<semaphore_mem>>)
    %dma_wait3A = arith.constant 0 : i32
    %dma_wait3A_16 = tpu.memref_slice %arg2[%add3A_4, %dma_wait3A] : memref<64x100000xf32, #tpu.memory_space<hbm>> -> memref<1x100000xf32, #tpu.memory_space<hbm>>
    %dma_wait3A_17 = tpu.memref_squeeze %dma_wait3A_16 : memref<1x100000xf32, #tpu.memory_space<hbm>> -> memref<100000xf32, #tpu.memory_space<hbm>>
    %dma_wait3A_18 = arith.constant 0 : i32
    %dma_wait3A_19 = tpu.memref_slice %arg2[%add3A_4, %dma_wait3A_18] : memref<64x100000xf32, #tpu.memory_space<hbm>> -> memref<1x100000xf32, #tpu.memory_space<hbm>>
    %dma_wait3A_20 = tpu.memref_squeeze %dma_wait3A_19 : memref<1x100000xf32, #tpu.memory_space<hbm>> -> memref<100000xf32, #tpu.memory_space<hbm>>
    tpu.wait_dma2 semaphore(%arg9 : memref<!tpu.dma_semaphore, #tpu.memory_space<semaphore_mem>>) src(%dma_wait3A_20 : memref<100000xf32, #tpu.memory_space<hbm>>) dst(%arg5 : memref<100000xf32, #tpu.memory_space<vmem>>)
    %scan3A = arith.constant 0 : i32
    %scan3A_21 = arith.constant 4 : i32
    %scan3A_22 = arith.addi %scan3A, %scan3A_21 : i32
    %scan3A_23 = arith.constant 1 : i32
    scf.for %scan3A_64 = %scan3A to %scan3A_22 step %scan3A_23  : i32 {
      %mul3A_65 = arith.constant 2 : i32
      %mul3A_66 = arith.muli %scan3A_64, %mul3A_65 : i32
      %add3A_67 = arith.constant 0 : i32
      %add3A_68 = arith.addi %add3A_67, %mul3A_66 : i32
      %add3A_69 = arith.constant 1 : i32
      %add3A_70 = arith.addi %add3A_68, %add3A_69 : i32
      %jit3A = arith.constant 8 : i32
      %eq3A = arith.constant 0 : i32
      %eq3A_71 = arith.cmpi eq, %jit3A, %eq3A : i32
      %jit3A_72 = arith.constant 1 : i32
      %select_n3A = arith.select %eq3A_71, %jit3A_72, %jit3A : i32
      %rem3A = arith.remsi %add3A_70, %select_n3A : i32
      %ne3A = arith.constant 0 : i32
      %ne3A_73 = arith.cmpi ne, %rem3A, %ne3A : i32
      %lt3A = arith.constant 0 : i32
      %lt3A_74 = arith.cmpi slt, %rem3A, %lt3A : i32
      %lt3A_75 = arith.constant 0 : i32
      %lt3A_76 = arith.cmpi slt, %select_n3A, %lt3A_75 : i32
      %ne3A_77 = arith.xori %lt3A_74, %lt3A_76 : i1
      %and3A = arith.andi %ne3A_77, %ne3A_73 : i1
      %add3A_78 = arith.addi %rem3A, %select_n3A : i32
      %select_n3A_79 = arith.select %and3A, %add3A_78, %rem3A : i32
      %mul3A_80 = arith.constant 512 : i32
      %mul3A_81 = arith.muli %select_n3A_79, %mul3A_80 : i32
      %dma_start3A_82 = arith.constant 0 : i32
      %dma_start3A_83 = tpu.memref_slice %arg3[%dma_start3A_82, %mul3A_81] : memref<20x4096xi32, #tpu.memory_space<hbm>> -> memref<20x512xi32, #tpu.memory_space<hbm>>
      %dma_start3A_84 = arith.constant 0 : i32
      %dma_start3A_85 = tpu.memref_slice %arg3[%dma_start3A_84, %mul3A_81] : memref<20x4096xi32, #tpu.memory_space<hbm>> -> memref<20x512xi32, #tpu.memory_space<hbm>>
      tpu.enqueue_dma source(%dma_start3A_85 : memref<20x512xi32, #tpu.memory_space<hbm>>) target(%arg7 : memref<20x512xi32, #tpu.memory_space<vmem>>) target_semaphore(%arg11 : memref<!tpu.dma_semaphore, #tpu.memory_space<semaphore_mem>>)
      %dma_wait3A_86 = arith.constant 0 : i32
      %dma_wait3A_87 = arith.constant 0 : i32
      %dma_wait3A_88 = tpu.memref_slice %arg3[%dma_wait3A_86, %dma_wait3A_87] : memref<20x4096xi32, #tpu.memory_space<hbm>> -> memref<20x512xi32, #tpu.memory_space<hbm>>
      %dma_wait3A_89 = arith.constant 0 : i32
      %dma_wait3A_90 = arith.constant 0 : i32
      %dma_wait3A_91 = tpu.memref_slice %arg3[%dma_wait3A_89, %dma_wait3A_90] : memref<20x4096xi32, #tpu.memory_space<hbm>> -> memref<20x512xi32, #tpu.memory_space<hbm>>
      tpu.wait_dma2 semaphore(%arg10 : memref<!tpu.dma_semaphore, #tpu.memory_space<semaphore_mem>>) src(%dma_wait3A_91 : memref<20x512xi32, #tpu.memory_space<hbm>>) dst(%arg6 : memref<20x512xi32, #tpu.memory_space<vmem>>)
      %mul3A_92 = arith.constant 512 : i32
      %mul3A_93 = arith.muli %add3A_68, %mul3A_92 : i32
      %parallel_loop3A = arith.constant 0 : i32
      %parallel_loop3A_94 = arith.constant 32 : i32
      %parallel_loop3A_95 = arith.constant 1 : i32
      scf.for %parallel_loop3A_151 = %parallel_loop3A to %parallel_loop3A_94 step %parallel_loop3A_95  : i32 {
        %parallel_loop3A_152 = arith.constant 16 : i32
        %parallel_loop3A_153 = arith.muli %parallel_loop3A_151, %parallel_loop3A_152 : i32
        %parallel_loop3A_154 = arith.constant 0 : i32
        %parallel_loop3A_155 = arith.index_cast %parallel_loop3A_154 : i32 to index
        %parallel_loop3A_156 = arith.index_cast %parallel_loop3A_153 : i32 to index
        %parallel_loop3A_157 = tpu.vector_load %arg6[%parallel_loop3A_155, %parallel_loop3A_156] {strides = array<i32>} : memref<20x512xi32, #tpu.memory_space<vmem>>, vector<16xi32>,
        %parallel_loop3A_158 = tpu.vector_load_idx %arg5[%parallel_loop3A_157] : memref<100000xf32, #tpu.memory_space<vmem>>[vector<16xi32>], vector<16xf32>,
        %parallel_loop3A_159 = arith.constant 1 : i32
        %parallel_loop3A_160 = arith.index_cast %parallel_loop3A_159 : i32 to index
        %parallel_loop3A_161 = arith.index_cast %parallel_loop3A_153 : i32 to index
        %parallel_loop3A_162 = tpu.vector_load %arg6[%parallel_loop3A_160, %parallel_loop3A_161] {strides = array<i32>} : memref<20x512xi32, #tpu.memory_space<vmem>>, vector<16xi32>,
        %parallel_loop3A_163 = tpu.vector_load_idx %arg5[%parallel_loop3A_162] : memref<100000xf32, #tpu.memory_space<vmem>>[vector<16xi32>], vector<16xf32>,
        %parallel_loop3A_164 = arith.constant 2 : i32
        %parallel_loop3A_165 = arith.index_cast %parallel_loop3A_164 : i32 to index
        %parallel_loop3A_166 = arith.index_cast %parallel_loop3A_153 : i32 to index
        %parallel_loop3A_167 = tpu.vector_load %arg6[%parallel_loop3A_165, %parallel_loop3A_166] {strides = array<i32>} : memref<20x512xi32, #tpu.memory_space<vmem>>, vector<16xi32>,
        %parallel_loop3A_168 = tpu.vector_load_idx %arg5[%parallel_loop3A_167] : memref<100000xf32, #tpu.memory_space<vmem>>[vector<16xi32>], vector<16xf32>,
        %parallel_loop3A_169 = arith.addf %parallel_loop3A_158, %parallel_loop3A_168 : vector<16xf32>
        %parallel_loop3A_170 = arith.constant 3 : i32
        %parallel_loop3A_171 = arith.index_cast %parallel_loop3A_170 : i32 to index
        %parallel_loop3A_172 = arith.index_cast %parallel_loop3A_153 : i32 to index
        %parallel_loop3A_173 = tpu.vector_load %arg6[%parallel_loop3A_171, %parallel_loop3A_172] {strides = array<i32>} : memref<20x512xi32, #tpu.memory_space<vmem>>, vector<16xi32>,
        %parallel_loop3A_174 = tpu.vector_load_idx %arg5[%parallel_loop3A_173] : memref<100000xf32, #tpu.memory_space<vmem>>[vector<16xi32>], vector<16xf32>,
        %parallel_loop3A_175 = arith.addf %parallel_loop3A_163, %parallel_loop3A_174 : vector<16xf32>
        %parallel_loop3A_176 = arith.constant 4 : i32
        %parallel_loop3A_177 = arith.index_cast %parallel_loop3A_176 : i32 to index
        %parallel_loop3A_178 = arith.index_cast %parallel_loop3A_153 : i32 to index
        %parallel_loop3A_179 = tpu.vector_load %arg6[%parallel_loop3A_177, %parallel_loop3A_178] {strides = array<i32>} : memref<20x512xi32, #tpu.memory_space<vmem>>, vector<16xi32>,
        %parallel_loop3A_180 = tpu.vector_load_idx %arg5[%parallel_loop3A_179] : memref<100000xf32, #tpu.memory_space<vmem>>[vector<16xi32>], vector<16xf32>,
        %parallel_loop3A_181 = arith.addf %parallel_loop3A_169, %parallel_loop3A_180 : vector<16xf32>
        %parallel_loop3A_182 = arith.constant 5 : i32
        %parallel_loop3A_183 = arith.index_cast %parallel_loop3A_182 : i32 to index
        %parallel_loop3A_184 = arith.index_cast %parallel_loop3A_153 : i32 to index
        %parallel_loop3A_185 = tpu.vector_load %arg6[%parallel_loop3A_183, %parallel_loop3A_184] {strides = array<i32>} : memref<20x512xi32, #tpu.memory_space<vmem>>, vector<16xi32>,
        %parallel_loop3A_186 = tpu.vector_load_idx %arg5[%parallel_loop3A_185] : memref<100000xf32, #tpu.memory_space<vmem>>[vector<16xi32>], vector<16xf32>,
        %parallel_loop3A_187 = arith.addf %parallel_loop3A_175, %parallel_loop3A_186 : vector<16xf32>
        %parallel_loop3A_188 = arith.constant 6 : i32
        %parallel_loop3A_189 = arith.index_cast %parallel_loop3A_188 : i32 to index
        %parallel_loop3A_190 = arith.index_cast %parallel_loop3A_153 : i32 to index
        %parallel_loop3A_191 = tpu.vector_load %arg6[%parallel_loop3A_189, %parallel_loop3A_190] {strides = array<i32>} : memref<20x512xi32, #tpu.memory_space<vmem>>, vector<16xi32>,
        %parallel_loop3A_192 = tpu.vector_load_idx %arg5[%parallel_loop3A_191] : memref<100000xf32, #tpu.memory_space<vmem>>[vector<16xi32>], vector<16xf32>,
        %parallel_loop3A_193 = arith.addf %parallel_loop3A_181, %parallel_loop3A_192 : vector<16xf32>
        %parallel_loop3A_194 = arith.constant 7 : i32
        %parallel_loop3A_195 = arith.index_cast %parallel_loop3A_194 : i32 to index
        %parallel_loop3A_196 = arith.index_cast %parallel_loop3A_153 : i32 to index
        %parallel_loop3A_197 = tpu.vector_load %arg6[%parallel_loop3A_195, %parallel_loop3A_196] {strides = array<i32>} : memref<20x512xi32, #tpu.memory_space<vmem>>, vector<16xi32>,
        %parallel_loop3A_198 = tpu.vector_load_idx %arg5[%parallel_loop3A_197] : memref<100000xf32, #tpu.memory_space<vmem>>[vector<16xi32>], vector<16xf32>,
        %parallel_loop3A_199 = arith.addf %parallel_loop3A_187, %parallel_loop3A_198 : vector<16xf32>
        %parallel_loop3A_200 = arith.constant 8 : i32
        %parallel_loop3A_201 = arith.index_cast %parallel_loop3A_200 : i32 to index
        %parallel_loop3A_202 = arith.index_cast %parallel_loop3A_153 : i32 to index
        %parallel_loop3A_203 = tpu.vector_load %arg6[%parallel_loop3A_201, %parallel_loop3A_202] {strides = array<i32>} : memref<20x512xi32, #tpu.memory_space<vmem>>, vector<16xi32>,
        %parallel_loop3A_204 = tpu.vector_load_idx %arg5[%parallel_loop3A_203] : memref<100000xf32, #tpu.memory_space<vmem>>[vector<16xi32>], vector<16xf32>,
        %parallel_loop3A_205 = arith.addf %parallel_loop3A_193, %parallel_loop3A_204 : vector<16xf32>
        %parallel_loop3A_206 = arith.constant 9 : i32
        %parallel_loop3A_207 = arith.index_cast %parallel_loop3A_206 : i32 to index
        %parallel_loop3A_208 = arith.index_cast %parallel_loop3A_153 : i32 to index
        %parallel_loop3A_209 = tpu.vector_load %arg6[%parallel_loop3A_207, %parallel_loop3A_208] {strides = array<i32>} : memref<20x512xi32, #tpu.memory_space<vmem>>, vector<16xi32>,
        %parallel_loop3A_210 = tpu.vector_load_idx %arg5[%parallel_loop3A_209] : memref<100000xf32, #tpu.memory_space<vmem>>[vector<16xi32>], vector<16xf32>,
        %parallel_loop3A_211 = arith.addf %parallel_loop3A_199, %parallel_loop3A_210 : vector<16xf32>
        %parallel_loop3A_212 = arith.constant 10 : i32
        %parallel_loop3A_213 = arith.index_cast %parallel_loop3A_212 : i32 to index
        %parallel_loop3A_214 = arith.index_cast %parallel_loop3A_153 : i32 to index
        %parallel_loop3A_215 = tpu.vector_load %arg6[%parallel_loop3A_213, %parallel_loop3A_214] {strides = array<i32>} : memref<20x512xi32, #tpu.memory_space<vmem>>, vector<16xi32>,
        %parallel_loop3A_216 = tpu.vector_load_idx %arg5[%parallel_loop3A_215] : memref<100000xf32, #tpu.memory_space<vmem>>[vector<16xi32>], vector<16xf32>,
        %parallel_loop3A_217 = arith.addf %parallel_loop3A_205, %parallel_loop3A_216 : vector<16xf32>
        %parallel_loop3A_218 = arith.constant 11 : i32
        %parallel_loop3A_219 = arith.index_cast %parallel_loop3A_218 : i32 to index
        %parallel_loop3A_220 = arith.index_cast %parallel_loop3A_153 : i32 to index
        %parallel_loop3A_221 = tpu.vector_load %arg6[%parallel_loop3A_219, %parallel_loop3A_220] {strides = array<i32>} : memref<20x512xi32, #tpu.memory_space<vmem>>, vector<16xi32>,
        %parallel_loop3A_222 = tpu.vector_load_idx %arg5[%parallel_loop3A_221] : memref<100000xf32, #tpu.memory_space<vmem>>[vector<16xi32>], vector<16xf32>,
        %parallel_loop3A_223 = arith.addf %parallel_loop3A_211, %parallel_loop3A_222 : vector<16xf32>
        %parallel_loop3A_224 = arith.constant 12 : i32
        %parallel_loop3A_225 = arith.index_cast %parallel_loop3A_224 : i32 to index
        %parallel_loop3A_226 = arith.index_cast %parallel_loop3A_153 : i32 to index
        %parallel_loop3A_227 = tpu.vector_load %arg6[%parallel_loop3A_225, %parallel_loop3A_226] {strides = array<i32>} : memref<20x512xi32, #tpu.memory_space<vmem>>, vector<16xi32>,
        %parallel_loop3A_228 = tpu.vector_load_idx %arg5[%parallel_loop3A_227] : memref<100000xf32, #tpu.memory_space<vmem>>[vector<16xi32>], vector<16xf32>,
        %parallel_loop3A_229 = arith.addf %parallel_loop3A_217, %parallel_loop3A_228 : vector<16xf32>
        %parallel_loop3A_230 = arith.constant 13 : i32
        %parallel_loop3A_231 = arith.index_cast %parallel_loop3A_230 : i32 to index
        %parallel_loop3A_232 = arith.index_cast %parallel_loop3A_153 : i32 to index
        %parallel_loop3A_233 = tpu.vector_load %arg6[%parallel_loop3A_231, %parallel_loop3A_232] {strides = array<i32>} : memref<20x512xi32, #tpu.memory_space<vmem>>, vector<16xi32>,
        %parallel_loop3A_234 = tpu.vector_load_idx %arg5[%parallel_loop3A_233] : memref<100000xf32, #tpu.memory_space<vmem>>[vector<16xi32>], vector<16xf32>,
        %parallel_loop3A_235 = arith.addf %parallel_loop3A_223, %parallel_loop3A_234 : vector<16xf32>
        %parallel_loop3A_236 = arith.constant 14 : i32
        %parallel_loop3A_237 = arith.index_cast %parallel_loop3A_236 : i32 to index
        %parallel_loop3A_238 = arith.index_cast %parallel_loop3A_153 : i32 to index
        %parallel_loop3A_239 = tpu.vector_load %arg6[%parallel_loop3A_237, %parallel_loop3A_238] {strides = array<i32>} : memref<20x512xi32, #tpu.memory_space<vmem>>, vector<16xi32>,
        %parallel_loop3A_240 = tpu.vector_load_idx %arg5[%parallel_loop3A_239] : memref<100000xf32, #tpu.memory_space<vmem>>[vector<16xi32>], vector<16xf32>,
        %parallel_loop3A_241 = arith.addf %parallel_loop3A_229, %parallel_loop3A_240 : vector<16xf32>
        %parallel_loop3A_242 = arith.constant 15 : i32
        %parallel_loop3A_243 = arith.index_cast %parallel_loop3A_242 : i32 to index
        %parallel_loop3A_244 = arith.index_cast %parallel_loop3A_153 : i32 to index
        %parallel_loop3A_245 = tpu.vector_load %arg6[%parallel_loop3A_243, %parallel_loop3A_244] {strides = array<i32>} : memref<20x512xi32, #tpu.memory_space<vmem>>, vector<16xi32>,
        %parallel_loop3A_246 = tpu.vector_load_idx %arg5[%parallel_loop3A_245] : memref<100000xf32, #tpu.memory_space<vmem>>[vector<16xi32>], vector<16xf32>,
        %parallel_loop3A_247 = arith.addf %parallel_loop3A_235, %parallel_loop3A_246 : vector<16xf32>
        %parallel_loop3A_248 = arith.constant 16 : i32
        %parallel_loop3A_249 = arith.index_cast %parallel_loop3A_248 : i32 to index
        %parallel_loop3A_250 = arith.index_cast %parallel_loop3A_153 : i32 to index
        %parallel_loop3A_251 = tpu.vector_load %arg6[%parallel_loop3A_249, %parallel_loop3A_250] {strides = array<i32>} : memref<20x512xi32, #tpu.memory_space<vmem>>, vector<16xi32>,
        %parallel_loop3A_252 = tpu.vector_load_idx %arg5[%parallel_loop3A_251] : memref<100000xf32, #tpu.memory_space<vmem>>[vector<16xi32>], vector<16xf32>,
        %parallel_loop3A_253 = arith.addf %parallel_loop3A_241, %parallel_loop3A_252 : vector<16xf32>
        %parallel_loop3A_254 = arith.constant 17 : i32
        %parallel_loop3A_255 = arith.index_cast %parallel_loop3A_254 : i32 to index
        %parallel_loop3A_256 = arith.index_cast %parallel_loop3A_153 : i32 to index
        %parallel_loop3A_257 = tpu.vector_load %arg6[%parallel_loop3A_255, %parallel_loop3A_256] {strides = array<i32>} : memref<20x512xi32, #tpu.memory_space<vmem>>, vector<16xi32>,
        %parallel_loop3A_258 = tpu.vector_load_idx %arg5[%parallel_loop3A_257] : memref<100000xf32, #tpu.memory_space<vmem>>[vector<16xi32>], vector<16xf32>,
        %parallel_loop3A_259 = arith.addf %parallel_loop3A_247, %parallel_loop3A_258 : vector<16xf32>
        %parallel_loop3A_260 = arith.constant 18 : i32
        %parallel_loop3A_261 = arith.index_cast %parallel_loop3A_260 : i32 to index
        %parallel_loop3A_262 = arith.index_cast %parallel_loop3A_153 : i32 to index
        %parallel_loop3A_263 = tpu.vector_load %arg6[%parallel_loop3A_261, %parallel_loop3A_262] {strides = array<i32>} : memref<20x512xi32, #tpu.memory_space<vmem>>, vector<16xi32>,
        %parallel_loop3A_264 = tpu.vector_load_idx %arg5[%parallel_loop3A_263] : memref<100000xf32, #tpu.memory_space<vmem>>[vector<16xi32>], vector<16xf32>,
        %parallel_loop3A_265 = arith.addf %parallel_loop3A_253, %parallel_loop3A_264 : vector<16xf32>
        %parallel_loop3A_266 = arith.constant 19 : i32
        %parallel_loop3A_267 = arith.index_cast %parallel_loop3A_266 : i32 to index
        %parallel_loop3A_268 = arith.index_cast %parallel_loop3A_153 : i32 to index
        %parallel_loop3A_269 = tpu.vector_load %arg6[%parallel_loop3A_267, %parallel_loop3A_268] {strides = array<i32>} : memref<20x512xi32, #tpu.memory_space<vmem>>, vector<16xi32>,
        %parallel_loop3A_270 = tpu.vector_load_idx %arg5[%parallel_loop3A_269] : memref<100000xf32, #tpu.memory_space<vmem>>[vector<16xi32>], vector<16xf32>,
        %parallel_loop3A_271 = arith.addf %parallel_loop3A_259, %parallel_loop3A_270 : vector<16xf32>
        %parallel_loop3A_272 = arith.addf %parallel_loop3A_265, %parallel_loop3A_271 : vector<16xf32>
        %parallel_loop3A_273 = arith.constant 5.000000e-02 : f32
        %parallel_loop3A_274 = vector.broadcast %parallel_loop3A_273 : f32 to vector<16xf32>
        %parallel_loop3A_275 = arith.mulf %parallel_loop3A_272, %parallel_loop3A_274 : vector<16xf32>
        %parallel_loop3A_276 = arith.constant 16 : i32
        %parallel_loop3A_277 = arith.muli %parallel_loop3A_151, %parallel_loop3A_276 : i32
        %parallel_loop3A_278 = arith.addi %mul3A_93, %parallel_loop3A_277 : i32
        %parallel_loop3A_279 = arith.index_cast %parallel_loop3A_278 : i32 to index
        %parallel_loop3A_280 = tpu.vector_load %arg8[%parallel_loop3A_279] {strides = array<i32>} : memref<4096xf32, #tpu.memory_space<vmem>>, vector<16xf32>,
        tpu.vector_store %arg8[%parallel_loop3A_279], %parallel_loop3A_275 {strides = array<i32>} : memref<4096xf32, #tpu.memory_space<vmem>>, vector<16xf32>,
      } {sc.loop_unroll_factor = 2 : i64, sc.parallel_access}
      %add3A_96 = arith.constant 2 : i32
      %add3A_97 = arith.addi %add3A_68, %add3A_96 : i32
      %jit3A_98 = arith.constant 8 : i32
      %eq3A_99 = arith.constant 0 : i32
      %eq3A_100 = arith.cmpi eq, %jit3A_98, %eq3A_99 : i32
      %jit3A_101 = arith.constant 1 : i32
      %select_n3A_102 = arith.select %eq3A_100, %jit3A_101, %jit3A_98 : i32
      %rem3A_103 = arith.remsi %add3A_97, %select_n3A_102 : i32
      %ne3A_104 = arith.constant 0 : i32
      %ne3A_105 = arith.cmpi ne, %rem3A_103, %ne3A_104 : i32
      %lt3A_106 = arith.constant 0 : i32
      %lt3A_107 = arith.cmpi slt, %rem3A_103, %lt3A_106 : i32
      %lt3A_108 = arith.constant 0 : i32
      %lt3A_109 = arith.cmpi slt, %select_n3A_102, %lt3A_108 : i32
      %ne3A_110 = arith.xori %lt3A_107, %lt3A_109 : i1
      %and3A_111 = arith.andi %ne3A_110, %ne3A_105 : i1
      %add3A_112 = arith.addi %rem3A_103, %select_n3A_102 : i32
      %select_n3A_113 = arith.select %and3A_111, %add3A_112, %rem3A_103 : i32
      %mul3A_114 = arith.constant 512 : i32
      %mul3A_115 = arith.muli %select_n3A_113, %mul3A_114 : i32
      %dma_start3A_116 = arith.constant 0 : i32
      %dma_start3A_117 = tpu.memref_slice %arg3[%dma_start3A_116, %mul3A_115] : memref<20x4096xi32, #tpu.memory_space<hbm>> -> memref<20x512xi32, #tpu.memory_space<hbm>>
      %dma_start3A_118 = arith.constant 0 : i32
      %dma_start3A_119 = tpu.memref_slice %arg3[%dma_start3A_118, %mul3A_115] : memref<20x4096xi32, #tpu.memory_space<hbm>> -> memref<20x512xi32, #tpu.memory_space<hbm>>
      tpu.enqueue_dma source(%dma_start3A_119 : memref<20x512xi32, #tpu.memory_space<hbm>>) target(%arg6 : memref<20x512xi32, #tpu.memory_space<vmem>>) target_semaphore(%arg10 : memref<!tpu.dma_semaphore, #tpu.memory_space<semaphore_mem>>)
      %add3A_120 = arith.constant 1 : i32
      %add3A_121 = arith.addi %add3A_68, %add3A_120 : i32
      %jit3A_122 = arith.constant 8 : i32
      %eq3A_123 = arith.constant 0 : i32
      %eq3A_124 = arith.cmpi eq, %jit3A_122, %eq3A_123 : i32
      %jit3A_125 = arith.constant 1 : i32
      %select_n3A_126 = arith.select %eq3A_124, %jit3A_125, %jit3A_122 : i32
      %rem3A_127 = arith.remsi %add3A_121, %select_n3A_126 : i32
      %ne3A_128 = arith.constant 0 : i32
      %ne3A_129 = arith.cmpi ne, %rem3A_127, %ne3A_128 : i32
      %lt3A_130 = arith.constant 0 : i32
      %lt3A_131 = arith.cmpi slt, %rem3A_127, %lt3A_130 : i32
      %lt3A_132 = arith.constant 0 : i32
      %lt3A_133 = arith.cmpi slt, %select_n3A_126, %lt3A_132 : i32
      %ne3A_134 = arith.xori %lt3A_131, %lt3A_133 : i1
      %and3A_135 = arith.andi %ne3A_134, %ne3A_129 : i1
      %add3A_136 = arith.addi %rem3A_127, %select_n3A_126 : i32
      %select_n3A_137 = arith.select %and3A_135, %add3A_136, %rem3A_127 : i32
      %mul3A_138 = arith.constant 512 : i32
      %mul3A_139 = arith.muli %select_n3A_137, %mul3A_138 : i32
      %dma_wait3A_140 = arith.constant 0 : i32
      %dma_wait3A_141 = tpu.memref_slice %arg3[%dma_wait3A_140, %mul3A_139] : memref<20x4096xi32, #tpu.memory_space<hbm>> -> memref<20x512xi32, #tpu.memory_space<hbm>>
      %dma_wait3A_142 = arith.constant 0 : i32
      %dma_wait3A_143 = tpu.memref_slice %arg3[%dma_wait3A_142, %mul3A_139] : memref<20x4096xi32, #tpu.memory_space<hbm>> -> memref<20x512xi32, #tpu.memory_space<hbm>>
      tpu.wait_dma2 semaphore(%arg11 : memref<!tpu.dma_semaphore, #tpu.memory_space<semaphore_mem>>) src(%dma_wait3A_143 : memref<20x512xi32, #tpu.memory_space<hbm>>) dst(%arg7 : memref<20x512xi32, #tpu.memory_space<vmem>>)
      %add3A_144 = arith.constant 1 : i32
      %add3A_145 = arith.addi %add3A_68, %add3A_144 : i32
      %mul3A_146 = arith.constant 512 : i32
      %mul3A_147 = arith.muli %add3A_145, %mul3A_146 : i32
      %parallel_loop3A_148 = arith.constant 0 : i32
      %parallel_loop3A_149 = arith.constant 32 : i32
      %parallel_loop3A_150 = arith.constant 1 : i32
      scf.for %parallel_loop3A_151 = %parallel_loop3A_148 to %parallel_loop3A_149 step %parallel_loop3A_150  : i32 {
        %parallel_loop3A_152 = arith.constant 16 : i32
        %parallel_loop3A_153 = arith.muli %parallel_loop3A_151, %parallel_loop3A_152 : i32
        %parallel_loop3A_154 = arith.constant 0 : i32
        %parallel_loop3A_155 = arith.index_cast %parallel_loop3A_154 : i32 to index
        %parallel_loop3A_156 = arith.index_cast %parallel_loop3A_153 : i32 to index
        %parallel_loop3A_157 = tpu.vector_load %arg7[%parallel_loop3A_155, %parallel_loop3A_156] {strides = array<i32>} : memref<20x512xi32, #tpu.memory_space<vmem>>, vector<16xi32>,
        %parallel_loop3A_158 = tpu.vector_load_idx %arg5[%parallel_loop3A_157] : memref<100000xf32, #tpu.memory_space<vmem>>[vector<16xi32>], vector<16xf32>,
        %parallel_loop3A_159 = arith.constant 1 : i32
        %parallel_loop3A_160 = arith.index_cast %parallel_loop3A_159 : i32 to index
        %parallel_loop3A_161 = arith.index_cast %parallel_loop3A_153 : i32 to index
        %parallel_loop3A_162 = tpu.vector_load %arg7[%parallel_loop3A_160, %parallel_loop3A_161] {strides = array<i32>} : memref<20x512xi32, #tpu.memory_space<vmem>>, vector<16xi32>,
        %parallel_loop3A_163 = tpu.vector_load_idx %arg5[%parallel_loop3A_162] : memref<100000xf32, #tpu.memory_space<vmem>>[vector<16xi32>], vector<16xf32>,
        %parallel_loop3A_164 = arith.constant 2 : i32
        %parallel_loop3A_165 = arith.index_cast %parallel_loop3A_164 : i32 to index
        %parallel_loop3A_166 = arith.index_cast %parallel_loop3A_153 : i32 to index
        %parallel_loop3A_167 = tpu.vector_load %arg7[%parallel_loop3A_165, %parallel_loop3A_166] {strides = array<i32>} : memref<20x512xi32, #tpu.memory_space<vmem>>, vector<16xi32>,
        %parallel_loop3A_168 = tpu.vector_load_idx %arg5[%parallel_loop3A_167] : memref<100000xf32, #tpu.memory_space<vmem>>[vector<16xi32>], vector<16xf32>,
        %parallel_loop3A_169 = arith.addf %parallel_loop3A_158, %parallel_loop3A_168 : vector<16xf32>
        %parallel_loop3A_170 = arith.constant 3 : i32
        %parallel_loop3A_171 = arith.index_cast %parallel_loop3A_170 : i32 to index
        %parallel_loop3A_172 = arith.index_cast %parallel_loop3A_153 : i32 to index
        %parallel_loop3A_173 = tpu.vector_load %arg7[%parallel_loop3A_171, %parallel_loop3A_172] {strides = array<i32>} : memref<20x512xi32, #tpu.memory_space<vmem>>, vector<16xi32>,
        %parallel_loop3A_174 = tpu.vector_load_idx %arg5[%parallel_loop3A_173] : memref<100000xf32, #tpu.memory_space<vmem>>[vector<16xi32>], vector<16xf32>,
        %parallel_loop3A_175 = arith.addf %parallel_loop3A_163, %parallel_loop3A_174 : vector<16xf32>
        %parallel_loop3A_176 = arith.constant 4 : i32
        %parallel_loop3A_177 = arith.index_cast %parallel_loop3A_176 : i32 to index
        %parallel_loop3A_178 = arith.index_cast %parallel_loop3A_153 : i32 to index
        %parallel_loop3A_179 = tpu.vector_load %arg7[%parallel_loop3A_177, %parallel_loop3A_178] {strides = array<i32>} : memref<20x512xi32, #tpu.memory_space<vmem>>, vector<16xi32>,
        %parallel_loop3A_180 = tpu.vector_load_idx %arg5[%parallel_loop3A_179] : memref<100000xf32, #tpu.memory_space<vmem>>[vector<16xi32>], vector<16xf32>,
        %parallel_loop3A_181 = arith.addf %parallel_loop3A_169, %parallel_loop3A_180 : vector<16xf32>
        %parallel_loop3A_182 = arith.constant 5 : i32
        %parallel_loop3A_183 = arith.index_cast %parallel_loop3A_182 : i32 to index
        %parallel_loop3A_184 = arith.index_cast %parallel_loop3A_153 : i32 to index
        %parallel_loop3A_185 = tpu.vector_load %arg7[%parallel_loop3A_183, %parallel_loop3A_184] {strides = array<i32>} : memref<20x512xi32, #tpu.memory_space<vmem>>, vector<16xi32>,
        %parallel_loop3A_186 = tpu.vector_load_idx %arg5[%parallel_loop3A_185] : memref<100000xf32, #tpu.memory_space<vmem>>[vector<16xi32>], vector<16xf32>,
        %parallel_loop3A_187 = arith.addf %parallel_loop3A_175, %parallel_loop3A_186 : vector<16xf32>
        %parallel_loop3A_188 = arith.constant 6 : i32
        %parallel_loop3A_189 = arith.index_cast %parallel_loop3A_188 : i32 to index
        %parallel_loop3A_190 = arith.index_cast %parallel_loop3A_153 : i32 to index
        %parallel_loop3A_191 = tpu.vector_load %arg7[%parallel_loop3A_189, %parallel_loop3A_190] {strides = array<i32>} : memref<20x512xi32, #tpu.memory_space<vmem>>, vector<16xi32>,
        %parallel_loop3A_192 = tpu.vector_load_idx %arg5[%parallel_loop3A_191] : memref<100000xf32, #tpu.memory_space<vmem>>[vector<16xi32>], vector<16xf32>,
        %parallel_loop3A_193 = arith.addf %parallel_loop3A_181, %parallel_loop3A_192 : vector<16xf32>
        %parallel_loop3A_194 = arith.constant 7 : i32
        %parallel_loop3A_195 = arith.index_cast %parallel_loop3A_194 : i32 to index
        %parallel_loop3A_196 = arith.index_cast %parallel_loop3A_153 : i32 to index
        %parallel_loop3A_197 = tpu.vector_load %arg7[%parallel_loop3A_195, %parallel_loop3A_196] {strides = array<i32>} : memref<20x512xi32, #tpu.memory_space<vmem>>, vector<16xi32>,
        %parallel_loop3A_198 = tpu.vector_load_idx %arg5[%parallel_loop3A_197] : memref<100000xf32, #tpu.memory_space<vmem>>[vector<16xi32>], vector<16xf32>,
        %parallel_loop3A_199 = arith.addf %parallel_loop3A_187, %parallel_loop3A_198 : vector<16xf32>
        %parallel_loop3A_200 = arith.constant 8 : i32
        %parallel_loop3A_201 = arith.index_cast %parallel_loop3A_200 : i32 to index
        %parallel_loop3A_202 = arith.index_cast %parallel_loop3A_153 : i32 to index
        %parallel_loop3A_203 = tpu.vector_load %arg7[%parallel_loop3A_201, %parallel_loop3A_202] {strides = array<i32>} : memref<20x512xi32, #tpu.memory_space<vmem>>, vector<16xi32>,
        %parallel_loop3A_204 = tpu.vector_load_idx %arg5[%parallel_loop3A_203] : memref<100000xf32, #tpu.memory_space<vmem>>[vector<16xi32>], vector<16xf32>,
        %parallel_loop3A_205 = arith.addf %parallel_loop3A_193, %parallel_loop3A_204 : vector<16xf32>
        %parallel_loop3A_206 = arith.constant 9 : i32
        %parallel_loop3A_207 = arith.index_cast %parallel_loop3A_206 : i32 to index
        %parallel_loop3A_208 = arith.index_cast %parallel_loop3A_153 : i32 to index
        %parallel_loop3A_209 = tpu.vector_load %arg7[%parallel_loop3A_207, %parallel_loop3A_208] {strides = array<i32>} : memref<20x512xi32, #tpu.memory_space<vmem>>, vector<16xi32>,
        %parallel_loop3A_210 = tpu.vector_load_idx %arg5[%parallel_loop3A_209] : memref<100000xf32, #tpu.memory_space<vmem>>[vector<16xi32>], vector<16xf32>,
        %parallel_loop3A_211 = arith.addf %parallel_loop3A_199, %parallel_loop3A_210 : vector<16xf32>
        %parallel_loop3A_212 = arith.constant 10 : i32
        %parallel_loop3A_213 = arith.index_cast %parallel_loop3A_212 : i32 to index
        %parallel_loop3A_214 = arith.index_cast %parallel_loop3A_153 : i32 to index
        %parallel_loop3A_215 = tpu.vector_load %arg7[%parallel_loop3A_213, %parallel_loop3A_214] {strides = array<i32>} : memref<20x512xi32, #tpu.memory_space<vmem>>, vector<16xi32>,
        %parallel_loop3A_216 = tpu.vector_load_idx %arg5[%parallel_loop3A_215] : memref<100000xf32, #tpu.memory_space<vmem>>[vector<16xi32>], vector<16xf32>,
        %parallel_loop3A_217 = arith.addf %parallel_loop3A_205, %parallel_loop3A_216 : vector<16xf32>
        %parallel_loop3A_218 = arith.constant 11 : i32
        %parallel_loop3A_219 = arith.index_cast %parallel_loop3A_218 : i32 to index
        %parallel_loop3A_220 = arith.index_cast %parallel_loop3A_153 : i32 to index
        %parallel_loop3A_221 = tpu.vector_load %arg7[%parallel_loop3A_219, %parallel_loop3A_220] {strides = array<i32>} : memref<20x512xi32, #tpu.memory_space<vmem>>, vector<16xi32>,
        %parallel_loop3A_222 = tpu.vector_load_idx %arg5[%parallel_loop3A_221] : memref<100000xf32, #tpu.memory_space<vmem>>[vector<16xi32>], vector<16xf32>,
        %parallel_loop3A_223 = arith.addf %parallel_loop3A_211, %parallel_loop3A_222 : vector<16xf32>
        %parallel_loop3A_224 = arith.constant 12 : i32
        %parallel_loop3A_225 = arith.index_cast %parallel_loop3A_224 : i32 to index
        %parallel_loop3A_226 = arith.index_cast %parallel_loop3A_153 : i32 to index
        %parallel_loop3A_227 = tpu.vector_load %arg7[%parallel_loop3A_225, %parallel_loop3A_226] {strides = array<i32>} : memref<20x512xi32, #tpu.memory_space<vmem>>, vector<16xi32>,
        %parallel_loop3A_228 = tpu.vector_load_idx %arg5[%parallel_loop3A_227] : memref<100000xf32, #tpu.memory_space<vmem>>[vector<16xi32>], vector<16xf32>,
        %parallel_loop3A_229 = arith.addf %parallel_loop3A_217, %parallel_loop3A_228 : vector<16xf32>
        %parallel_loop3A_230 = arith.constant 13 : i32
        %parallel_loop3A_231 = arith.index_cast %parallel_loop3A_230 : i32 to index
        %parallel_loop3A_232 = arith.index_cast %parallel_loop3A_153 : i32 to index
        %parallel_loop3A_233 = tpu.vector_load %arg7[%parallel_loop3A_231, %parallel_loop3A_232] {strides = array<i32>} : memref<20x512xi32, #tpu.memory_space<vmem>>, vector<16xi32>,
        %parallel_loop3A_234 = tpu.vector_load_idx %arg5[%parallel_loop3A_233] : memref<100000xf32, #tpu.memory_space<vmem>>[vector<16xi32>], vector<16xf32>,
        %parallel_loop3A_235 = arith.addf %parallel_loop3A_223, %parallel_loop3A_234 : vector<16xf32>
        %parallel_loop3A_236 = arith.constant 14 : i32
        %parallel_loop3A_237 = arith.index_cast %parallel_loop3A_236 : i32 to index
        %parallel_loop3A_238 = arith.index_cast %parallel_loop3A_153 : i32 to index
        %parallel_loop3A_239 = tpu.vector_load %arg7[%parallel_loop3A_237, %parallel_loop3A_238] {strides = array<i32>} : memref<20x512xi32, #tpu.memory_space<vmem>>, vector<16xi32>,
        %parallel_loop3A_240 = tpu.vector_load_idx %arg5[%parallel_loop3A_239] : memref<100000xf32, #tpu.memory_space<vmem>>[vector<16xi32>], vector<16xf32>,
        %parallel_loop3A_241 = arith.addf %parallel_loop3A_229, %parallel_loop3A_240 : vector<16xf32>
        %parallel_loop3A_242 = arith.constant 15 : i32
        %parallel_loop3A_243 = arith.index_cast %parallel_loop3A_242 : i32 to index
        %parallel_loop3A_244 = arith.index_cast %parallel_loop3A_153 : i32 to index
        %parallel_loop3A_245 = tpu.vector_load %arg7[%parallel_loop3A_243, %parallel_loop3A_244] {strides = array<i32>} : memref<20x512xi32, #tpu.memory_space<vmem>>, vector<16xi32>,
        %parallel_loop3A_246 = tpu.vector_load_idx %arg5[%parallel_loop3A_245] : memref<100000xf32, #tpu.memory_space<vmem>>[vector<16xi32>], vector<16xf32>,
        %parallel_loop3A_247 = arith.addf %parallel_loop3A_235, %parallel_loop3A_246 : vector<16xf32>
        %parallel_loop3A_248 = arith.constant 16 : i32
        %parallel_loop3A_249 = arith.index_cast %parallel_loop3A_248 : i32 to index
        %parallel_loop3A_250 = arith.index_cast %parallel_loop3A_153 : i32 to index
        %parallel_loop3A_251 = tpu.vector_load %arg7[%parallel_loop3A_249, %parallel_loop3A_250] {strides = array<i32>} : memref<20x512xi32, #tpu.memory_space<vmem>>, vector<16xi32>,
        %parallel_loop3A_252 = tpu.vector_load_idx %arg5[%parallel_loop3A_251] : memref<100000xf32, #tpu.memory_space<vmem>>[vector<16xi32>], vector<16xf32>,
        %parallel_loop3A_253 = arith.addf %parallel_loop3A_241, %parallel_loop3A_252 : vector<16xf32>
        %parallel_loop3A_254 = arith.constant 17 : i32
        %parallel_loop3A_255 = arith.index_cast %parallel_loop3A_254 : i32 to index
        %parallel_loop3A_256 = arith.index_cast %parallel_loop3A_153 : i32 to index
        %parallel_loop3A_257 = tpu.vector_load %arg7[%parallel_loop3A_255, %parallel_loop3A_256] {strides = array<i32>} : memref<20x512xi32, #tpu.memory_space<vmem>>, vector<16xi32>,
        %parallel_loop3A_258 = tpu.vector_load_idx %arg5[%parallel_loop3A_257] : memref<100000xf32, #tpu.memory_space<vmem>>[vector<16xi32>], vector<16xf32>,
        %parallel_loop3A_259 = arith.addf %parallel_loop3A_247, %parallel_loop3A_258 : vector<16xf32>
        %parallel_loop3A_260 = arith.constant 18 : i32
        %parallel_loop3A_261 = arith.index_cast %parallel_loop3A_260 : i32 to index
        %parallel_loop3A_262 = arith.index_cast %parallel_loop3A_153 : i32 to index
        %parallel_loop3A_263 = tpu.vector_load %arg7[%parallel_loop3A_261, %parallel_loop3A_262] {strides = array<i32>} : memref<20x512xi32, #tpu.memory_space<vmem>>, vector<16xi32>,
        %parallel_loop3A_264 = tpu.vector_load_idx %arg5[%parallel_loop3A_263] : memref<100000xf32, #tpu.memory_space<vmem>>[vector<16xi32>], vector<16xf32>,
        %parallel_loop3A_265 = arith.addf %parallel_loop3A_253, %parallel_loop3A_264 : vector<16xf32>
        %parallel_loop3A_266 = arith.constant 19 : i32
        %parallel_loop3A_267 = arith.index_cast %parallel_loop3A_266 : i32 to index
        %parallel_loop3A_268 = arith.index_cast %parallel_loop3A_153 : i32 to index
        %parallel_loop3A_269 = tpu.vector_load %arg7[%parallel_loop3A_267, %parallel_loop3A_268] {strides = array<i32>} : memref<20x512xi32, #tpu.memory_space<vmem>>, vector<16xi32>,
        %parallel_loop3A_270 = tpu.vector_load_idx %arg5[%parallel_loop3A_269] : memref<100000xf32, #tpu.memory_space<vmem>>[vector<16xi32>], vector<16xf32>,
        %parallel_loop3A_271 = arith.addf %parallel_loop3A_259, %parallel_loop3A_270 : vector<16xf32>
        %parallel_loop3A_272 = arith.addf %parallel_loop3A_265, %parallel_loop3A_271 : vector<16xf32>
        %parallel_loop3A_273 = arith.constant 5.000000e-02 : f32
        %parallel_loop3A_274 = vector.broadcast %parallel_loop3A_273 : f32 to vector<16xf32>
        %parallel_loop3A_275 = arith.mulf %parallel_loop3A_272, %parallel_loop3A_274 : vector<16xf32>
        %parallel_loop3A_276 = arith.constant 16 : i32
        %parallel_loop3A_277 = arith.muli %parallel_loop3A_151, %parallel_loop3A_276 : i32
        %parallel_loop3A_278 = arith.addi %mul3A_147, %parallel_loop3A_277 : i32
        %parallel_loop3A_279 = arith.index_cast %parallel_loop3A_278 : i32 to index
        %parallel_loop3A_280 = tpu.vector_load %arg8[%parallel_loop3A_279] {strides = array<i32>} : memref<4096xf32, #tpu.memory_space<vmem>>, vector<16xf32>,
        tpu.vector_store %arg8[%parallel_loop3A_279], %parallel_loop3A_275 {strides = array<i32>} : memref<4096xf32, #tpu.memory_space<vmem>>, vector<16xf32>,
      } {sc.loop_unroll_factor = 2 : i64, sc.parallel_access}
    }
    %scan3A_24 = arith.constant 4 : i32
    %dma_wait3A_25 = arith.constant 0 : i32
    %dma_wait3A_26 = arith.constant 0 : i32
    %dma_wait3A_27 = tpu.memref_slice %arg3[%dma_wait3A_25, %dma_wait3A_26] : memref<20x4096xi32, #tpu.memory_space<hbm>> -> memref<20x512xi32, #tpu.memory_space<hbm>>
    %dma_wait3A_28 = arith.constant 0 : i32
    %dma_wait3A_29 = arith.constant 0 : i32
    %dma_wait3A_30 = tpu.memref_slice %arg3[%dma_wait3A_28, %dma_wait3A_29] : memref<20x4096xi32, #tpu.memory_space<hbm>> -> memref<20x512xi32, #tpu.memory_space<hbm>>
    tpu.wait_dma2 semaphore(%arg10 : memref<!tpu.dma_semaphore, #tpu.memory_space<semaphore_mem>>) src(%dma_wait3A_30 : memref<20x512xi32, #tpu.memory_space<hbm>>) dst(%arg6 : memref<20x512xi32, #tpu.memory_space<vmem>>)
    "tpu.region"() ({
      %run_scoped3A = tpu.sem_alloc : memref<!tpu.dma_semaphore, #tpu.memory_space<semaphore_mem>>
      %dma_start3A_64 = arith.constant 0 : i32
      %dma_start3A_65 = tpu.memref_slice %arg4[%add3A_4, %dma_start3A_64] : memref<64x4096xf32, #tpu.memory_space<hbm>> -> memref<1x4096xf32, #tpu.memory_space<hbm>>
      %dma_start3A_66 = tpu.memref_squeeze %dma_start3A_65 : memref<1x4096xf32, #tpu.memory_space<hbm>> -> memref<4096xf32, #tpu.memory_space<hbm>>
      %dma_start3A_67 = arith.constant 0 : i32
      %dma_start3A_68 = tpu.memref_slice %arg4[%add3A_4, %dma_start3A_67] : memref<64x4096xf32, #tpu.memory_space<hbm>> -> memref<1x4096xf32, #tpu.memory_space<hbm>>
      %dma_start3A_69 = tpu.memref_squeeze %dma_start3A_68 : memref<1x4096xf32, #tpu.memory_space<hbm>> -> memref<4096xf32, #tpu.memory_space<hbm>>
      tpu.enqueue_dma source(%arg8 : memref<4096xf32, #tpu.memory_space<vmem>>) target(%dma_start3A_69 : memref<4096xf32, #tpu.memory_space<hbm>>) target_semaphore(%run_scoped3A : memref<!tpu.dma_semaphore, #tpu.memory_space<semaphore_mem>>)
      %dma_wait3A_70 = arith.constant 0 : i32
      %dma_wait3A_71 = tpu.memref_slice %arg4[%add3A_4, %dma_wait3A_70] : memref<64x4096xf32, #tpu.memory_space<hbm>> -> memref<1x4096xf32, #tpu.memory_space<hbm>>
      %dma_wait3A_72 = tpu.memref_squeeze %dma_wait3A_71 : memref<1x4096xf32, #tpu.memory_space<hbm>> -> memref<4096xf32, #tpu.memory_space<hbm>>
      %dma_wait3A_73 = arith.constant 0 : i32
      %dma_wait3A_74 = tpu.memref_slice %arg4[%add3A_4, %dma_wait3A_73] : memref<64x4096xf32, #tpu.memory_space<hbm>> -> memref<1x4096xf32, #tpu.memory_space<hbm>>
      %dma_wait3A_75 = tpu.memref_squeeze %dma_wait3A_74 : memref<1x4096xf32, #tpu.memory_space<hbm>> -> memref<4096xf32, #tpu.memory_space<hbm>>
      tpu.wait_dma2 semaphore(%run_scoped3A : memref<!tpu.dma_semaphore, #tpu.memory_space<semaphore_mem>>) src(%arg8 : memref<4096xf32, #tpu.memory_space<vmem>>) dst(%dma_wait3A_75 : memref<4096xf32, #tpu.memory_space<hbm>>)
      tpu.yield
    }) : () -> ()
    %mul3A_31 = arith.constant 2 : i32
    %mul3A_32 = arith.muli %add3A, %mul3A_31 : i32
    %add3A_33 = arith.constant 1 : i32
    %add3A_34 = arith.addi %mul3A_32, %add3A_33 : i32
    %dma_start3A_35 = arith.constant 0 : i32
    %dma_start3A_36 = tpu.memref_slice %arg2[%add3A_34, %dma_start3A_35] : memref<64x100000xf32, #tpu.memory_space<hbm>> -> memref<1x100000xf32, #tpu.memory_space<hbm>>
    %dma_start3A_37 = tpu.memref_squeeze %dma_start3A_36 : memref<1x100000xf32, #tpu.memory_space<hbm>> -> memref<100000xf32, #tpu.memory_space<hbm>>
    %dma_start3A_38 = arith.constant 0 : i32
    %dma_start3A_39 = tpu.memref_slice %arg2[%add3A_34, %dma_start3A_38] : memref<64x100000xf32, #tpu.memory_space<hbm>> -> memref<1x100000xf32, #tpu.memory_space<hbm>>
    %dma_start3A_40 = tpu.memref_squeeze %dma_start3A_39 : memref<1x100000xf32, #tpu.memory_space<hbm>> -> memref<100000xf32, #tpu.memory_space<hbm>>
    tpu.enqueue_dma source(%dma_start3A_40 : memref<100000xf32, #tpu.memory_space<hbm>>) target(%arg5 : memref<100000xf32, #tpu.memory_space<vmem>>) target_semaphore(%arg9 : memref<!tpu.dma_semaphore, #tpu.memory_space<semaphore_mem>>)
    %dma_start3A_41 = arith.constant 0 : i32
    %dma_start3A_42 = arith.constant 0 : i32
    %dma_start3A_43 = tpu.memref_slice %arg3[%dma_start3A_41, %dma_start3A_42] : memref<20x4096xi32, #tpu.memory_space<hbm>> -> memref<20x512xi32, #tpu.memory_space<hbm>>
    %dma_start3A_44 = arith.constant 0 : i32
    %dma_start3A_45 = arith.constant 0 : i32
    %dma_start3A_46 = tpu.memref_slice %arg3[%dma_start3A_44, %dma_start3A_45] : memref<20x4096xi32, #tpu.memory_space<hbm>> -> memref<20x512xi32, #tpu.memory_space<hbm>>
    tpu.enqueue_dma source(%dma_start3A_46 : memref<20x512xi32, #tpu.memory_space<hbm>>) target(%arg6 : memref<20x512xi32, #tpu.memory_space<vmem>>) target_semaphore(%arg10 : memref<!tpu.dma_semaphore, #tpu.memory_space<semaphore_mem>>)
    %dma_wait3A_47 = arith.constant 0 : i32
    %dma_wait3A_48 = tpu.memref_slice %arg2[%add3A_34, %dma_wait3A_47] : memref<64x100000xf32, #tpu.memory_space<hbm>> -> memref<1x100000xf32, #tpu.memory_space<hbm>>
    %dma_wait3A_49 = tpu.memref_squeeze %dma_wait3A_48 : memref<1x100000xf32, #tpu.memory_space<hbm>> -> memref<100000xf32, #tpu.memory_space<hbm>>
    %dma_wait3A_50 = arith.constant 0 : i32
    %dma_wait3A_51 = tpu.memref_slice %arg2[%add3A_34, %dma_wait3A_50] : memref<64x100000xf32, #tpu.memory_space<hbm>> -> memref<1x100000xf32, #tpu.memory_space<hbm>>
    %dma_wait3A_52 = tpu.memref_squeeze %dma_wait3A_51 : memref<1x100000xf32, #tpu.memory_space<hbm>> -> memref<100000xf32, #tpu.memory_space<hbm>>
    tpu.wait_dma2 semaphore(%arg9 : memref<!tpu.dma_semaphore, #tpu.memory_space<semaphore_mem>>) src(%dma_wait3A_52 : memref<100000xf32, #tpu.memory_space<hbm>>) dst(%arg5 : memref<100000xf32, #tpu.memory_space<vmem>>)
    %scan3A_53 = arith.constant 0 : i32
    %scan3A_54 = arith.constant 4 : i32
    %scan3A_55 = arith.addi %scan3A_53, %scan3A_54 : i32
    %scan3A_56 = arith.constant 1 : i32
    scf.for %scan3A_64 = %scan3A_53 to %scan3A_55 step %scan3A_56  : i32 {
      %mul3A_65 = arith.constant 2 : i32
      %mul3A_66 = arith.muli %scan3A_64, %mul3A_65 : i32
      %add3A_67 = arith.constant 0 : i32
      %add3A_68 = arith.addi %add3A_67, %mul3A_66 : i32
      %add3A_69 = arith.constant 1 : i32
      %add3A_70 = arith.addi %add3A_68, %add3A_69 : i32
      %jit3A = arith.constant 8 : i32
      %eq3A = arith.constant 0 : i32
      %eq3A_71 = arith.cmpi eq, %jit3A, %eq3A : i32
      %jit3A_72 = arith.constant 1 : i32
      %select_n3A = arith.select %eq3A_71, %jit3A_72, %jit3A : i32
      %rem3A = arith.remsi %add3A_70, %select_n3A : i32
      %ne3A = arith.constant 0 : i32
      %ne3A_73 = arith.cmpi ne, %rem3A, %ne3A : i32
      %lt3A = arith.constant 0 : i32
      %lt3A_74 = arith.cmpi slt, %rem3A, %lt3A : i32
      %lt3A_75 = arith.constant 0 : i32
      %lt3A_76 = arith.cmpi slt, %select_n3A, %lt3A_75 : i32
      %ne3A_77 = arith.xori %lt3A_74, %lt3A_76 : i1
      %and3A = arith.andi %ne3A_77, %ne3A_73 : i1
      %add3A_78 = arith.addi %rem3A, %select_n3A : i32
      %select_n3A_79 = arith.select %and3A, %add3A_78, %rem3A : i32
      %mul3A_80 = arith.constant 512 : i32
      %mul3A_81 = arith.muli %select_n3A_79, %mul3A_80 : i32
      %dma_start3A_82 = arith.constant 0 : i32
      %dma_start3A_83 = tpu.memref_slice %arg3[%dma_start3A_82, %mul3A_81] : memref<20x4096xi32, #tpu.memory_space<hbm>> -> memref<20x512xi32, #tpu.memory_space<hbm>>
      %dma_start3A_84 = arith.constant 0 : i32
      %dma_start3A_85 = tpu.memref_slice %arg3[%dma_start3A_84, %mul3A_81] : memref<20x4096xi32, #tpu.memory_space<hbm>> -> memref<20x512xi32, #tpu.memory_space<hbm>>
      tpu.enqueue_dma source(%dma_start3A_85 : memref<20x512xi32, #tpu.memory_space<hbm>>) target(%arg7 : memref<20x512xi32, #tpu.memory_space<vmem>>) target_semaphore(%arg11 : memref<!tpu.dma_semaphore, #tpu.memory_space<semaphore_mem>>)
      %dma_wait3A_86 = arith.constant 0 : i32
      %dma_wait3A_87 = arith.constant 0 : i32
      %dma_wait3A_88 = tpu.memref_slice %arg3[%dma_wait3A_86, %dma_wait3A_87] : memref<20x4096xi32, #tpu.memory_space<hbm>> -> memref<20x512xi32, #tpu.memory_space<hbm>>
      %dma_wait3A_89 = arith.constant 0 : i32
      %dma_wait3A_90 = arith.constant 0 : i32
      %dma_wait3A_91 = tpu.memref_slice %arg3[%dma_wait3A_89, %dma_wait3A_90] : memref<20x4096xi32, #tpu.memory_space<hbm>> -> memref<20x512xi32, #tpu.memory_space<hbm>>
      tpu.wait_dma2 semaphore(%arg10 : memref<!tpu.dma_semaphore, #tpu.memory_space<semaphore_mem>>) src(%dma_wait3A_91 : memref<20x512xi32, #tpu.memory_space<hbm>>) dst(%arg6 : memref<20x512xi32, #tpu.memory_space<vmem>>)
      %mul3A_92 = arith.constant 512 : i32
      %mul3A_93 = arith.muli %add3A_68, %mul3A_92 : i32
      %parallel_loop3A = arith.constant 0 : i32
      %parallel_loop3A_94 = arith.constant 32 : i32
      %parallel_loop3A_95 = arith.constant 1 : i32
      scf.for %parallel_loop3A_151 = %parallel_loop3A to %parallel_loop3A_94 step %parallel_loop3A_95  : i32 {
        %parallel_loop3A_152 = arith.constant 16 : i32
        %parallel_loop3A_153 = arith.muli %parallel_loop3A_151, %parallel_loop3A_152 : i32
        %parallel_loop3A_154 = arith.constant 0 : i32
        %parallel_loop3A_155 = arith.index_cast %parallel_loop3A_154 : i32 to index
        %parallel_loop3A_156 = arith.index_cast %parallel_loop3A_153 : i32 to index
        %parallel_loop3A_157 = tpu.vector_load %arg6[%parallel_loop3A_155, %parallel_loop3A_156] {strides = array<i32>} : memref<20x512xi32, #tpu.memory_space<vmem>>, vector<16xi32>,
        %parallel_loop3A_158 = tpu.vector_load_idx %arg5[%parallel_loop3A_157] : memref<100000xf32, #tpu.memory_space<vmem>>[vector<16xi32>], vector<16xf32>,
        %parallel_loop3A_159 = arith.constant 1 : i32
        %parallel_loop3A_160 = arith.index_cast %parallel_loop3A_159 : i32 to index
        %parallel_loop3A_161 = arith.index_cast %parallel_loop3A_153 : i32 to index
        %parallel_loop3A_162 = tpu.vector_load %arg6[%parallel_loop3A_160, %parallel_loop3A_161] {strides = array<i32>} : memref<20x512xi32, #tpu.memory_space<vmem>>, vector<16xi32>,
        %parallel_loop3A_163 = tpu.vector_load_idx %arg5[%parallel_loop3A_162] : memref<100000xf32, #tpu.memory_space<vmem>>[vector<16xi32>], vector<16xf32>,
        %parallel_loop3A_164 = arith.constant 2 : i32
        %parallel_loop3A_165 = arith.index_cast %parallel_loop3A_164 : i32 to index
        %parallel_loop3A_166 = arith.index_cast %parallel_loop3A_153 : i32 to index
        %parallel_loop3A_167 = tpu.vector_load %arg6[%parallel_loop3A_165, %parallel_loop3A_166] {strides = array<i32>} : memref<20x512xi32, #tpu.memory_space<vmem>>, vector<16xi32>,
        %parallel_loop3A_168 = tpu.vector_load_idx %arg5[%parallel_loop3A_167] : memref<100000xf32, #tpu.memory_space<vmem>>[vector<16xi32>], vector<16xf32>,
        %parallel_loop3A_169 = arith.addf %parallel_loop3A_158, %parallel_loop3A_168 : vector<16xf32>
        %parallel_loop3A_170 = arith.constant 3 : i32
        %parallel_loop3A_171 = arith.index_cast %parallel_loop3A_170 : i32 to index
        %parallel_loop3A_172 = arith.index_cast %parallel_loop3A_153 : i32 to index
        %parallel_loop3A_173 = tpu.vector_load %arg6[%parallel_loop3A_171, %parallel_loop3A_172] {strides = array<i32>} : memref<20x512xi32, #tpu.memory_space<vmem>>, vector<16xi32>,
        %parallel_loop3A_174 = tpu.vector_load_idx %arg5[%parallel_loop3A_173] : memref<100000xf32, #tpu.memory_space<vmem>>[vector<16xi32>], vector<16xf32>,
        %parallel_loop3A_175 = arith.addf %parallel_loop3A_163, %parallel_loop3A_174 : vector<16xf32>
        %parallel_loop3A_176 = arith.constant 4 : i32
        %parallel_loop3A_177 = arith.index_cast %parallel_loop3A_176 : i32 to index
        %parallel_loop3A_178 = arith.index_cast %parallel_loop3A_153 : i32 to index
        %parallel_loop3A_179 = tpu.vector_load %arg6[%parallel_loop3A_177, %parallel_loop3A_178] {strides = array<i32>} : memref<20x512xi32, #tpu.memory_space<vmem>>, vector<16xi32>,
        %parallel_loop3A_180 = tpu.vector_load_idx %arg5[%parallel_loop3A_179] : memref<100000xf32, #tpu.memory_space<vmem>>[vector<16xi32>], vector<16xf32>,
        %parallel_loop3A_181 = arith.addf %parallel_loop3A_169, %parallel_loop3A_180 : vector<16xf32>
        %parallel_loop3A_182 = arith.constant 5 : i32
        %parallel_loop3A_183 = arith.index_cast %parallel_loop3A_182 : i32 to index
        %parallel_loop3A_184 = arith.index_cast %parallel_loop3A_153 : i32 to index
        %parallel_loop3A_185 = tpu.vector_load %arg6[%parallel_loop3A_183, %parallel_loop3A_184] {strides = array<i32>} : memref<20x512xi32, #tpu.memory_space<vmem>>, vector<16xi32>,
        %parallel_loop3A_186 = tpu.vector_load_idx %arg5[%parallel_loop3A_185] : memref<100000xf32, #tpu.memory_space<vmem>>[vector<16xi32>], vector<16xf32>,
        %parallel_loop3A_187 = arith.addf %parallel_loop3A_175, %parallel_loop3A_186 : vector<16xf32>
        %parallel_loop3A_188 = arith.constant 6 : i32
        %parallel_loop3A_189 = arith.index_cast %parallel_loop3A_188 : i32 to index
        %parallel_loop3A_190 = arith.index_cast %parallel_loop3A_153 : i32 to index
        %parallel_loop3A_191 = tpu.vector_load %arg6[%parallel_loop3A_189, %parallel_loop3A_190] {strides = array<i32>} : memref<20x512xi32, #tpu.memory_space<vmem>>, vector<16xi32>,
        %parallel_loop3A_192 = tpu.vector_load_idx %arg5[%parallel_loop3A_191] : memref<100000xf32, #tpu.memory_space<vmem>>[vector<16xi32>], vector<16xf32>,
        %parallel_loop3A_193 = arith.addf %parallel_loop3A_181, %parallel_loop3A_192 : vector<16xf32>
        %parallel_loop3A_194 = arith.constant 7 : i32
        %parallel_loop3A_195 = arith.index_cast %parallel_loop3A_194 : i32 to index
        %parallel_loop3A_196 = arith.index_cast %parallel_loop3A_153 : i32 to index
        %parallel_loop3A_197 = tpu.vector_load %arg6[%parallel_loop3A_195, %parallel_loop3A_196] {strides = array<i32>} : memref<20x512xi32, #tpu.memory_space<vmem>>, vector<16xi32>,
        %parallel_loop3A_198 = tpu.vector_load_idx %arg5[%parallel_loop3A_197] : memref<100000xf32, #tpu.memory_space<vmem>>[vector<16xi32>], vector<16xf32>,
        %parallel_loop3A_199 = arith.addf %parallel_loop3A_187, %parallel_loop3A_198 : vector<16xf32>
        %parallel_loop3A_200 = arith.constant 8 : i32
        %parallel_loop3A_201 = arith.index_cast %parallel_loop3A_200 : i32 to index
        %parallel_loop3A_202 = arith.index_cast %parallel_loop3A_153 : i32 to index
        %parallel_loop3A_203 = tpu.vector_load %arg6[%parallel_loop3A_201, %parallel_loop3A_202] {strides = array<i32>} : memref<20x512xi32, #tpu.memory_space<vmem>>, vector<16xi32>,
        %parallel_loop3A_204 = tpu.vector_load_idx %arg5[%parallel_loop3A_203] : memref<100000xf32, #tpu.memory_space<vmem>>[vector<16xi32>], vector<16xf32>,
        %parallel_loop3A_205 = arith.addf %parallel_loop3A_193, %parallel_loop3A_204 : vector<16xf32>
        %parallel_loop3A_206 = arith.constant 9 : i32
        %parallel_loop3A_207 = arith.index_cast %parallel_loop3A_206 : i32 to index
        %parallel_loop3A_208 = arith.index_cast %parallel_loop3A_153 : i32 to index
        %parallel_loop3A_209 = tpu.vector_load %arg6[%parallel_loop3A_207, %parallel_loop3A_208] {strides = array<i32>} : memref<20x512xi32, #tpu.memory_space<vmem>>, vector<16xi32>,
        %parallel_loop3A_210 = tpu.vector_load_idx %arg5[%parallel_loop3A_209] : memref<100000xf32, #tpu.memory_space<vmem>>[vector<16xi32>], vector<16xf32>,
        %parallel_loop3A_211 = arith.addf %parallel_loop3A_199, %parallel_loop3A_210 : vector<16xf32>
        %parallel_loop3A_212 = arith.constant 10 : i32
        %parallel_loop3A_213 = arith.index_cast %parallel_loop3A_212 : i32 to index
        %parallel_loop3A_214 = arith.index_cast %parallel_loop3A_153 : i32 to index
        %parallel_loop3A_215 = tpu.vector_load %arg6[%parallel_loop3A_213, %parallel_loop3A_214] {strides = array<i32>} : memref<20x512xi32, #tpu.memory_space<vmem>>, vector<16xi32>,
        %parallel_loop3A_216 = tpu.vector_load_idx %arg5[%parallel_loop3A_215] : memref<100000xf32, #tpu.memory_space<vmem>>[vector<16xi32>], vector<16xf32>,
        %parallel_loop3A_217 = arith.addf %parallel_loop3A_205, %parallel_loop3A_216 : vector<16xf32>
        %parallel_loop3A_218 = arith.constant 11 : i32
        %parallel_loop3A_219 = arith.index_cast %parallel_loop3A_218 : i32 to index
        %parallel_loop3A_220 = arith.index_cast %parallel_loop3A_153 : i32 to index
        %parallel_loop3A_221 = tpu.vector_load %arg6[%parallel_loop3A_219, %parallel_loop3A_220] {strides = array<i32>} : memref<20x512xi32, #tpu.memory_space<vmem>>, vector<16xi32>,
        %parallel_loop3A_222 = tpu.vector_load_idx %arg5[%parallel_loop3A_221] : memref<100000xf32, #tpu.memory_space<vmem>>[vector<16xi32>], vector<16xf32>,
        %parallel_loop3A_223 = arith.addf %parallel_loop3A_211, %parallel_loop3A_222 : vector<16xf32>
        %parallel_loop3A_224 = arith.constant 12 : i32
        %parallel_loop3A_225 = arith.index_cast %parallel_loop3A_224 : i32 to index
        %parallel_loop3A_226 = arith.index_cast %parallel_loop3A_153 : i32 to index
        %parallel_loop3A_227 = tpu.vector_load %arg6[%parallel_loop3A_225, %parallel_loop3A_226] {strides = array<i32>} : memref<20x512xi32, #tpu.memory_space<vmem>>, vector<16xi32>,
        %parallel_loop3A_228 = tpu.vector_load_idx %arg5[%parallel_loop3A_227] : memref<100000xf32, #tpu.memory_space<vmem>>[vector<16xi32>], vector<16xf32>,
        %parallel_loop3A_229 = arith.addf %parallel_loop3A_217, %parallel_loop3A_228 : vector<16xf32>
        %parallel_loop3A_230 = arith.constant 13 : i32
        %parallel_loop3A_231 = arith.index_cast %parallel_loop3A_230 : i32 to index
        %parallel_loop3A_232 = arith.index_cast %parallel_loop3A_153 : i32 to index
        %parallel_loop3A_233 = tpu.vector_load %arg6[%parallel_loop3A_231, %parallel_loop3A_232] {strides = array<i32>} : memref<20x512xi32, #tpu.memory_space<vmem>>, vector<16xi32>,
        %parallel_loop3A_234 = tpu.vector_load_idx %arg5[%parallel_loop3A_233] : memref<100000xf32, #tpu.memory_space<vmem>>[vector<16xi32>], vector<16xf32>,
        %parallel_loop3A_235 = arith.addf %parallel_loop3A_223, %parallel_loop3A_234 : vector<16xf32>
        %parallel_loop3A_236 = arith.constant 14 : i32
        %parallel_loop3A_237 = arith.index_cast %parallel_loop3A_236 : i32 to index
        %parallel_loop3A_238 = arith.index_cast %parallel_loop3A_153 : i32 to index
        %parallel_loop3A_239 = tpu.vector_load %arg6[%parallel_loop3A_237, %parallel_loop3A_238] {strides = array<i32>} : memref<20x512xi32, #tpu.memory_space<vmem>>, vector<16xi32>,
        %parallel_loop3A_240 = tpu.vector_load_idx %arg5[%parallel_loop3A_239] : memref<100000xf32, #tpu.memory_space<vmem>>[vector<16xi32>], vector<16xf32>,
        %parallel_loop3A_241 = arith.addf %parallel_loop3A_229, %parallel_loop3A_240 : vector<16xf32>
        %parallel_loop3A_242 = arith.constant 15 : i32
        %parallel_loop3A_243 = arith.index_cast %parallel_loop3A_242 : i32 to index
        %parallel_loop3A_244 = arith.index_cast %parallel_loop3A_153 : i32 to index
        %parallel_loop3A_245 = tpu.vector_load %arg6[%parallel_loop3A_243, %parallel_loop3A_244] {strides = array<i32>} : memref<20x512xi32, #tpu.memory_space<vmem>>, vector<16xi32>,
        %parallel_loop3A_246 = tpu.vector_load_idx %arg5[%parallel_loop3A_245] : memref<100000xf32, #tpu.memory_space<vmem>>[vector<16xi32>], vector<16xf32>,
        %parallel_loop3A_247 = arith.addf %parallel_loop3A_235, %parallel_loop3A_246 : vector<16xf32>
        %parallel_loop3A_248 = arith.constant 16 : i32
        %parallel_loop3A_249 = arith.index_cast %parallel_loop3A_248 : i32 to index
        %parallel_loop3A_250 = arith.index_cast %parallel_loop3A_153 : i32 to index
        %parallel_loop3A_251 = tpu.vector_load %arg6[%parallel_loop3A_249, %parallel_loop3A_250] {strides = array<i32>} : memref<20x512xi32, #tpu.memory_space<vmem>>, vector<16xi32>,
        %parallel_loop3A_252 = tpu.vector_load_idx %arg5[%parallel_loop3A_251] : memref<100000xf32, #tpu.memory_space<vmem>>[vector<16xi32>], vector<16xf32>,
        %parallel_loop3A_253 = arith.addf %parallel_loop3A_241, %parallel_loop3A_252 : vector<16xf32>
        %parallel_loop3A_254 = arith.constant 17 : i32
        %parallel_loop3A_255 = arith.index_cast %parallel_loop3A_254 : i32 to index
        %parallel_loop3A_256 = arith.index_cast %parallel_loop3A_153 : i32 to index
        %parallel_loop3A_257 = tpu.vector_load %arg6[%parallel_loop3A_255, %parallel_loop3A_256] {strides = array<i32>} : memref<20x512xi32, #tpu.memory_space<vmem>>, vector<16xi32>,
        %parallel_loop3A_258 = tpu.vector_load_idx %arg5[%parallel_loop3A_257] : memref<100000xf32, #tpu.memory_space<vmem>>[vector<16xi32>], vector<16xf32>,
        %parallel_loop3A_259 = arith.addf %parallel_loop3A_247, %parallel_loop3A_258 : vector<16xf32>
        %parallel_loop3A_260 = arith.constant 18 : i32
        %parallel_loop3A_261 = arith.index_cast %parallel_loop3A_260 : i32 to index
        %parallel_loop3A_262 = arith.index_cast %parallel_loop3A_153 : i32 to index
        %parallel_loop3A_263 = tpu.vector_load %arg6[%parallel_loop3A_261, %parallel_loop3A_262] {strides = array<i32>} : memref<20x512xi32, #tpu.memory_space<vmem>>, vector<16xi32>,
        %parallel_loop3A_264 = tpu.vector_load_idx %arg5[%parallel_loop3A_263] : memref<100000xf32, #tpu.memory_space<vmem>>[vector<16xi32>], vector<16xf32>,
        %parallel_loop3A_265 = arith.addf %parallel_loop3A_253, %parallel_loop3A_264 : vector<16xf32>
        %parallel_loop3A_266 = arith.constant 19 : i32
        %parallel_loop3A_267 = arith.index_cast %parallel_loop3A_266 : i32 to index
        %parallel_loop3A_268 = arith.index_cast %parallel_loop3A_153 : i32 to index
        %parallel_loop3A_269 = tpu.vector_load %arg6[%parallel_loop3A_267, %parallel_loop3A_268] {strides = array<i32>} : memref<20x512xi32, #tpu.memory_space<vmem>>, vector<16xi32>,
        %parallel_loop3A_270 = tpu.vector_load_idx %arg5[%parallel_loop3A_269] : memref<100000xf32, #tpu.memory_space<vmem>>[vector<16xi32>], vector<16xf32>,
        %parallel_loop3A_271 = arith.addf %parallel_loop3A_259, %parallel_loop3A_270 : vector<16xf32>
        %parallel_loop3A_272 = arith.addf %parallel_loop3A_265, %parallel_loop3A_271 : vector<16xf32>
        %parallel_loop3A_273 = arith.constant 5.000000e-02 : f32
        %parallel_loop3A_274 = vector.broadcast %parallel_loop3A_273 : f32 to vector<16xf32>
        %parallel_loop3A_275 = arith.mulf %parallel_loop3A_272, %parallel_loop3A_274 : vector<16xf32>
        %parallel_loop3A_276 = arith.constant 16 : i32
        %parallel_loop3A_277 = arith.muli %parallel_loop3A_151, %parallel_loop3A_276 : i32
        %parallel_loop3A_278 = arith.addi %mul3A_93, %parallel_loop3A_277 : i32
        %parallel_loop3A_279 = arith.index_cast %parallel_loop3A_278 : i32 to index
        %parallel_loop3A_280 = tpu.vector_load %arg8[%parallel_loop3A_279] {strides = array<i32>} : memref<4096xf32, #tpu.memory_space<vmem>>, vector<16xf32>,
        tpu.vector_store %arg8[%parallel_loop3A_279], %parallel_loop3A_275 {strides = array<i32>} : memref<4096xf32, #tpu.memory_space<vmem>>, vector<16xf32>,
      } {sc.loop_unroll_factor = 2 : i64, sc.parallel_access}
      %add3A_96 = arith.constant 2 : i32
      %add3A_97 = arith.addi %add3A_68, %add3A_96 : i32
      %jit3A_98 = arith.constant 8 : i32
      %eq3A_99 = arith.constant 0 : i32
      %eq3A_100 = arith.cmpi eq, %jit3A_98, %eq3A_99 : i32
      %jit3A_101 = arith.constant 1 : i32
      %select_n3A_102 = arith.select %eq3A_100, %jit3A_101, %jit3A_98 : i32
      %rem3A_103 = arith.remsi %add3A_97, %select_n3A_102 : i32
      %ne3A_104 = arith.constant 0 : i32
      %ne3A_105 = arith.cmpi ne, %rem3A_103, %ne3A_104 : i32
      %lt3A_106 = arith.constant 0 : i32
      %lt3A_107 = arith.cmpi slt, %rem3A_103, %lt3A_106 : i32
      %lt3A_108 = arith.constant 0 : i32
      %lt3A_109 = arith.cmpi slt, %select_n3A_102, %lt3A_108 : i32
      %ne3A_110 = arith.xori %lt3A_107, %lt3A_109 : i1
      %and3A_111 = arith.andi %ne3A_110, %ne3A_105 : i1
      %add3A_112 = arith.addi %rem3A_103, %select_n3A_102 : i32
      %select_n3A_113 = arith.select %and3A_111, %add3A_112, %rem3A_103 : i32
      %mul3A_114 = arith.constant 512 : i32
      %mul3A_115 = arith.muli %select_n3A_113, %mul3A_114 : i32
      %dma_start3A_116 = arith.constant 0 : i32
      %dma_start3A_117 = tpu.memref_slice %arg3[%dma_start3A_116, %mul3A_115] : memref<20x4096xi32, #tpu.memory_space<hbm>> -> memref<20x512xi32, #tpu.memory_space<hbm>>
      %dma_start3A_118 = arith.constant 0 : i32
      %dma_start3A_119 = tpu.memref_slice %arg3[%dma_start3A_118, %mul3A_115] : memref<20x4096xi32, #tpu.memory_space<hbm>> -> memref<20x512xi32, #tpu.memory_space<hbm>>
      tpu.enqueue_dma source(%dma_start3A_119 : memref<20x512xi32, #tpu.memory_space<hbm>>) target(%arg6 : memref<20x512xi32, #tpu.memory_space<vmem>>) target_semaphore(%arg10 : memref<!tpu.dma_semaphore, #tpu.memory_space<semaphore_mem>>)
      %add3A_120 = arith.constant 1 : i32
      %add3A_121 = arith.addi %add3A_68, %add3A_120 : i32
      %jit3A_122 = arith.constant 8 : i32
      %eq3A_123 = arith.constant 0 : i32
      %eq3A_124 = arith.cmpi eq, %jit3A_122, %eq3A_123 : i32
      %jit3A_125 = arith.constant 1 : i32
      %select_n3A_126 = arith.select %eq3A_124, %jit3A_125, %jit3A_122 : i32
      %rem3A_127 = arith.remsi %add3A_121, %select_n3A_126 : i32
      %ne3A_128 = arith.constant 0 : i32
      %ne3A_129 = arith.cmpi ne, %rem3A_127, %ne3A_128 : i32
      %lt3A_130 = arith.constant 0 : i32
      %lt3A_131 = arith.cmpi slt, %rem3A_127, %lt3A_130 : i32
      %lt3A_132 = arith.constant 0 : i32
      %lt3A_133 = arith.cmpi slt, %select_n3A_126, %lt3A_132 : i32
      %ne3A_134 = arith.xori %lt3A_131, %lt3A_133 : i1
      %and3A_135 = arith.andi %ne3A_134, %ne3A_129 : i1
      %add3A_136 = arith.addi %rem3A_127, %select_n3A_126 : i32
      %select_n3A_137 = arith.select %and3A_135, %add3A_136, %rem3A_127 : i32
      %mul3A_138 = arith.constant 512 : i32
      %mul3A_139 = arith.muli %select_n3A_137, %mul3A_138 : i32
      %dma_wait3A_140 = arith.constant 0 : i32
      %dma_wait3A_141 = tpu.memref_slice %arg3[%dma_wait3A_140, %mul3A_139] : memref<20x4096xi32, #tpu.memory_space<hbm>> -> memref<20x512xi32, #tpu.memory_space<hbm>>
      %dma_wait3A_142 = arith.constant 0 : i32
      %dma_wait3A_143 = tpu.memref_slice %arg3[%dma_wait3A_142, %mul3A_139] : memref<20x4096xi32, #tpu.memory_space<hbm>> -> memref<20x512xi32, #tpu.memory_space<hbm>>
      tpu.wait_dma2 semaphore(%arg11 : memref<!tpu.dma_semaphore, #tpu.memory_space<semaphore_mem>>) src(%dma_wait3A_143 : memref<20x512xi32, #tpu.memory_space<hbm>>) dst(%arg7 : memref<20x512xi32, #tpu.memory_space<vmem>>)
      %add3A_144 = arith.constant 1 : i32
      %add3A_145 = arith.addi %add3A_68, %add3A_144 : i32
      %mul3A_146 = arith.constant 512 : i32
      %mul3A_147 = arith.muli %add3A_145, %mul3A_146 : i32
      %parallel_loop3A_148 = arith.constant 0 : i32
      %parallel_loop3A_149 = arith.constant 32 : i32
      %parallel_loop3A_150 = arith.constant 1 : i32
      scf.for %parallel_loop3A_151 = %parallel_loop3A_148 to %parallel_loop3A_149 step %parallel_loop3A_150  : i32 {
        %parallel_loop3A_152 = arith.constant 16 : i32
        %parallel_loop3A_153 = arith.muli %parallel_loop3A_151, %parallel_loop3A_152 : i32
        %parallel_loop3A_154 = arith.constant 0 : i32
        %parallel_loop3A_155 = arith.index_cast %parallel_loop3A_154 : i32 to index
        %parallel_loop3A_156 = arith.index_cast %parallel_loop3A_153 : i32 to index
        %parallel_loop3A_157 = tpu.vector_load %arg7[%parallel_loop3A_155, %parallel_loop3A_156] {strides = array<i32>} : memref<20x512xi32, #tpu.memory_space<vmem>>, vector<16xi32>,
        %parallel_loop3A_158 = tpu.vector_load_idx %arg5[%parallel_loop3A_157] : memref<100000xf32, #tpu.memory_space<vmem>>[vector<16xi32>], vector<16xf32>,
        %parallel_loop3A_159 = arith.constant 1 : i32
        %parallel_loop3A_160 = arith.index_cast %parallel_loop3A_159 : i32 to index
        %parallel_loop3A_161 = arith.index_cast %parallel_loop3A_153 : i32 to index
        %parallel_loop3A_162 = tpu.vector_load %arg7[%parallel_loop3A_160, %parallel_loop3A_161] {strides = array<i32>} : memref<20x512xi32, #tpu.memory_space<vmem>>, vector<16xi32>,
        %parallel_loop3A_163 = tpu.vector_load_idx %arg5[%parallel_loop3A_162] : memref<100000xf32, #tpu.memory_space<vmem>>[vector<16xi32>], vector<16xf32>,
        %parallel_loop3A_164 = arith.constant 2 : i32
        %parallel_loop3A_165 = arith.index_cast %parallel_loop3A_164 : i32 to index
        %parallel_loop3A_166 = arith.index_cast %parallel_loop3A_153 : i32 to index
        %parallel_loop3A_167 = tpu.vector_load %arg7[%parallel_loop3A_165, %parallel_loop3A_166] {strides = array<i32>} : memref<20x512xi32, #tpu.memory_space<vmem>>, vector<16xi32>,
        %parallel_loop3A_168 = tpu.vector_load_idx %arg5[%parallel_loop3A_167] : memref<100000xf32, #tpu.memory_space<vmem>>[vector<16xi32>], vector<16xf32>,
        %parallel_loop3A_169 = arith.addf %parallel_loop3A_158, %parallel_loop3A_168 : vector<16xf32>
        %parallel_loop3A_170 = arith.constant 3 : i32
        %parallel_loop3A_171 = arith.index_cast %parallel_loop3A_170 : i32 to index
        %parallel_loop3A_172 = arith.index_cast %parallel_loop3A_153 : i32 to index
        %parallel_loop3A_173 = tpu.vector_load %arg7[%parallel_loop3A_171, %parallel_loop3A_172] {strides = array<i32>} : memref<20x512xi32, #tpu.memory_space<vmem>>, vector<16xi32>,
        %parallel_loop3A_174 = tpu.vector_load_idx %arg5[%parallel_loop3A_173] : memref<100000xf32, #tpu.memory_space<vmem>>[vector<16xi32>], vector<16xf32>,
        %parallel_loop3A_175 = arith.addf %parallel_loop3A_163, %parallel_loop3A_174 : vector<16xf32>
        %parallel_loop3A_176 = arith.constant 4 : i32
        %parallel_loop3A_177 = arith.index_cast %parallel_loop3A_176 : i32 to index
        %parallel_loop3A_178 = arith.index_cast %parallel_loop3A_153 : i32 to index
        %parallel_loop3A_179 = tpu.vector_load %arg7[%parallel_loop3A_177, %parallel_loop3A_178] {strides = array<i32>} : memref<20x512xi32, #tpu.memory_space<vmem>>, vector<16xi32>,
        %parallel_loop3A_180 = tpu.vector_load_idx %arg5[%parallel_loop3A_179] : memref<100000xf32, #tpu.memory_space<vmem>>[vector<16xi32>], vector<16xf32>,
        %parallel_loop3A_181 = arith.addf %parallel_loop3A_169, %parallel_loop3A_180 : vector<16xf32>
        %parallel_loop3A_182 = arith.constant 5 : i32
        %parallel_loop3A_183 = arith.index_cast %parallel_loop3A_182 : i32 to index
        %parallel_loop3A_184 = arith.index_cast %parallel_loop3A_153 : i32 to index
        %parallel_loop3A_185 = tpu.vector_load %arg7[%parallel_loop3A_183, %parallel_loop3A_184] {strides = array<i32>} : memref<20x512xi32, #tpu.memory_space<vmem>>, vector<16xi32>,
        %parallel_loop3A_186 = tpu.vector_load_idx %arg5[%parallel_loop3A_185] : memref<100000xf32, #tpu.memory_space<vmem>>[vector<16xi32>], vector<16xf32>,
        %parallel_loop3A_187 = arith.addf %parallel_loop3A_175, %parallel_loop3A_186 : vector<16xf32>
        %parallel_loop3A_188 = arith.constant 6 : i32
        %parallel_loop3A_189 = arith.index_cast %parallel_loop3A_188 : i32 to index
        %parallel_loop3A_190 = arith.index_cast %parallel_loop3A_153 : i32 to index
        %parallel_loop3A_191 = tpu.vector_load %arg7[%parallel_loop3A_189, %parallel_loop3A_190] {strides = array<i32>} : memref<20x512xi32, #tpu.memory_space<vmem>>, vector<16xi32>,
        %parallel_loop3A_192 = tpu.vector_load_idx %arg5[%parallel_loop3A_191] : memref<100000xf32, #tpu.memory_space<vmem>>[vector<16xi32>], vector<16xf32>,
        %parallel_loop3A_193 = arith.addf %parallel_loop3A_181, %parallel_loop3A_192 : vector<16xf32>
        %parallel_loop3A_194 = arith.constant 7 : i32
        %parallel_loop3A_195 = arith.index_cast %parallel_loop3A_194 : i32 to index
        %parallel_loop3A_196 = arith.index_cast %parallel_loop3A_153 : i32 to index
        %parallel_loop3A_197 = tpu.vector_load %arg7[%parallel_loop3A_195, %parallel_loop3A_196] {strides = array<i32>} : memref<20x512xi32, #tpu.memory_space<vmem>>, vector<16xi32>,
        %parallel_loop3A_198 = tpu.vector_load_idx %arg5[%parallel_loop3A_197] : memref<100000xf32, #tpu.memory_space<vmem>>[vector<16xi32>], vector<16xf32>,
        %parallel_loop3A_199 = arith.addf %parallel_loop3A_187, %parallel_loop3A_198 : vector<16xf32>
        %parallel_loop3A_200 = arith.constant 8 : i32
        %parallel_loop3A_201 = arith.index_cast %parallel_loop3A_200 : i32 to index
        %parallel_loop3A_202 = arith.index_cast %parallel_loop3A_153 : i32 to index
        %parallel_loop3A_203 = tpu.vector_load %arg7[%parallel_loop3A_201, %parallel_loop3A_202] {strides = array<i32>} : memref<20x512xi32, #tpu.memory_space<vmem>>, vector<16xi32>,
        %parallel_loop3A_204 = tpu.vector_load_idx %arg5[%parallel_loop3A_203] : memref<100000xf32, #tpu.memory_space<vmem>>[vector<16xi32>], vector<16xf32>,
        %parallel_loop3A_205 = arith.addf %parallel_loop3A_193, %parallel_loop3A_204 : vector<16xf32>
        %parallel_loop3A_206 = arith.constant 9 : i32
        %parallel_loop3A_207 = arith.index_cast %parallel_loop3A_206 : i32 to index
        %parallel_loop3A_208 = arith.index_cast %parallel_loop3A_153 : i32 to index
        %parallel_loop3A_209 = tpu.vector_load %arg7[%parallel_loop3A_207, %parallel_loop3A_208] {strides = array<i32>} : memref<20x512xi32, #tpu.memory_space<vmem>>, vector<16xi32>,
        %parallel_loop3A_210 = tpu.vector_load_idx %arg5[%parallel_loop3A_209] : memref<100000xf32, #tpu.memory_space<vmem>>[vector<16xi32>], vector<16xf32>,
        %parallel_loop3A_211 = arith.addf %parallel_loop3A_199, %parallel_loop3A_210 : vector<16xf32>
        %parallel_loop3A_212 = arith.constant 10 : i32
        %parallel_loop3A_213 = arith.index_cast %parallel_loop3A_212 : i32 to index
        %parallel_loop3A_214 = arith.index_cast %parallel_loop3A_153 : i32 to index
        %parallel_loop3A_215 = tpu.vector_load %arg7[%parallel_loop3A_213, %parallel_loop3A_214] {strides = array<i32>} : memref<20x512xi32, #tpu.memory_space<vmem>>, vector<16xi32>,
        %parallel_loop3A_216 = tpu.vector_load_idx %arg5[%parallel_loop3A_215] : memref<100000xf32, #tpu.memory_space<vmem>>[vector<16xi32>], vector<16xf32>,
        %parallel_loop3A_217 = arith.addf %parallel_loop3A_205, %parallel_loop3A_216 : vector<16xf32>
        %parallel_loop3A_218 = arith.constant 11 : i32
        %parallel_loop3A_219 = arith.index_cast %parallel_loop3A_218 : i32 to index
        %parallel_loop3A_220 = arith.index_cast %parallel_loop3A_153 : i32 to index
        %parallel_loop3A_221 = tpu.vector_load %arg7[%parallel_loop3A_219, %parallel_loop3A_220] {strides = array<i32>} : memref<20x512xi32, #tpu.memory_space<vmem>>, vector<16xi32>,
        %parallel_loop3A_222 = tpu.vector_load_idx %arg5[%parallel_loop3A_221] : memref<100000xf32, #tpu.memory_space<vmem>>[vector<16xi32>], vector<16xf32>,
        %parallel_loop3A_223 = arith.addf %parallel_loop3A_211, %parallel_loop3A_222 : vector<16xf32>
        %parallel_loop3A_224 = arith.constant 12 : i32
        %parallel_loop3A_225 = arith.index_cast %parallel_loop3A_224 : i32 to index
        %parallel_loop3A_226 = arith.index_cast %parallel_loop3A_153 : i32 to index
        %parallel_loop3A_227 = tpu.vector_load %arg7[%parallel_loop3A_225, %parallel_loop3A_226] {strides = array<i32>} : memref<20x512xi32, #tpu.memory_space<vmem>>, vector<16xi32>,
        %parallel_loop3A_228 = tpu.vector_load_idx %arg5[%parallel_loop3A_227] : memref<100000xf32, #tpu.memory_space<vmem>>[vector<16xi32>], vector<16xf32>,
        %parallel_loop3A_229 = arith.addf %parallel_loop3A_217, %parallel_loop3A_228 : vector<16xf32>
        %parallel_loop3A_230 = arith.constant 13 : i32
        %parallel_loop3A_231 = arith.index_cast %parallel_loop3A_230 : i32 to index
        %parallel_loop3A_232 = arith.index_cast %parallel_loop3A_153 : i32 to index
        %parallel_loop3A_233 = tpu.vector_load %arg7[%parallel_loop3A_231, %parallel_loop3A_232] {strides = array<i32>} : memref<20x512xi32, #tpu.memory_space<vmem>>, vector<16xi32>,
        %parallel_loop3A_234 = tpu.vector_load_idx %arg5[%parallel_loop3A_233] : memref<100000xf32, #tpu.memory_space<vmem>>[vector<16xi32>], vector<16xf32>,
        %parallel_loop3A_235 = arith.addf %parallel_loop3A_223, %parallel_loop3A_234 : vector<16xf32>
        %parallel_loop3A_236 = arith.constant 14 : i32
        %parallel_loop3A_237 = arith.index_cast %parallel_loop3A_236 : i32 to index
        %parallel_loop3A_238 = arith.index_cast %parallel_loop3A_153 : i32 to index
        %parallel_loop3A_239 = tpu.vector_load %arg7[%parallel_loop3A_237, %parallel_loop3A_238] {strides = array<i32>} : memref<20x512xi32, #tpu.memory_space<vmem>>, vector<16xi32>,
        %parallel_loop3A_240 = tpu.vector_load_idx %arg5[%parallel_loop3A_239] : memref<100000xf32, #tpu.memory_space<vmem>>[vector<16xi32>], vector<16xf32>,
        %parallel_loop3A_241 = arith.addf %parallel_loop3A_229, %parallel_loop3A_240 : vector<16xf32>
        %parallel_loop3A_242 = arith.constant 15 : i32
        %parallel_loop3A_243 = arith.index_cast %parallel_loop3A_242 : i32 to index
        %parallel_loop3A_244 = arith.index_cast %parallel_loop3A_153 : i32 to index
        %parallel_loop3A_245 = tpu.vector_load %arg7[%parallel_loop3A_243, %parallel_loop3A_244] {strides = array<i32>} : memref<20x512xi32, #tpu.memory_space<vmem>>, vector<16xi32>,
        %parallel_loop3A_246 = tpu.vector_load_idx %arg5[%parallel_loop3A_245] : memref<100000xf32, #tpu.memory_space<vmem>>[vector<16xi32>], vector<16xf32>,
        %parallel_loop3A_247 = arith.addf %parallel_loop3A_235, %parallel_loop3A_246 : vector<16xf32>
        %parallel_loop3A_248 = arith.constant 16 : i32
        %parallel_loop3A_249 = arith.index_cast %parallel_loop3A_248 : i32 to index
        %parallel_loop3A_250 = arith.index_cast %parallel_loop3A_153 : i32 to index
        %parallel_loop3A_251 = tpu.vector_load %arg7[%parallel_loop3A_249, %parallel_loop3A_250] {strides = array<i32>} : memref<20x512xi32, #tpu.memory_space<vmem>>, vector<16xi32>,
        %parallel_loop3A_252 = tpu.vector_load_idx %arg5[%parallel_loop3A_251] : memref<100000xf32, #tpu.memory_space<vmem>>[vector<16xi32>], vector<16xf32>,
        %parallel_loop3A_253 = arith.addf %parallel_loop3A_241, %parallel_loop3A_252 : vector<16xf32>
        %parallel_loop3A_254 = arith.constant 17 : i32
        %parallel_loop3A_255 = arith.index_cast %parallel_loop3A_254 : i32 to index
        %parallel_loop3A_256 = arith.index_cast %parallel_loop3A_153 : i32 to index
        %parallel_loop3A_257 = tpu.vector_load %arg7[%parallel_loop3A_255, %parallel_loop3A_256] {strides = array<i32>} : memref<20x512xi32, #tpu.memory_space<vmem>>, vector<16xi32>,
        %parallel_loop3A_258 = tpu.vector_load_idx %arg5[%parallel_loop3A_257] : memref<100000xf32, #tpu.memory_space<vmem>>[vector<16xi32>], vector<16xf32>,
        %parallel_loop3A_259 = arith.addf %parallel_loop3A_247, %parallel_loop3A_258 : vector<16xf32>
        %parallel_loop3A_260 = arith.constant 18 : i32
        %parallel_loop3A_261 = arith.index_cast %parallel_loop3A_260 : i32 to index
        %parallel_loop3A_262 = arith.index_cast %parallel_loop3A_153 : i32 to index
        %parallel_loop3A_263 = tpu.vector_load %arg7[%parallel_loop3A_261, %parallel_loop3A_262] {strides = array<i32>} : memref<20x512xi32, #tpu.memory_space<vmem>>, vector<16xi32>,
        %parallel_loop3A_264 = tpu.vector_load_idx %arg5[%parallel_loop3A_263] : memref<100000xf32, #tpu.memory_space<vmem>>[vector<16xi32>], vector<16xf32>,
        %parallel_loop3A_265 = arith.addf %parallel_loop3A_253, %parallel_loop3A_264 : vector<16xf32>
        %parallel_loop3A_266 = arith.constant 19 : i32
        %parallel_loop3A_267 = arith.index_cast %parallel_loop3A_266 : i32 to index
        %parallel_loop3A_268 = arith.index_cast %parallel_loop3A_153 : i32 to index
        %parallel_loop3A_269 = tpu.vector_load %arg7[%parallel_loop3A_267, %parallel_loop3A_268] {strides = array<i32>} : memref<20x512xi32, #tpu.memory_space<vmem>>, vector<16xi32>,
        %parallel_loop3A_270 = tpu.vector_load_idx %arg5[%parallel_loop3A_269] : memref<100000xf32, #tpu.memory_space<vmem>>[vector<16xi32>], vector<16xf32>,
        %parallel_loop3A_271 = arith.addf %parallel_loop3A_259, %parallel_loop3A_270 : vector<16xf32>
        %parallel_loop3A_272 = arith.addf %parallel_loop3A_265, %parallel_loop3A_271 : vector<16xf32>
        %parallel_loop3A_273 = arith.constant 5.000000e-02 : f32
        %parallel_loop3A_274 = vector.broadcast %parallel_loop3A_273 : f32 to vector<16xf32>
        %parallel_loop3A_275 = arith.mulf %parallel_loop3A_272, %parallel_loop3A_274 : vector<16xf32>
        %parallel_loop3A_276 = arith.constant 16 : i32
        %parallel_loop3A_277 = arith.muli %parallel_loop3A_151, %parallel_loop3A_276 : i32
        %parallel_loop3A_278 = arith.addi %mul3A_147, %parallel_loop3A_277 : i32
        %parallel_loop3A_279 = arith.index_cast %parallel_loop3A_278 : i32 to index
        %parallel_loop3A_280 = tpu.vector_load %arg8[%parallel_loop3A_279] {strides = array<i32>} : memref<4096xf32, #tpu.memory_space<vmem>>, vector<16xf32>,
        tpu.vector_store %arg8[%parallel_loop3A_279], %parallel_loop3A_275 {strides = array<i32>} : memref<4096xf32, #tpu.memory_space<vmem>>, vector<16xf32>,
      } {sc.loop_unroll_factor = 2 : i64, sc.parallel_access}
    }
    %scan3A_57 = arith.constant 4 : i32
    %dma_wait3A_58 = arith.constant 0 : i32
    %dma_wait3A_59 = arith.constant 0 : i32
    %dma_wait3A_60 = tpu.memref_slice %arg3[%dma_wait3A_58, %dma_wait3A_59] : memref<20x4096xi32, #tpu.memory_space<hbm>> -> memref<20x512xi32, #tpu.memory_space<hbm>>
    %dma_wait3A_61 = arith.constant 0 : i32
    %dma_wait3A_62 = arith.constant 0 : i32
    %dma_wait3A_63 = tpu.memref_slice %arg3[%dma_wait3A_61, %dma_wait3A_62] : memref<20x4096xi32, #tpu.memory_space<hbm>> -> memref<20x512xi32, #tpu.memory_space<hbm>>
    tpu.wait_dma2 semaphore(%arg10 : memref<!tpu.dma_semaphore, #tpu.memory_space<semaphore_mem>>) src(%dma_wait3A_63 : memref<20x512xi32, #tpu.memory_space<hbm>>) dst(%arg6 : memref<20x512xi32, #tpu.memory_space<vmem>>)
    "tpu.region"() ({
      %run_scoped3A = tpu.sem_alloc : memref<!tpu.dma_semaphore, #tpu.memory_space<semaphore_mem>>
      %dma_start3A_64 = arith.constant 0 : i32
      %dma_start3A_65 = tpu.memref_slice %arg4[%add3A_34, %dma_start3A_64] : memref<64x4096xf32, #tpu.memory_space<hbm>> -> memref<1x4096xf32, #tpu.memory_space<hbm>>
      %dma_start3A_66 = tpu.memref_squeeze %dma_start3A_65 : memref<1x4096xf32, #tpu.memory_space<hbm>> -> memref<4096xf32, #tpu.memory_space<hbm>>
      %dma_start3A_67 = arith.constant 0 : i32
      %dma_start3A_68 = tpu.memref_slice %arg4[%add3A_34, %dma_start3A_67] : memref<64x4096xf32, #tpu.memory_space<hbm>> -> memref<1x4096xf32, #tpu.memory_space<hbm>>
      %dma_start3A_69 = tpu.memref_squeeze %dma_start3A_68 : memref<1x4096xf32, #tpu.memory_space<hbm>> -> memref<4096xf32, #tpu.memory_space<hbm>>
      tpu.enqueue_dma source(%arg8 : memref<4096xf32, #tpu.memory_space<vmem>>) target(%dma_start3A_69 : memref<4096xf32, #tpu.memory_space<hbm>>) target_semaphore(%run_scoped3A : memref<!tpu.dma_semaphore, #tpu.memory_space<semaphore_mem>>)
      %dma_wait3A_70 = arith.constant 0 : i32
      %dma_wait3A_71 = tpu.memref_slice %arg4[%add3A_34, %dma_wait3A_70] : memref<64x4096xf32, #tpu.memory_space<hbm>> -> memref<1x4096xf32, #tpu.memory_space<hbm>>
      %dma_wait3A_72 = tpu.memref_squeeze %dma_wait3A_71 : memref<1x4096xf32, #tpu.memory_space<hbm>> -> memref<4096xf32, #tpu.memory_space<hbm>>
      %dma_wait3A_73 = arith.constant 0 : i32
      %dma_wait3A_74 = tpu.memref_slice %arg4[%add3A_34, %dma_wait3A_73] : memref<64x4096xf32, #tpu.memory_space<hbm>> -> memref<1x4096xf32, #tpu.memory_space<hbm>>
      %dma_wait3A_75 = tpu.memref_squeeze %dma_wait3A_74 : memref<1x4096xf32, #tpu.memory_space<hbm>> -> memref<4096xf32, #tpu.memory_space<hbm>>
      tpu.wait_dma2 semaphore(%run_scoped3A : memref<!tpu.dma_semaphore, #tpu.memory_space<semaphore_mem>>) src(%arg8 : memref<4096xf32, #tpu.memory_space<vmem>>) dst(%dma_wait3A_75 : memref<4096xf32, #tpu.memory_space<hbm>>)
      tpu.yield
    }) : () -> ()
    return
  }
}

</mosaic_0001>

<sc_bundles>
// kernel: _cbow_sc.3.cloned.1.call-start
scs
__scs_entry_jumppad:
0x0: {  	(pc) =	sbr.rel $0x88, $3  }
0x1: {  	(tag) =	ssettag $0x0;
	lr =	simm.s32 $0x1  }
0x2: {  	[smem:$0x3F9F] =	sst lr;
	_ =	strace $0xD0000000  }
0x3: {  	_ = 	snop  }
0x4: {  	_ = 	snop  }
0x5: {  	_ = 	snop  }
0x6: {  	_ = 	snop  }
0x7: {  	_ = 	snop  }
__scs_overlays_trampoline_lowered:
0x8: {  	[smem:$0x3FAE] =	sst s0  }
0x9: {  	[smem:$0x3FAF] =	sst s1  }
0xa: {  	[smem:$0x3FB0] =	sst s2  }
0xb: {  	[smem:$0x3FB1] =	sst s3  }
0xc: {  	[smem:$0x3FB2] =	sst s4  }
0xd: {  	[smem:$0x3FB3] =	sst s5  }
0xe: {  	[smem:$0x3FB4] =	sst s6  }
0xf: {  	[smem:$0x3FB5] =	sst s7  }
0x10: {  	[smem:$0x3FB6] =	sst s8  }
0x11: {  	[smem:$0x3FB7] =	sst s9;
	s0 =	simm.s32 @!p0 $0x0  }
0x12: {  	s1 =	sld [smem:$0x3F9D];
	s0 =	simm.s32 @p0 $0x1  }
0x13: {  	[smem:$0x3FB8] =	sst s0;
	s0 =	simm.s32 @!p1 $0x0  }
0x14: {  	s2 =	sld [smem:$0x3F9C];
	s0 =	simm.s32 @p1 $0x1  }
0x15: {  	[smem:$0x3FB9] =	sst s0;
	s0 =	simm.s32 @!p2 $0x0  }
0x16: {  	s3 =	sld [smem:$0x3FDB];
	s0 =	simm.s32 @p2 $0x1  }
0x17: {  	s4 =	simm.s32 $0x1BF5;
	[smem:$0x3FBB] =	sst s0  }
0x18: {  	s0 =	sld [smem:$0x3F9E];
	_ =	swait.ge [sflag:s4], $0x0  }
0x19: {  	s7 =	sld [smem:$0x3F9F]  }
0x1a: {  	s8 =	sadd.s32 $0xFFFFE003, lr  }
0x1b: {  	s9 =	sadd.s32 $0xFFFFFEF7, lr;
	s5 =	simm.s32 $0xFFFFFFFF;
	p2 =	slt.u32 s8, $0xFFFFF086  }
0x1c: {  	p1 =	slt.u32 s9, $0xF7A;
	s5 =	simm.s32 @!p2 $0x0  }
0x1d: {  	s5 =	simm.s32 @p1 $0x1;
	p0 =	seq.s32 s7, s2  }
0x1e: {  	s7 =	smul.u32 @!p0 $0xF7A, s2;
	p2 =	seq.s32 @!p0 s5, $0x0  }
0x1f: {  	s9 =	smul.u32 $0xF7A, s1;
	s8 =	simm.s32 @!p0 $0x1BF5;
	p2 =	por !p2, p0  }
0x20: {  	[sflag:s8] =	ssyncset.s32 @!p0 $0xFFFFF086;
	s6 =	sadd.s32 @!p0 s3, s7;
	s7 =	simm.s32 @!p0 $0x108  }
0x21: {  	s3 =	sadd.s32 s3, s9;
	s6 =	sadd.s32 @!p0 $0x88, s6;
	s7 =	simm.s32 @p2 $0x1082  }
0x22: {  	[simem:s7], [sflag:s8] =	dma.local @!p0 [hbm:s6], $0xF7A  }
0x23: {  	s9 =	sor.u32 $0xD0000000, s2;
	s6 =	simm.s32 $0x108;
	_ =	swait.ge @!p0 [sflag:s8], $0x0  }
0x24: {  	s3 =	sadd.s32 $0x88, s3;
	s6 =	simm.s32 @!p1 $0x1082;
	[sflag:s4] =	ssyncset.s32 $0xFFFFF086  }
0x25: {  	[simem:s6], [sflag:s4] =	dma.local [hbm:s3], $0xF7A  }
0x26: {  	[smem:$0x3F9F] =	sst s1;
	(tag) =	ssettag s2;
	_ =	strace s9  }
0x27: {  	s1 =	sld [smem:$0x3FAF]  }
0x28: {  	s2 =	sld [smem:$0x3FB0]  }
0x29: {  	s4 =	sld [smem:$0x3FB2]  }
0x2a: {  	p0 =	seq.s32 s5, $0x0;
	s5 =	sld [smem:$0x3FB3]  }
0x2b: {  	s6 =	sld [smem:$0x3FB4]  }
0x2c: {  	s7 =	sld [smem:$0x3FB5]  }
0x2d: {  	s3 =	simm.s32 $0x108;
	s8 =	sld [smem:$0x3FB6]  }
0x2e: {  	s3 =	simm.s32 @!p0 $0x1082;
	s9 =	sld [smem:$0x3FB7]  }
0x2f: {  	lr =	sadd.s32 s0, s3;
	s0 =	sld [smem:$0x3FAE]  }
0x30: {  	s3 =	sld [smem:$0x3FB1]  }
0x31: {  	[smem:$0x3FBA] =	sst s10  }
0x32: {  	s10 =	sld [smem:$0x3FB8];
	_ =	sdelay $0x3  }
0x33: {  	p0 =	seq.s32 s10, $0x1;
	s10 =	sld [smem:$0x3FBA];
	_ =	sdelay $0x3  }
0x34: {  	[smem:$0x3FBA] =	sst s10  }
0x35: {  	s10 =	sld [smem:$0x3FB9];
	_ =	sdelay $0x3  }
0x36: {  	p1 =	seq.s32 s10, $0x1;
	s10 =	sld [smem:$0x3FBA];
	_ =	sdelay $0x3  }
0x37: {  	[smem:$0x3FBA] =	sst s10  }
0x38: {  	s10 =	sld [smem:$0x3FBB]  }
0x39: {  	_ = 	snop;
	(pc) =	sbr.ind lr, $3  }
0x3a: {  	_ = 	snop  }
0x3b: {  	_ = 	snop  }
0x3c: {  	p2 =	seq.s32 s10, $0x1;
	s10 =	sld [smem:$0x3FBA]  }
0x3d: {  	_ =	shalt  }
0x3e: {  	_ =	shalt  }
0x3f: {  	_ =	shalt  }
0x40: {  	_ =	shalt  }
0x41: {  	_ =	shalt  }
0x42: {  	_ =	shalt  }
0x43: {  	_ =	shalt  }
0x44: {  	_ =	shalt  }
0x45: {  	_ =	shalt  }
0x46: {  	_ =	shalt  }
0x47: {  	_ =	shalt  }
0x48: {  	_ =	shalt  }
0x49: {  	_ =	shalt  }
0x4a: {  	_ =	shalt  }
0x4b: {  	_ =	shalt  }
0x4c: {  	_ =	shalt  }
0x4d: {  	_ =	shalt  }
0x4e: {  	_ =	shalt  }
0x4f: {  	_ =	shalt  }
0x50: {  	_ =	shalt  }
0x51: {  	_ =	shalt  }
0x52: {  	_ =	shalt  }
0x53: {  	_ =	shalt  }
0x54: {  	_ =	shalt  }
0x55: {  	_ =	shalt  }
0x56: {  	_ =	shalt  }
0x57: {  	_ =	shalt  }
0x58: {  	_ =	shalt  }
0x59: {  	_ =	shalt  }
0x5a: {  	_ =	shalt  }
0x5b: {  	_ =	shalt  }
0x5c: {  	_ =	shalt  }
0x5d: {  	_ =	shalt  }
0x5e: {  	_ =	shalt  }
0x5f: {  	_ =	shalt  }
0x60: {  	_ =	shalt  }
0x61: {  	_ =	shalt  }
0x62: {  	_ =	shalt  }
0x63: {  	_ =	shalt  }
0x64: {  	_ =	shalt  }
0x65: {  	_ =	shalt  }
0x66: {  	_ =	shalt  }
0x67: {  	_ =	shalt  }
0x68: {  	_ =	shalt  }
0x69: {  	_ =	shalt  }
0x6a: {  	_ =	shalt  }
0x6b: {  	_ =	shalt  }
0x6c: {  	_ =	shalt  }
0x6d: {  	_ =	shalt  }
0x6e: {  	_ =	shalt  }
0x6f: {  	_ =	shalt  }
0x70: {  	_ =	shalt  }
0x71: {  	_ =	shalt  }
0x72: {  	_ =	shalt  }
0x73: {  	_ =	shalt  }
0x74: {  	_ =	shalt  }
0x75: {  	_ =	shalt  }
0x76: {  	_ =	shalt  }
0x77: {  	_ =	shalt  }
0x78: {  	_ =	shalt  }
0x79: {  	_ =	shalt  }
0x7a: {  	_ =	shalt  }
0x7b: {  	_ =	shalt  }
0x7c: {  	_ =	shalt  }
0x7d: {  	_ =	shalt  }
0x7e: {  	_ =	shalt  }
0x7f: {  	_ =	shalt  }
0x80: {  	_ =	shalt  }
0x81: {  	_ =	shalt  }
0x82: {  	_ =	shalt  }
0x83: {  	_ =	shalt  }
0x84: {  	_ =	shalt  }
0x85: {  	_ =	shalt  }
0x86: {  	_ =	shalt  }
0x87: {  	_ =	shalt  }
.Lfunc_end0:
.L_simem_size_0:
called_computation_lowered:
.L_overlay_start_0:
0x88: {  	s2 =	sld [smem:$0x3FD9]  }
0x89: {  	s3 =	sld [smem:$0x3FFE];
	_ =	sdelay $0x1  }
0x8a: {  	s1 =	srdreg.scid  }
0x8b: {  	s0 =	sand.u32 $0x1, s1  }
0x8c: {  	s18 =	sshll.u32 s0, $0xA;
	s2 =	sadd.s32 s3, s2  }
0x8d: {  	s2 =	sadd.s32 s2, s18  }
0x8e: {  	[smem:$0x3FC6] =	sst s2  }
0x8f: {  	_ = 	snop  }
0x90: {  	s2 =	sld [smem:$0x3FC9]  }
0x91: {  	s19 =	sld [smem:$0x3FC8]  }
0x92: {  	s4 =	sld [smem:$0x3FD0];
	(tm) =	ssettm $0x1  }
0x93: {  	s5 =	sld [smem:$0x3FFB];
	_ =	sdelay $0x3  }
0x94: {  	_ =	strace s5  }
0x95: {  	s5 =	sld [smem:$0x3FFC];
	_ =	sdelay $0x3  }
0x96: {  	_ =	strace s5  }
0x97: {  	s5 =	sld [smem:$0x3FFD];
	_ =	sdelay $0x3  }
0x98: {  	_ =	strace s5  }
0x99: {  	_ =	strace $0x8FFFFFFF  }
0x9a: {  	s20 =	sld [smem:$0x3FDB];
	_ =	sdelay $0x1  }
0x9b: {  	s6 =	simm.s32 $_scs_section_size  }
0x9c: {  	s7 =	simm.s32 $_size__tile_overlayer_lowered;
	s8 =	simm.s32 $_tile_overlayer_lowered  }
0x9d: {  	s23 =	simm.s32 $0x1BFF;
	s22 =	sshll.u32 s8, $0x1;
	s5 =	sadd.s32 s6, s20  }
0x9e: {  	s9 =	simm.s32 $0x0;
	s21 =	sshll.u32 s7, $0x1;
	s7 =	sadd.s32 s22, s5  }
0x9f: {  	[timem:s9], [sflag:s23] =	dma.local [hbm:s7], s21  }
0xa0: {  	_ =	swait.ge [sflag:s23], s21  }
0xa1: {  	s6 =	ssub.s32 $0x0, s21;
	[sflag:s23] =	ssyncset.done $0x0  }
0xa2: {  	[sflag:s23] =	ssyncadd.s32 s6;
	_ =	sdelay $0x1  }
0xa3: {  	s24 =	simm.s32 $0x1B8B  }
0xa4: {  	_ =	swait.ge [sflag:s24], $0x1  }
0xa5: {  	[sflag:s24] =	ssyncset.done $0x0  }
0xa6: {  	s25 =	simm.s32 $0x1B8E;
	[sflag:s24] =	ssyncadd.s32 $0xFFFFFFFF  }
0xa7: {  	s26 =	simm.s32 $execute0_lowered;
	[smem:$0x3FD2] =	sst s25  }
0xa8: {  	s6 =	sshll.u32 s26, $0x1;
	_ =	strace $0x80000046;
	[dreg:$0x1] =	wrdreg $0xFFFFFFFF  }
0xa9: {  	s28 =	simm.s32 $_size_execute0_lowered;
	s5 =	sadd.s32 s5, s6;
	[dreg:$0x0] =	wrdreg $0x0  }
0xaa: {  	s6 =	sshll.u32 s28, $0x1;
	[dreg:$0x2] =	wrdreg s5  }
0xab: {  	[dreg:$0x3] =	wrdreg s6  }
0xac: {  	[dreg:$0x4] =	wrdreg $0xC0  }
0xad: {  	_ =	task [dreg:s9], $0x5FFFF  }
0xae: {  	[dreg:$0x1] =	wrdreg $0xFFFFFFFF  }
0xaf: {  	[dreg:$0x0] =	wrdreg $0x60  }
0xb0: {  	[dreg:$0x2] =	wrdreg s2  }
0xb1: {  	[dreg:$0x3] =	wrdreg s19  }
0xb2: {  	[dreg:$0x4] =	wrdreg s4  }
0xb3: {  	[dreg:$0x5] =	wrdreg $0x9  }
0xb4: {  	_ =	task.clear_ibuf [dreg:s9], $0x6FFFF;
	_ =	strace $0x90000046  }
0xb5: {  	s29 =	simm.s32 $0x9;
	_ =	strace $0x80000048  }
0xb6: {  	_ =	swait.ge [sflag:s29], $0x1  }
0xb7: {  	[sflag:s29] =	ssyncadd.s32 $0xFFFFFFFF  }
0xb8: {  	_ =	strace $0x90000048  }
0xb9: {  	_ =	sfence  }
0xba: {  	s30 =	sld [smem:$0x0];
	_ =	sdelay $0x2  }
0xbb: {  	s31 =	sshll.u32 s1, $0xD;
	s1 =	sshrl.u32 s1, $0x2  }
0xbc: {  	s3 =	sand.u32 $0x4000, s31;
	s1 =	sadd.s32 s1, s30  }
0xbd: {  	s0 =	sor.u32 s3, s0;
	s1 =	sshll.u32 s1, $0x11  }
0xbe: {  	s0 =	sor.u32 s1, s0  }
0xbf: {  	s0 =	sadd.s32 $0x8F2B, s0  }
0xc0: {  	[sflag:s0] =	ssyncadd.remote.s32 $0x1  }
0xc1: {  	_ =	sfence.sel $0xFFFF  }
0xc2: {  	[dreg:$0x0] =	wrdreg $0xFFFFFFFF;
	(pc) =	sbr.abs _section_cstart, $3  }
0xc3: {  	[dreg:$0x1] =	wrdreg $0xFFFFFFFF  }
0xc4: {  	_ =	task.clear_ibuf [dreg:s9], $0x2FFFF;
	_ =	strace $0x9FFFFFFF  }
0xc5: {  	(tm) =	ssettm $0x7FFFFFFF  }
tec
execute0_lowered:
.L_overlay_start_1:
0x0: {  	(tag) =	ssettag $0x1  }
0x1: {  	s1 =	rddreg [dreg:$0x0]  }
0x2: {  	s0 =	srdreg.scid;
	s31 =	rddreg [dreg:$0x1]  }
0x3: {  	s5 =	stileid.u32;
	s4 =	rddreg [dreg:$0x2];
	s0 =	sand.u32 $0x1, s0  }
0x4: {  	s3 =	sshll.u32 s5, $0x1;
	s5 =	sshll.u32 s5, $0x8;
	s2 =	sshll.u32 s0, $0x5  }
0x5: {  	s0 =	ssub.s32 $0x2, s0;
	s5 =	sand.u32 $0x300, s5;
	s2 =	sor.u32 s3, s2  }
0x6: {  	s3 =	simm.s32 $0x0;
	s7 =	sshrl.u32 s0, $0x1;
	s2 =	sshrl.u32 s2, $0x3  }
0x7: {  	[smem:$0x7FF] =	sst s3;
	s0 =	ssub.s32 s0, s7;
	s6 =	smul.u32 $0xC3800, s2  }
0x8: {  	_ =	strace $0x80000047;
	s2 =	sshll.u32 s2, $0xF;
	s0 =	smax.u32 s0, $0x1  }
0x9: {  	s26 =	sor.u32 s5, s2;
	s8 =	sor.u32 s5, s6;
	s5 =	sor.u32 $0x80, s5  }
0xa: {  	[dreg:$0xc] =	wrdreg s0;
	s25 =	sshrl.u32 s8, $0x3;
	s6 =	sor.u32 s5, s6  }
0xb: {  	s2 =	sor.u32 s5, s2;
	s7 =	sadd.s32 s1, s25;
	s29 =	sshrl.u32 s6, $0x3  }
0xc: {  	s2 =	sshrl.u32 s2, $0x3;
	[dreg:$0x8] =	wrdreg s7;
	s1 =	sadd.s32 s1, s29  }
0xd: {  	s7 =	sshrl.u32 s26, $0x3;
	s30 =	sadd.s32 s4, s2;
	[dreg:$0xa] =	wrdreg s1  }
0xe: {  	s5 =	simm.s32 $0x0;
	s28 =	sadd.s32 s4, s7;
	[dreg:$0xb] =	wrdreg s30  }
0xf: {  	s2 =	simm.s32 $0x400;
	s1 =	simm.s32 $0x80;
	[dreg:$0x9] =	wrdreg s28  }
.LBB2_1:
0x10: {  	[dreg:$0xd] =	wrdreg s5  }
0x11: {  	s0 =	rddreg [dreg:$0x8];
	s26 =	simm.s32 $0x1000  }
0x12: {  	[tilespmem:s3], [sflag:$0x1] =	stream.strided.gather [hbm4b:s0+s1], $0x18700, s2, s1, $0x38;
	[tilespmem:$0x1F700] =	vst v63  }
0x13: {  	s28 =	simm.s32 $0x8000;
	s29 =	simm.s32 $0x18700;
	s30 =	simm.s32 $0x1  }
0x14: {  	[tilespmem:s29], [sflag:$0x2] =	stream.strided.gather [hbm4b:s31+s26], $0x3000, s28, s26, $0x38;
	[tilespmem:$0x1F700] =	vst v63  }
0x15: {  	_ =	swait.ge [sflag:s30], $0x18700  }
0x16: {  	[sflag:s30] =	ssyncset.done $0x0  }
0x17: {  	s21 =	simm.s32 $0x0;
	[sflag:s30] =	ssyncadd.s32 $0xFFFE7900  }
.LBB2_2:
0x18: {  	s23 =	sshll.u32 s21, $0xA;
	s1 =	simm.s32 $0x1000  }
0x19: {  	s2 =	simm.s32 $0x8000;
	s4 =	simm.s32 $0x1B700;
	s24 =	simm.s32 $0x2  }
0x1a: {  	s29 =	simm.s32 $0x0;
	s14 =	simm.s32 $0x10;
	s0 =	sor.u32 $0x200, s23  }
0x1b: {  	s13 =	sand.u32 $0xC00, s29;
	[dreg:$0xe] =	wrdreg s0;
	s0 =	sadd.s32 s31, s0  }
0x1c: {  	[tilespmem:s4], [sflag:$0x3] =	stream.strided.gather [hbm4b:s0+s1], $0x3000, s2, s1, $0x38;
	[tilespmem:$0x1F700] =	vst v63  }
0x1d: {  	s25 =	sadd.s32 $0x1E700, s23;
	s28 =	sand.u32 $0x70, s14;
	_ =	swait.ge [sflag:s24], $0x3000  }
0x1e: {  	s0 =	sadd.s32 $0x1A800, s13;
	s1 =	sadd.s32 $0x1A880, s13;
	[sflag:s24] =	ssyncset.done $0x0  }
0x1f: {  	[dreg:$0x4] =	wrdreg s25;
	s26 =	sor.u32 s28, s0;
	[sflag:s24] =	ssyncadd.s32 $0xFFFFD000  }
0x20: {  	s2 =	sadd.s32 $0x1A700, s13;
	s5 =	sor.u32 s28, s1;
	v0 =	vld [tilespmem:s26+$0x0]  }
0x21: {  	s4 =	sadd.s32 $0x1A780, s13;
	s6 =	sor.u32 s28, s2;
	v1 =	vld [tilespmem:s5+$0x0]  }
0x22: {  	s31 =	sadd.s32 $0x19880, s13;
	s7 =	sor.u32 s28, s4;
	v2 =	vld [tilespmem:s6+$0x0]  }
0x23: {  	s17 =	sadd.s32 $0x19700, s13;
	s15 =	sor.u32 s28, s31;
	v3 =	vld [tilespmem:s7+$0x0]  }
0x24: {  	s18 =	sadd.s32 $0x19780, s13;
	s16 =	sor.u32 s28, s17;
	v9 =	vld [tilespmem:s15+$0x0]  }
0x25: {  	s14 =	sor.u32 s14, s29;
	s19 =	sor.u32 s28, s18;
	v10 =	vld [tilespmem:s16+$0x0]  }
0x26: {  	s14 =	sor.u32 $0x380, s14;
	s25 =	sor.u32 s29, s29;
	v11 =	vld [tilespmem:s19+$0x0]  }
0x27: {  	s5 =	sadd.s32 $0x19A00, s13;
	v18 =	vld [tilespmem:s14+$0x18700];
	s26 =	sor.u32 $0x380, s25  }
0x28: {  	s6 =	sadd.s32 $0x19A80, s13;
	s8 =	sor.u32 s28, s5;
	v48 =	vld [tilespmem:s26+$0x18700]  }
0x29: {  	s7 =	sadd.s32 $0x19900, s13;
	s9 =	sor.u32 s28, s6;
	v4 =	vld [tilespmem:s8+$0x0]  }
0x2a: {  	s30 =	sand.u32 $0x60, s29;
	s10 =	sor.u32 s28, s7;
	v5 =	vld [tilespmem:s9+$0x0]  }
0x2b: {  	s5 =	sor.u32 s30, s5;
	v6 =	vld [tilespmem:s10+$0x0]  }
0x2c: {  	s6 =	sor.u32 s30, s6;
	s8 =	sadd.s32 $0x19980, s13;
	v40 =	vld [tilespmem:s5+$0x0]  }
0x2d: {  	s9 =	sadd.s32 $0x19800, s13;
	v41 =	vld [tilespmem:s6+$0x0];
	s11 =	sor.u32 s28, s8  }
0x2e: {  	s13 =	sadd.s32 $0x18700, s13;
	s12 =	sor.u32 s28, s9;
	v7 =	vld [tilespmem:s11+$0x0]  }
0x2f: {  	s20 =	sor.u32 s28, s13;
	v8 =	vld [tilespmem:s12+$0x0]  }
0x30: {  	v12 =	vld [tilespmem:s20+$0x0]  }
0x31: {  	s22 =	sand.u32 $0x7, s29;
	v13 =	vld [tilespmem:s20+$0x80]  }
0x32: {  	s15 =	sshll.u32 s22, $0x4;
	v14 =	vld [tilespmem:s20+$0x100]  }
0x33: {  	s15 =	sadd.s32 $0x0, s15;
	v15 =	vld [tilespmem:s20+$0x180]  }
0x34: {  	s15 =	sadd.s32 $0x10, s15;
	v16 =	vld [tilespmem:s20+$0x200]  }
0x35: {  	s15 =	sor.u32 $0x300, s15;
	v17 =	vld [tilespmem:s20+$0x280]  }
0x36: {  	v19 =	vld [tilespmem:s15+$0x18700]  }
0x37: {  	v32 =	vld.idx.msk [tilespmem:v18+s3+$0x0], $0xffff  }
0x38: {  	v30 =	vld.idx.msk [tilespmem:v10+s3+$0x0], $0xffff  }
0x39: {  	v31 =	vld.idx.msk [tilespmem:v11+s3+$0x0], $0xffff  }
0x3a: {  	v22 =	vld.idx.msk [tilespmem:v9+s3+$0x0], $0xffff  }
0x3b: {  	v9 =	vld.idx.msk [tilespmem:v2+s3+$0x0], $0xffff  }
0x3c: {  	s13 =	sor.u32 s30, s13;
	v10 =	vld.idx.msk [tilespmem:v3+s3+$0x0], $0xffff  }
0x3d: {  	v2 =	vld [tilespmem:s13+$0x100]  }
0x3e: {  	v3 =	vld [tilespmem:s13+$0x180]  }
0x3f: {  	v18 =	vld.idx.msk [tilespmem:v48+s3+$0x0], $0xffff  }
0x40: {  	v11 =	vld.idx.msk [tilespmem:v4+s3+$0x0], $0xffff  }
0x41: {  	v4 =	vld [tilespmem:s13+$0x200]  }
0x42: {  	v36 =	vld.idx.msk [tilespmem:v12+s3+$0x0], $0xffff  }
0x43: {  	v37 =	vld.idx.msk [tilespmem:v13+s3+$0x0], $0xffff  }
0x44: {  	v38 =	vld.idx.msk [tilespmem:v14+s3+$0x0], $0xffff  }
0x45: {  	v39 =	vld.idx.msk [tilespmem:v15+s3+$0x0], $0xffff  }
0x46: {  	v34 =	vld.idx.msk [tilespmem:v16+s3+$0x0], $0xffff  }
0x47: {  	v35 =	vld.idx.msk [tilespmem:v17+s3+$0x0], $0xffff  }
0x48: {  	v33 =	vld.idx.msk [tilespmem:v19+s3+$0x0], $0xffff  }
0x49: {  	v21 =	vld.idx.msk [tilespmem:v8+s3+$0x0], $0xffff  }
0x4a: {  	v14 =	vld.idx.msk [tilespmem:v6+s3+$0x0], $0xffff  }
0x4b: {  	v15 =	vld.idx.msk [tilespmem:v7+s3+$0x0], $0xffff  }
0x4c: {  	v12 =	vld.idx.msk [tilespmem:v5+s3+$0x0], $0xffff  }
0x4d: {  	v7 =	vld.idx.msk [tilespmem:v0+s3+$0x0], $0xffff  }
0x4e: {  	s24 =	sand.u32 $0x3, s29;
	v8 =	vld.idx.msk [tilespmem:v1+s3+$0x0], $0xffff  }
0x4f: {  	s14 =	sshll.u32 s24, $0x5;
	v0 =	vld [tilespmem:s13+$0x0]  }
0x50: {  	s14 =	sadd.s32 $0x0, s14;
	v1 =	vld [tilespmem:s13+$0x80]  }
0x51: {  	s14 =	sor.u32 $0x300, s14;
	v5 =	vld [tilespmem:s13+$0x280]  }
0x52: {  	v6 =	vld [tilespmem:s14+$0x18700]  }
0x53: {  	v24 =	vld.idx.msk [tilespmem:v2+s3+$0x0], $0xffff  }
0x54: {  	s9 =	sor.u32 s30, s9;
	v16 =	vld.idx.msk [tilespmem:v3+s3+$0x0], $0xffff  }
0x55: {  	s10 =	sor.u32 s30, s31;
	v2 =	vld [tilespmem:s9+$0x0]  }
0x56: {  	v3 =	vld [tilespmem:s10+$0x0]  }
0x57: {  	s7 =	sor.u32 s30, s7;
	v25 =	vld.idx.msk [tilespmem:v4+s3+$0x0], $0xffff  }
0x58: {  	v4 =	vld [tilespmem:s7+$0x0]  }
0x59: {  	v23 =	vld.idx.msk [tilespmem:v0+s3+$0x0], $0xffff  }
0x5a: {  	s11 =	sor.u32 s30, s17;
	v13 =	vld.idx.msk [tilespmem:v1+s3+$0x0], $0xffff  }
0x5b: {  	s12 =	sor.u32 s30, s18;
	v0 =	vld [tilespmem:s11+$0x0]  }
0x5c: {  	v1 =	vld [tilespmem:s12+$0x0]  }
0x5d: {  	v17 =	vld.idx.msk [tilespmem:v5+s3+$0x0], $0xffff  }
0x5e: {  	s2 =	sor.u32 s30, s2;
	v28 =	vld.idx.msk [tilespmem:v2+s3+$0x0], $0xffff  }
0x5f: {  	v2 =	vld [tilespmem:s2+$0x0]  }
0x60: {  	s8 =	sor.u32 s30, s8;
	v26 =	vld.idx.msk [tilespmem:v6+s3+$0x0], $0xffff  }
0x61: {  	v5 =	vld [tilespmem:s8+$0x0]  }
0x62: {  	s4 =	sor.u32 s30, s4;
	v20 =	vld.idx.msk [tilespmem:v3+s3+$0x0], $0xffff  }
0x63: {  	v3 =	vld [tilespmem:s4+$0x0]  }
0x64: {  	v29 =	vld.idx.msk [tilespmem:v4+s3+$0x0], $0xffff  }
0x65: {  	v4 =	vld.idx.msk [tilespmem:v40+s3+$0x0], $0xffff  }
0x66: {  	v27 =	vld.idx.msk [tilespmem:v0+s3+$0x0], $0xffff  }
0x67: {  	v2 =	vld.idx.msk [tilespmem:v2+s3+$0x0], $0xffff  }
0x68: {  	v19 =	vld.idx.msk [tilespmem:v1+s3+$0x0], $0xffff  }
0x69: {  	s0 =	sor.u32 s30, s0;
	v6 =	vld.idx.msk [tilespmem:v5+s3+$0x0], $0xffff  }
0x6a: {  	s1 =	sor.u32 s30, s1;
	v0 =	vld [tilespmem:s0+$0x0]  }
0x6b: {  	v1 =	vld [tilespmem:s1+$0x0]  }
0x6c: {  	v5 =	vld.idx.msk [tilespmem:v41+s3+$0x0], $0xffff;
	[tilespmem:$0x1FFE0] =	vst v2  }
0x6d: {  	v2 =	vld.idx.msk [tilespmem:v3+s3+$0x0], $0xffff;
	_ =	sdelay $0x1  }
0x6e: {  	s24 =	simm.s32 $0x100  }
0x6f: {  	s31 =	sand.u32 $0xC00, s24;
	s13 =	simm.s32 $0x30  }
0x70: {  	s4 =	sadd.s32 $0x1A800, s31;
	s0 =	sand.u32 $0x70, s13  }
0x71: {  	s1 =	sadd.s32 $0x1A880, s31;
	s10 =	sor.u32 s0, s4;
	[tilespmem:$0x1FFF0] =	vst v2  }
0x72: {  	s5 =	sadd.s32 $0x1A700, s31;
	s11 =	sor.u32 s0, s1;
	v40 =	vld [tilespmem:s10+$0x0]  }
0x73: {  	s6 =	sadd.s32 $0x1A780, s31;
	s12 =	sor.u32 s0, s5;
	v41 =	vld [tilespmem:s11+$0x0]  }
0x74: {  	s8 =	sadd.s32 $0x19A00, s31;
	s14 =	sor.u32 s0, s6;
	v42 =	vld [tilespmem:s12+$0x0]  }
0x75: {  	s2 =	sadd.s32 $0x19A80, s31;
	s15 =	sor.u32 s0, s8;
	v43 =	vld [tilespmem:s14+$0x0]  }
0x76: {  	s9 =	sadd.s32 $0x19980, s31;
	s13 =	sor.u32 s13, s24;
	s16 =	sor.u32 s0, s2;
	v44 =	vld [tilespmem:s15+$0x0]  }
0x77: {  	s22 =	sadd.s32 $0x18700, s31;
	s18 =	sor.u32 s0, s9;
	s13 =	sor.u32 $0x380, s13;
	v45 =	vld [tilespmem:s16+$0x0]  }
0x78: {  	s10 =	sadd.s32 $0x19900, s31;
	s12 =	sadd.s32 $0x19800, s31;
	s11 =	sadd.s32 $0x19880, s31;
	v47 =	vld [tilespmem:s18+$0x0]  }
0x79: {  	s14 =	sadd.s32 $0x19700, s31;
	s16 =	sadd.s32 $0x19780, s31;
	s31 =	sor.u32 s0, s22;
	v58 =	vld [tilespmem:s13+$0x18700]  }
0x7a: {  	v52 =	vld [tilespmem:s31+$0x0]  }
0x7b: {  	v53 =	vld [tilespmem:s31+$0x80]  }
0x7c: {  	v54 =	vld [tilespmem:s31+$0x100]  }
0x7d: {  	v55 =	vld [tilespmem:s31+$0x180]  }
0x7e: {  	s25 =	simm.s32 $0x2;
	v56 =	vld [tilespmem:s31+$0x200]  }
0x7f: {  	s18 =	sand.u32 $0x7, s25;
	s17 =	sor.u32 s0, s10;
	v57 =	vld [tilespmem:s31+$0x280]  }
0x80: {  	s19 =	sor.u32 s0, s12;
	s7 =	sshll.u32 s18, $0x4;
	v46 =	vld [tilespmem:s17+$0x0]  }
0x81: {  	s20 =	sor.u32 s0, s11;
	v48 =	vld [tilespmem:s19+$0x0];
	s7 =	sadd.s32 $0x100, s7  }
0x82: {  	s26 =	sor.u32 s0, s16;
	v49 =	vld [tilespmem:s20+$0x0];
	s7 =	sadd.s32 $0x10, s7  }
0x83: {  	v51 =	vld [tilespmem:s26+$0x0];
	s26 =	simm.s32 $0x20;
	s7 =	sor.u32 $0x300, s7  }
0x84: {  	s17 =	sor.u32 s0, s14;
	v59 =	vld [tilespmem:s7+$0x18700];
	s7 =	sand.u32 $0x60, s26  }
0x85: {  	v50 =	vld [tilespmem:s17+$0x0];
	s19 =	sor.u32 s7, s22  }
0x86: {  	v60 =	vld [tilespmem:s19+$0x0]  }
0x87: {  	s20 =	simm.s32 $0x1;
	v61 =	vld [tilespmem:s19+$0x80]  }
0x88: {  	s15 =	sand.u32 $0x3, s20;
	v62 =	vld [tilespmem:s19+$0x100]  }
0x89: {  	s15 =	sshll.u32 s15, $0x5;
	v63 =	vld [tilespmem:s19+$0x180]  }
0x8a: {  	v36 =	vadd.f32 v38, v36;
	s15 =	sadd.s32 $0x100, s15;
	v2 =	vld [tilespmem:s19+$0x200]  }
0x8b: {  	v37 =	vadd.f32 v39, v37;
	s15 =	sor.u32 $0x300, s15;
	v3 =	vld [tilespmem:s19+$0x280]  }
0x8c: {  	v34 =	vadd.f32 v34, v36;
	s14 =	sor.u32 s7, s14;
	v38 =	vld [tilespmem:s15+$0x18700]  }
0x8d: {  	v35 =	vadd.f32 v35, v37;
	s16 =	sor.u32 s7, s16;
	v36 =	vld [tilespmem:s14+$0x0]  }
0x8e: {  	v33 =	vadd.f32 v33, v34;
	s12 =	sor.u32 s7, s12;
	v37 =	vld [tilespmem:s16+$0x0]  }
0x8f: {  	v32 =	vadd.f32 v32, v35;
	s11 =	sor.u32 s7, s11;
	v34 =	vld [tilespmem:s12+$0x0]  }
0x90: {  	v30 =	vadd.f32 v30, v33;
	s10 =	sor.u32 s7, s10;
	v35 =	vld [tilespmem:s11+$0x0]  }
0x91: {  	v31 =	vadd.f32 v31, v32;
	s9 =	sor.u32 s7, s9;
	v32 =	vld [tilespmem:s10+$0x0]  }
0x92: {  	v30 =	vadd.f32 v21, v30;
	s8 =	sor.u32 s7, s8;
	v33 =	vld [tilespmem:s9+$0x0]  }
0x93: {  	v22 =	vadd.f32 v22, v31;
	s2 =	sor.u32 s7, s2;
	v31 =	vld [tilespmem:s8+$0x0]  }
0x94: {  	v14 =	vadd.f32 v14, v30;
	s22 =	sor.u32 s26, s24;
	v21 =	vld [tilespmem:s2+$0x0]  }
0x95: {  	v15 =	vadd.f32 v15, v22;
	s31 =	sor.u32 $0x380, s22;
	v58 =	vld.idx.msk [tilespmem:v58+s3+$0x0], $0xffff  }
0x96: {  	v11 =	vadd.f32 v11, v14;
	v39 =	vld [tilespmem:s31+$0x18700]  }
0x97: {  	v12 =	vadd.f32 v12, v15;
	v15 =	vld.idx.msk [tilespmem:v47+s3+$0x0], $0xffff  }
0x98: {  	v9 =	vadd.f32 v9, v11;
	v11 =	vld.idx.msk [tilespmem:v44+s3+$0x0], $0xffff  }
0x99: {  	v45 =	vld.idx.msk [tilespmem:v45+s3+$0x0], $0xffff  }
0x9a: {  	v7 =	vadd.f32 v7, v9;
	v9 =	vld.idx.msk [tilespmem:v42+s3+$0x0], $0xffff  }
0x9b: {  	v52 =	vld.idx.msk [tilespmem:v52+s3+$0x0], $0xffff  }
0x9c: {  	v53 =	vld.idx.msk [tilespmem:v53+s3+$0x0], $0xffff  }
0x9d: {  	v54 =	vld.idx.msk [tilespmem:v54+s3+$0x0], $0xffff  }
0x9e: {  	v55 =	vld.idx.msk [tilespmem:v55+s3+$0x0], $0xffff  }
0x9f: {  	v56 =	vld.idx.msk [tilespmem:v56+s3+$0x0], $0xffff  }
0xa0: {  	v57 =	vld.idx.msk [tilespmem:v57+s3+$0x0], $0xffff  }
0xa1: {  	v10 =	vadd.f32 v10, v12;
	v51 =	vld.idx.msk [tilespmem:v51+s3+$0x0], $0xffff  }
0xa2: {  	v59 =	vld.idx.msk [tilespmem:v59+s3+$0x0], $0xffff  }
0xa3: {  	v8 =	vadd.f32 v8, v10;
	v22 =	vld.idx.msk [tilespmem:v48+s3+$0x0], $0xffff;
	v12 =	vadd.f32 v54, v52  }
0xa4: {  	v50 =	vld.idx.msk [tilespmem:v50+s3+$0x0], $0xffff;
	v53 =	vadd.f32 v55, v53  }
0xa5: {  	v49 =	vld.idx.msk [tilespmem:v49+s3+$0x0], $0xffff;
	v55 =	vadd.f32 v8, v7;
	v10 =	vadd.f32 v56, v12  }
0xa6: {  	v14 =	vld.idx.msk [tilespmem:v46+s3+$0x0], $0xffff;
	v7 =	vadd.f32 v24, v23;
	v12 =	vadd.f32 v57, v53  }
0xa7: {  	v54 =	vld.idx.msk [tilespmem:v43+s3+$0x0], $0xffff;
	v10 =	vadd.f32 v59, v10  }
0xa8: {  	v8 =	vld.idx.msk [tilespmem:v40+s3+$0x0], $0xffff;
	v7 =	vadd.f32 v25, v7;
	v12 =	vadd.f32 v58, v12  }
0xa9: {  	v13 =	vadd.f32 v16, v13;
	v23 =	vld.idx.msk [tilespmem:v41+s3+$0x0], $0xffff;
	v10 =	vadd.f32 v50, v10  }
0xaa: {  	v56 =	vld.idx.msk [tilespmem:v60+s3+$0x0], $0xffff;
	v7 =	vadd.f32 v26, v7;
	v12 =	vadd.f32 v51, v12  }
0xab: {  	v13 =	vadd.f32 v17, v13;
	v57 =	vld.idx.msk [tilespmem:v61+s3+$0x0], $0xffff;
	v10 =	vadd.f32 v22, v10  }
0xac: {  	v7 =	vadd.f32 v27, v7;
	v12 =	vadd.f32 v49, v12;
	v22 =	vld.idx.msk [tilespmem:v63+s3+$0x0], $0xffff  }
0xad: {  	v13 =	vadd.f32 v18, v13;
	v58 =	vld.idx.msk [tilespmem:v62+s3+$0x0], $0xffff;
	v10 =	vadd.f32 v14, v10  }
0xae: {  	v3 =	vld.idx.msk [tilespmem:v3+s3+$0x0], $0xffff;
	v7 =	vadd.f32 v28, v7;
	v12 =	vadd.f32 v15, v12  }
0xaf: {  	v13 =	vadd.f32 v19, v13;
	v2 =	vld.idx.msk [tilespmem:v2+s3+$0x0], $0xffff;
	v10 =	vadd.f32 v11, v10  }
0xb0: {  	v15 =	vadd.f32 v29, v7;
	v11 =	vadd.f32 v45, v12;
	v12 =	vld.idx.msk [tilespmem:v39+s3+$0x0], $0xffff  }
0xb1: {  	v14 =	vld.idx.msk [tilespmem:v38+s3+$0x0], $0xffff;
	v60 =	vadd.f32 v22, v57;
	v7 =	vadd.f32 v9, v10  }
0xb2: {  	v61 =	vld.idx.msk [tilespmem:v34+s3+$0x0], $0xffff;
	v9 =	vadd.f32 v54, v11;
	v11 =	vadd.f32 v58, v56  }
0xb3: {  	v59 =	vld.idx.msk [tilespmem:v36+s3+$0x0], $0xffff;
	v3 =	vadd.f32 v3, v60  }
0xb4: {  	v13 =	vadd.f32 v20, v13;
	s17 =	sor.u32 s7, s5;
	s19 =	rddreg [dreg:$0x4];
	s22 =	sand.u32 $0x180, s29;
	v10 =	vld.idx.msk [tilespmem:v37+s3+$0x0], $0xffff;
	v2 =	vadd.f32 v2, v11  }
0xb5: {  	s4 =	sor.u32 s7, s4;
	s2 =	sadd.s32 s22, s19;
	v62 =	vadd.f32 v8, v7;
	v8 =	vld [tilespmem:s17+$0x0];
	v3 =	vadd.f32 v12, v3;
	v12 =	vmul.f32 $5.000000070e-02, v55  }
0xb6: {  	v11 =	vadd.f32 v6, v13;
	v6 =	vld [tilespmem:s4+$0x0];
	s4 =	sadd.s32 s28, s2;
	v2 =	vadd.f32 v14, v2  }
0xb7: {  	v9 =	vadd.f32 v23, v9;
	v13 =	vld.idx.msk [tilespmem:v35+s3+$0x0], $0xffff;
	[tilespmem:s4+$0x0] =	vst v12  }
0xb8: {  	v14 =	vadd.f32 v4, v15;
	v15 =	vadd.f32 v59, v2;
	v2 =	vld [tilespmem:$0x1FFE0]  }
0xb9: {  	s18 =	sor.u32 s7, s6;
	v9 =	vadd.f32 v9, v62;
	v63 =	vadd.f32 v10, v3;
	v3 =	vld [tilespmem:$0x1FFF0]  }
0xba: {  	s20 =	rddreg [dreg:$0x4];
	s1 =	sor.u32 s7, s1;
	s31 =	sand.u32 $0x180, s26;
	v7 =	vld [tilespmem:s18+$0x0]  }
0xbb: {  	v5 =	vadd.f32 v5, v11;
	v4 =	vld [tilespmem:s1+$0x0];
	s1 =	sadd.s32 s31, s20;
	v11 =	vmul.f32 $5.000000070e-02, v9  }
0xbc: {  	v10 =	vld.idx.msk [tilespmem:v32+s3+$0x0], $0xffff;
	s0 =	sadd.s32 s0, s1  }
0xbd: {  	s29 =	simm.s32 $0x2;
	v9 =	vld.idx.msk [tilespmem:v33+s3+$0x0], $0xffff;
	[tilespmem:s0+$0x0] =	vst v11;
	v12 =	vadd.f32 v61, v15;
	v11 =	vadd.f32 v13, v63  }
0xbe: {  	s28 =	sadd.s32 s30, s2;
	s30 =	simm.s32 $0x2;
	s1 =	sadd.s32 s7, s1;
	v2 =	vadd.f32 v2, v14;
	v3 =	vadd.f32 v3, v5;
	v5 =	vld.idx.msk [tilespmem:v31+s3+$0x0], $0xffff  }
.LBB2_3:
0xbf: {  	_ = 	snop  }
0xc0: {  	v13 =	vld.idx.msk [tilespmem:v21+s3+$0x0], $0xffff  }
0xc1: {  	s24 =	sadd.s32 $0x100, s24;
	s26 =	sadd.s32 $0x20, s26;
	v8 =	vld.idx.msk [tilespmem:v8+s3+$0x0], $0xffff  }
0xc2: {  	s2 =	sand.u32 $0xC00, s24;
	s11 =	sadd.s32 $0x10, s26;
	v7 =	vld.idx.msk [tilespmem:v7+s3+$0x0], $0xffff  }
0xc3: {  	s9 =	sadd.s32 $0x1A800, s2;
	s5 =	sand.u32 $0x70, s11;
	v9 =	vadd.f32 v9, v11;
	v11 =	vld.idx.msk [tilespmem:v0+s3+$0x0], $0xffff  }
0xc4: {  	s12 =	sadd.s32 $0x1A700, s2;
	s7 =	sor.u32 s5, s9;
	v0 =	vmov v6;
	v6 =	vld.idx.msk [tilespmem:v1+s3+$0x0], $0xffff  }
0xc5: {  	s11 =	sor.u32 s11, s24;
	s15 =	sor.u32 s5, s12;
	v10 =	vadd.f32 v10, v12;
	v1 =	vmov v4;
	v4 =	vld [tilespmem:s7+$0x0]  }
0xc6: {  	s17 =	sadd.s32 $0x1A880, s2;
	s11 =	sor.u32 $0x380, s11;
	v12 =	vld [tilespmem:s15+$0x0]  }
0xc7: {  	s0 =	sand.u32 $0x3, s30;
	s10 =	sadd.s32 $0x1A780, s2;
	s13 =	sor.u32 s5, s17;
	v22 =	vld [tilespmem:s11+$0x18700];
	v10 =	vadd.f32 v5, v10  }
0xc8: {  	s4 =	sshll.u32 s0, $0x5;
	s16 =	sadd.s32 $0x19A00, s2;
	s19 =	sor.u32 s5, s10;
	v5 =	vld [tilespmem:s13+$0x0];
	v9 =	vadd.f32 v13, v9  }
0xc9: {  	s0 =	sand.u32 $0x60, s26;
	s20 =	sadd.s32 $0x19A80, s2;
	s7 =	sor.u32 s5, s16;
	v8 =	vadd.f32 v8, v10;
	v10 =	vld [tilespmem:s19+$0x0];
	v11 =	vadd.f32 v11, v2  }
0xca: {  	s6 =	sor.u32 s26, s24;
	s22 =	sor.u32 s5, s20;
	s15 =	sadd.s32 $0x19800, s2;
	v6 =	vadd.f32 v6, v3;
	v7 =	vadd.f32 v7, v9;
	v9 =	vld [tilespmem:s7+$0x0]  }
0xcb: {  	s18 =	sor.u32 s0, s16;
	s16 =	sor.u32 s5, s15;
	s13 =	sadd.s32 $0x19980, s2;
	v2 =	vmov v8;
	v8 =	vld [tilespmem:s22+$0x0]  }
0xcc: {  	s19 =	sadd.s32 $0x19880, s2;
	s7 =	sor.u32 s0, s13;
	s13 =	sor.u32 s5, s13;
	v6 =	vadd.f32 v6, v11;
	v11 =	vld [tilespmem:s16+$0x0]  }
0xcd: {  	s4 =	sadd.s32 s4, s24;
	s14 =	sor.u32 $0x380, s6;
	s22 =	sor.u32 s5, s19;
	v13 =	vld [tilespmem:s13+$0x0]  }
0xce: {  	s8 =	sor.u32 $0x300, s4;
	s31 =	sor.u32 s0, s12;
	s12 =	sadd.s32 $0x19900, s2;
	v14 =	vld [tilespmem:s22+$0x0]  }
0xcf: {  	s4 =	sor.u32 s0, s20;
	s6 =	sor.u32 s0, s12;
	s12 =	sor.u32 s5, s12;
	v22 =	vld.idx.msk [tilespmem:v22+s3+$0x0], $0xffff  }
0xd0: {  	s20 =	sor.u32 s0, s15;
	s15 =	sor.u32 s0, s19;
	s19 =	sadd.s32 $0x19780, s2;
	v12 =	vld.idx.msk [tilespmem:v12+s3+$0x0], $0xffff  }
0xd1: {  	s22 =	sor.u32 s5, s19;
	v3 =	vmov v7;
	v7 =	vld [tilespmem:s12+$0x0];
	s12 =	sadd.s32 $0x19700, s2  }
0xd2: {  	s16 =	sadd.s32 $0x18700, s2;
	v6 =	vmul.f32 $5.000000070e-02, v6;
	v16 =	vld [tilespmem:s22+$0x0];
	s13 =	sor.u32 s0, s12;
	s12 =	sor.u32 s5, s12  }
0xd3: {  	v15 =	vld [tilespmem:s12+$0x0];
	s12 =	sor.u32 s0, s16;
	s16 =	sor.u32 s5, s16  }
0xd4: {  	[tilespmem:s28+$0x0] =	vst v6;
	v6 =	vld [tilespmem:s16+$0x0]  }
0xd5: {  	s25 =	sadd.s32 $0x2, s25;
	v17 =	vld [tilespmem:s16+$0x80]  }
0xd6: {  	s22 =	sand.u32 $0x7, s25;
	v18 =	vld [tilespmem:s16+$0x100]  }
0xd7: {  	s28 =	smov.u32 s1;
	s1 =	sshll.u32 s22, $0x4;
	v19 =	vld [tilespmem:s16+$0x180]  }
0xd8: {  	s1 =	sadd.s32 s24, s1;
	v20 =	vld [tilespmem:s16+$0x200]  }
0xd9: {  	v21 =	vld [tilespmem:s16+$0x280];
	s1 =	sadd.s32 $0x10, s1  }
0xda: {  	v4 =	vld.idx.msk [tilespmem:v4+s3+$0x0], $0xffff;
	s1 =	sor.u32 $0x300, s1  }
0xdb: {  	v23 =	vld [tilespmem:s1+$0x18700]  }
0xdc: {  	v6 =	vld.idx.msk [tilespmem:v6+s3+$0x0], $0xffff  }
0xdd: {  	v17 =	vld.idx.msk [tilespmem:v17+s3+$0x0], $0xffff  }
0xde: {  	v18 =	vld.idx.msk [tilespmem:v18+s3+$0x0], $0xffff  }
0xdf: {  	v19 =	vld.idx.msk [tilespmem:v19+s3+$0x0], $0xffff  }
0xe0: {  	v20 =	vld.idx.msk [tilespmem:v20+s3+$0x0], $0xffff  }
0xe1: {  	v21 =	vld.idx.msk [tilespmem:v21+s3+$0x0], $0xffff  }
0xe2: {  	v5 =	vld.idx.msk [tilespmem:v5+s3+$0x0], $0xffff  }
0xe3: {  	v23 =	vld.idx.msk [tilespmem:v23+s3+$0x0], $0xffff  }
0xe4: {  	v16 =	vld.idx.msk [tilespmem:v16+s3+$0x0], $0xffff;
	v6 =	vadd.f32 v18, v6;
	v17 =	vadd.f32 v19, v17  }
0xe5: {  	v15 =	vld.idx.msk [tilespmem:v15+s3+$0x0], $0xffff  }
0xe6: {  	v11 =	vld.idx.msk [tilespmem:v11+s3+$0x0], $0xffff;
	v6 =	vadd.f32 v20, v6;
	v17 =	vadd.f32 v21, v17  }
0xe7: {  	v14 =	vld.idx.msk [tilespmem:v14+s3+$0x0], $0xffff  }
0xe8: {  	v13 =	vld.idx.msk [tilespmem:v13+s3+$0x0], $0xffff;
	v6 =	vadd.f32 v23, v6;
	v17 =	vadd.f32 v22, v17  }
0xe9: {  	v7 =	vld.idx.msk [tilespmem:v7+s3+$0x0], $0xffff  }
0xea: {  	v9 =	vld.idx.msk [tilespmem:v9+s3+$0x0], $0xffff;
	v6 =	vadd.f32 v15, v6;
	v15 =	vadd.f32 v16, v17  }
0xeb: {  	v8 =	vld.idx.msk [tilespmem:v8+s3+$0x0], $0xffff  }
0xec: {  	v10 =	vld.idx.msk [tilespmem:v10+s3+$0x0], $0xffff;
	v6 =	vadd.f32 v11, v6;
	v11 =	vadd.f32 v14, v15  }
0xed: {  	v21 =	vld [tilespmem:s4+$0x0]  }
0xee: {  	v6 =	vadd.f32 v7, v6;
	v7 =	vadd.f32 v13, v11;
	v11 =	vld [tilespmem:s12+$0x0]  }
0xef: {  	v13 =	vld [tilespmem:s12+$0x80]  }
0xf0: {  	v6 =	vadd.f32 v9, v6;
	v7 =	vadd.f32 v8, v7;
	v8 =	vld [tilespmem:s12+$0x100]  }
0xf1: {  	v9 =	vld [tilespmem:s12+$0x180]  }
0xf2: {  	v6 =	vadd.f32 v12, v6;
	v7 =	vadd.f32 v10, v7;
	v10 =	vld [tilespmem:s12+$0x200]  }
0xf3: {  	v12 =	vld [tilespmem:s12+$0x280]  }
0xf4: {  	v4 =	vadd.f32 v4, v6;
	v5 =	vadd.f32 v5, v7;
	v6 =	vld [tilespmem:s8+$0x18700]  }
0xf5: {  	v7 =	vld [tilespmem:s14+$0x18700]  }
0xf6: {  	v4 =	vadd.f32 v5, v4;
	v5 =	vld.idx.msk [tilespmem:v11+s3+$0x0], $0xffff  }
0xf7: {  	s2 =	sor.u32 s0, s19;
	s19 =	sor.u32 s0, s10;
	s10 =	sor.u32 s0, s9;
	v11 =	vld.idx.msk [tilespmem:v13+s3+$0x0], $0xffff  }
0xf8: {  	s9 =	sor.u32 s0, s17;
	s17 =	sand.u32 $0x180, s26;
	s16 =	rddreg [dreg:$0x4];
	v13 =	vld [tilespmem:s2+$0x0]  }
0xf9: {  	s8 =	sadd.s32 s17, s16;
	v4 =	vmul.f32 $5.000000070e-02, v4;
	v8 =	vld.idx.msk [tilespmem:v8+s3+$0x0], $0xffff  }
0xfa: {  	s22 =	sadd.s32 s5, s8;
	v9 =	vld.idx.msk [tilespmem:v9+s3+$0x0], $0xffff  }
0xfb: {  	[tilespmem:s22+$0x0] =	vst v4;
	v4 =	vld [tilespmem:s13+$0x0]  }
0xfc: {  	v10 =	vld.idx.msk [tilespmem:v10+s3+$0x0], $0xffff  }
0xfd: {  	v12 =	vld.idx.msk [tilespmem:v12+s3+$0x0], $0xffff  }
0xfe: {  	v6 =	vld.idx.msk [tilespmem:v6+s3+$0x0], $0xffff  }
0xff: {  	v7 =	vld.idx.msk [tilespmem:v7+s3+$0x0], $0xffff  }
0x100: {  	v5 =	vadd.f32 v8, v5;
	v8 =	vld [tilespmem:s20+$0x0]  }
0x101: {  	v9 =	vadd.f32 v9, v11;
	v11 =	vld [tilespmem:s15+$0x0]  }
0x102: {  	v14 =	vld [tilespmem:s18+$0x0]  }
0x103: {  	v5 =	vadd.f32 v10, v5;
	v10 =	vld [tilespmem:s6+$0x0]  }
0x104: {  	v9 =	vadd.f32 v12, v9;
	v12 =	vld [tilespmem:s7+$0x0]  }
0x105: {  	v13 =	vld.idx.msk [tilespmem:v13+s3+$0x0], $0xffff  }
0x106: {  	v5 =	vadd.f32 v6, v5;
	v6 =	vadd.f32 v7, v9;
	v7 =	vld [tilespmem:s19+$0x0]  }
0x107: {  	v4 =	vld.idx.msk [tilespmem:v4+s3+$0x0], $0xffff  }
0x108: {  	v15 =	vld.idx.msk [tilespmem:v8+s3+$0x0], $0xffff  }
0x109: {  	s29 =	sadd.s32 $0x2, s29;
	v11 =	vld.idx.msk [tilespmem:v11+s3+$0x0], $0xffff  }
0x10a: {  	p0 =	slt.u32 s29, $0x1E;
	v8 =	vld [tilespmem:s31+$0x0]  }
.Ltmp0:
0x10b: {  	v10 =	vld.idx.msk [tilespmem:v10+s3+$0x0], $0xffff;
	(pc) =	sbr.rel @p0 .LBB2_3-.Ltmp0, $4  }
0x10c: {  	v4 =	vadd.f32 v4, v5;
	v9 =	vld.idx.msk [tilespmem:v12+s3+$0x0], $0xffff  }
0x10d: {  	v5 =	vadd.f32 v13, v6;
	v6 =	vld [tilespmem:s10+$0x0]  }
0x10e: {  	v12 =	vadd.f32 v15, v4;
	v4 =	vld [tilespmem:s9+$0x0]  }
0x10f: {  	s30 =	sadd.s32 $0x1, s30;
	s1 =	sadd.s32 s0, s8;
	v11 =	vadd.f32 v11, v5;
	v5 =	vld.idx.msk [tilespmem:v14+s3+$0x0], $0xffff  }
0x110: {  	_ =	sdelay $0x3  }
0x111: {  	v13 =	vld.idx.msk [tilespmem:v21+s3+$0x0], $0xffff  }
0x112: {  	v8 =	vld.idx.msk [tilespmem:v8+s3+$0x0], $0xffff  }
0x113: {  	v7 =	vld.idx.msk [tilespmem:v7+s3+$0x0], $0xffff  }
0x114: {  	v0 =	vld.idx.msk [tilespmem:v0+s3+$0x0], $0xffff  }
0x115: {  	v1 =	vld.idx.msk [tilespmem:v1+s3+$0x0], $0xffff  }
0x116: {  	v10 =	vadd.f32 v10, v12;
	v9 =	vadd.f32 v9, v11;
	v6 =	vld.idx.msk [tilespmem:v6+s3+$0x0], $0xffff  }
0x117: {  	v4 =	vld.idx.msk [tilespmem:v4+s3+$0x0], $0xffff  }
0x118: {  	v5 =	vadd.f32 v5, v10;
	v9 =	vadd.f32 v13, v9;
	_ =	sdelay $0x1  }
0x119: {  	v5 =	vadd.f32 v8, v5;
	v7 =	vadd.f32 v7, v9  }
0x11a: {  	v0 =	vadd.f32 v0, v2;
	v1 =	vadd.f32 v1, v3  }
0x11b: {  	v2 =	vadd.f32 v6, v5;
	v3 =	vadd.f32 v4, v7  }
0x11c: {  	v0 =	vadd.f32 v1, v0  }
0x11d: {  	v1 =	vadd.f32 v3, v2  }
0x11e: {  	v0 =	vmul.f32 $5.000000070e-02, v0  }
0x11f: {  	s0 =	sadd.s32 $0x400, s23;
	s31 =	rddreg [dreg:$0x1];
	s17 =	simm.s32 $0x1000;
	v1 =	vmul.f32 $5.000000070e-02, v1  }
0x120: {  	s2 =	simm.s32 $0x8000;
	s4 =	simm.s32 $0x18700;
	s0 =	sand.u32 $0xC00, s0;
	[tilespmem:s28+$0x0] =	vst v0  }
0x121: {  	s18 =	simm.s32 $0x3;
	s26 =	simm.s32 $0x0;
	s0 =	sadd.s32 s31, s0;
	[tilespmem:s1+$0x0] =	vst v1  }
0x122: {  	[tilespmem:s4], [sflag:$0x2] =	stream.strided.gather [hbm4b:s0+s17], $0x3000, s2, s17, $0x38;
	[tilespmem:$0x1F700] =	vst v63  }
0x123: {  	s14 =	simm.s32 $0x10;
	s13 =	sand.u32 $0xC00, s26;
	_ =	swait.ge [sflag:s18], $0x3000  }
0x124: {  	s25 =	sand.u32 $0x70, s14;
	s1 =	sadd.s32 $0x1D880, s13;
	s19 =	rddreg [dreg:$0xe]  }
0x125: {  	s0 =	sadd.s32 $0x1D800, s13;
	[sflag:s18] =	ssyncset.done $0x0;
	s20 =	sadd.s32 $0x1E700, s19  }
0x126: {  	s22 =	sor.u32 s25, s0;
	[sflag:s18] =	ssyncadd.s32 $0xFFFFD000;
	[dreg:$0x5] =	wrdreg s20  }
0x127: {  	s2 =	sadd.s32 $0x1D700, s13;
	s5 =	sor.u32 s25, s1;
	v0 =	vld [tilespmem:s22+$0x0]  }
0x128: {  	s4 =	sadd.s32 $0x1D780, s13;
	s6 =	sor.u32 s25, s2;
	v1 =	vld [tilespmem:s5+$0x0]  }
0x129: {  	s23 =	sadd.s32 $0x1C800, s13;
	s7 =	sor.u32 s25, s4;
	v2 =	vld [tilespmem:s6+$0x0]  }
0x12a: {  	s24 =	sadd.s32 $0x1C880, s13;
	s12 =	sor.u32 s25, s23;
	v3 =	vld [tilespmem:s7+$0x0]  }
0x12b: {  	s29 =	sadd.s32 $0x1C700, s13;
	s15 =	sor.u32 s25, s24;
	v8 =	vld [tilespmem:s12+$0x0]  }
0x12c: {  	s14 =	sor.u32 s14, s26;
	s16 =	sor.u32 s25, s29;
	v9 =	vld [tilespmem:s15+$0x0]  }
0x12d: {  	s30 =	sadd.s32 $0x1C780, s13;
	s14 =	sor.u32 $0x380, s14;
	v10 =	vld [tilespmem:s16+$0x0]  }
0x12e: {  	s20 =	sor.u32 s26, s26;
	s16 =	sor.u32 s25, s30;
	v18 =	vld [tilespmem:s14+$0x1B700]  }
0x12f: {  	s5 =	sadd.s32 $0x1CA00, s13;
	s22 =	sor.u32 $0x380, s20;
	v11 =	vld [tilespmem:s16+$0x0]  }
0x130: {  	s6 =	sadd.s32 $0x1CA80, s13;
	s8 =	sor.u32 s25, s5;
	v48 =	vld [tilespmem:s22+$0x1B700]  }
0x131: {  	s7 =	sadd.s32 $0x1C900, s13;
	s9 =	sor.u32 s25, s6;
	v4 =	vld [tilespmem:s8+$0x0]  }
0x132: {  	s28 =	sand.u32 $0x60, s26;
	s10 =	sor.u32 s25, s7;
	v5 =	vld [tilespmem:s9+$0x0]  }
0x133: {  	s5 =	sor.u32 s28, s5;
	v6 =	vld [tilespmem:s10+$0x0]  }
0x134: {  	s6 =	sor.u32 s28, s6;
	s8 =	sadd.s32 $0x1C980, s13;
	v40 =	vld [tilespmem:s5+$0x0]  }
0x135: {  	s13 =	sadd.s32 $0x1B700, s13;
	v41 =	vld [tilespmem:s6+$0x0];
	s11 =	sor.u32 s25, s8  }
0x136: {  	s17 =	sor.u32 s25, s13;
	v7 =	vld [tilespmem:s11+$0x0]  }
0x137: {  	v12 =	vld [tilespmem:s17+$0x0]  }
0x138: {  	s18 =	sand.u32 $0x7, s26;
	v13 =	vld [tilespmem:s17+$0x80]  }
0x139: {  	s15 =	sshll.u32 s18, $0x4;
	v14 =	vld [tilespmem:s17+$0x100]  }
0x13a: {  	s15 =	sadd.s32 $0x0, s15;
	v15 =	vld [tilespmem:s17+$0x180]  }
0x13b: {  	s15 =	sadd.s32 $0x10, s15;
	v16 =	vld [tilespmem:s17+$0x200]  }
0x13c: {  	s15 =	sor.u32 $0x300, s15;
	v17 =	vld [tilespmem:s17+$0x280]  }
0x13d: {  	v19 =	vld [tilespmem:s15+$0x1B700]  }
0x13e: {  	v32 =	vld.idx.msk [tilespmem:v18+s3+$0x0], $0xffff  }
0x13f: {  	v30 =	vld.idx.msk [tilespmem:v10+s3+$0x0], $0xffff  }
0x140: {  	v21 =	vld.idx.msk [tilespmem:v8+s3+$0x0], $0xffff  }
0x141: {  	v22 =	vld.idx.msk [tilespmem:v9+s3+$0x0], $0xffff  }
0x142: {  	v9 =	vld.idx.msk [tilespmem:v2+s3+$0x0], $0xffff  }
0x143: {  	v10 =	vld.idx.msk [tilespmem:v3+s3+$0x0], $0xffff  }
0x144: {  	s13 =	sor.u32 s28, s13;
	v8 =	vld.idx.msk [tilespmem:v1+s3+$0x0], $0xffff  }
0x145: {  	v1 =	vld [tilespmem:s13+$0x80]  }
0x146: {  	v2 =	vld [tilespmem:s13+$0x100]  }
0x147: {  	v3 =	vld [tilespmem:s13+$0x180]  }
0x148: {  	v31 =	vld.idx.msk [tilespmem:v11+s3+$0x0], $0xffff  }
0x149: {  	v18 =	vld.idx.msk [tilespmem:v48+s3+$0x0], $0xffff  }
0x14a: {  	v11 =	vld.idx.msk [tilespmem:v4+s3+$0x0], $0xffff  }
0x14b: {  	v4 =	vld [tilespmem:s13+$0x200]  }
0x14c: {  	v36 =	vld.idx.msk [tilespmem:v12+s3+$0x0], $0xffff  }
0x14d: {  	v37 =	vld.idx.msk [tilespmem:v13+s3+$0x0], $0xffff  }
0x14e: {  	v38 =	vld.idx.msk [tilespmem:v14+s3+$0x0], $0xffff  }
0x14f: {  	v39 =	vld.idx.msk [tilespmem:v15+s3+$0x0], $0xffff  }
0x150: {  	v34 =	vld.idx.msk [tilespmem:v16+s3+$0x0], $0xffff  }
0x151: {  	v35 =	vld.idx.msk [tilespmem:v17+s3+$0x0], $0xffff  }
0x152: {  	v33 =	vld.idx.msk [tilespmem:v19+s3+$0x0], $0xffff  }
0x153: {  	v14 =	vld.idx.msk [tilespmem:v6+s3+$0x0], $0xffff  }
0x154: {  	v15 =	vld.idx.msk [tilespmem:v7+s3+$0x0], $0xffff  }
0x155: {  	s19 =	sand.u32 $0x3, s26;
	v12 =	vld.idx.msk [tilespmem:v5+s3+$0x0], $0xffff  }
0x156: {  	s14 =	sshll.u32 s19, $0x5;
	v7 =	vld.idx.msk [tilespmem:v0+s3+$0x0], $0xffff  }
0x157: {  	s14 =	sadd.s32 $0x0, s14;
	v0 =	vld [tilespmem:s13+$0x0]  }
0x158: {  	s14 =	sor.u32 $0x300, s14;
	v5 =	vld [tilespmem:s13+$0x280]  }
0x159: {  	v6 =	vld [tilespmem:s14+$0x1B700]  }
0x15a: {  	v13 =	vld.idx.msk [tilespmem:v1+s3+$0x0], $0xffff  }
0x15b: {  	v24 =	vld.idx.msk [tilespmem:v2+s3+$0x0], $0xffff  }
0x15c: {  	s9 =	sor.u32 s28, s23;
	v16 =	vld.idx.msk [tilespmem:v3+s3+$0x0], $0xffff  }
0x15d: {  	s12 =	sor.u32 s28, s30;
	v2 =	vld [tilespmem:s9+$0x0]  }
0x15e: {  	s10 =	sor.u32 s28, s24;
	v1 =	vld [tilespmem:s12+$0x0]  }
0x15f: {  	v3 =	vld [tilespmem:s10+$0x0]  }
0x160: {  	s7 =	sor.u32 s28, s7;
	v25 =	vld.idx.msk [tilespmem:v4+s3+$0x0], $0xffff  }
0x161: {  	v4 =	vld [tilespmem:s7+$0x0]  }
0x162: {  	s11 =	sor.u32 s28, s29;
	v23 =	vld.idx.msk [tilespmem:v0+s3+$0x0], $0xffff  }
0x163: {  	v0 =	vld [tilespmem:s11+$0x0]  }
0x164: {  	v17 =	vld.idx.msk [tilespmem:v5+s3+$0x0], $0xffff  }
0x165: {  	s2 =	sor.u32 s28, s2;
	v28 =	vld.idx.msk [tilespmem:v2+s3+$0x0], $0xffff  }
0x166: {  	v2 =	vld [tilespmem:s2+$0x0]  }
0x167: {  	s8 =	sor.u32 s28, s8;
	v26 =	vld.idx.msk [tilespmem:v6+s3+$0x0], $0xffff  }
0x168: {  	v5 =	vld [tilespmem:s8+$0x0]  }
0x169: {  	v19 =	vld.idx.msk [tilespmem:v1+s3+$0x0], $0xffff  }
0x16a: {  	s4 =	sor.u32 s28, s4;
	v20 =	vld.idx.msk [tilespmem:v3+s3+$0x0], $0xffff  }
0x16b: {  	s1 =	sor.u32 s28, s1;
	v3 =	vld [tilespmem:s4+$0x0]  }
0x16c: {  	v1 =	vld [tilespmem:s1+$0x0]  }
0x16d: {  	v29 =	vld.idx.msk [tilespmem:v4+s3+$0x0], $0xffff  }
0x16e: {  	v2 =	vld.idx.msk [tilespmem:v2+s3+$0x0], $0xffff  }
0x16f: {  	v4 =	vld.idx.msk [tilespmem:v40+s3+$0x0], $0xffff  }
0x170: {  	v27 =	vld.idx.msk [tilespmem:v0+s3+$0x0], $0xffff  }
0x171: {  	s0 =	sor.u32 s28, s0;
	v6 =	vld.idx.msk [tilespmem:v5+s3+$0x0], $0xffff  }
0x172: {  	v0 =	vld [tilespmem:s0+$0x0]  }
0x173: {  	v5 =	vld.idx.msk [tilespmem:v41+s3+$0x0], $0xffff;
	[tilespmem:$0x1FFC0] =	vst v2  }
0x174: {  	v2 =	vld.idx.msk [tilespmem:v3+s3+$0x0], $0xffff;
	_ =	sdelay $0x1  }
0x175: {  	s22 =	simm.s32 $0x100  }
0x176: {  	s23 =	sand.u32 $0xC00, s22;
	s24 =	simm.s32 $0x30  }
0x177: {  	s4 =	sadd.s32 $0x1D800, s23;
	s0 =	sand.u32 $0x70, s24  }
0x178: {  	s1 =	sadd.s32 $0x1D880, s23;
	s9 =	sor.u32 s0, s4;
	[tilespmem:$0x1FFD0] =	vst v2  }
0x179: {  	s5 =	sadd.s32 $0x1D700, s23;
	s10 =	sor.u32 s0, s1;
	v40 =	vld [tilespmem:s9+$0x0]  }
0x17a: {  	s6 =	sadd.s32 $0x1D780, s23;
	s11 =	sor.u32 s0, s5;
	v41 =	vld [tilespmem:s10+$0x0]  }
0x17b: {  	s8 =	sadd.s32 $0x1CA00, s23;
	s12 =	sor.u32 s0, s6;
	v42 =	vld [tilespmem:s11+$0x0]  }
0x17c: {  	s2 =	sadd.s32 $0x1CA80, s23;
	s14 =	sor.u32 s0, s8;
	v43 =	vld [tilespmem:s12+$0x0]  }
0x17d: {  	s20 =	sadd.s32 $0x1B700, s23;
	s15 =	sor.u32 s0, s2;
	v44 =	vld [tilespmem:s14+$0x0]  }
0x17e: {  	s30 =	sor.u32 s0, s20;
	v45 =	vld [tilespmem:s15+$0x0]  }
0x17f: {  	v52 =	vld [tilespmem:s30+$0x0]  }
0x180: {  	v53 =	vld [tilespmem:s30+$0x80]  }
0x181: {  	v54 =	vld [tilespmem:s30+$0x100]  }
0x182: {  	v55 =	vld [tilespmem:s30+$0x180]  }
0x183: {  	s13 =	sor.u32 s24, s22;
	v56 =	vld [tilespmem:s30+$0x200]  }
0x184: {  	s13 =	sor.u32 $0x380, s13;
	s10 =	sadd.s32 $0x1C900, s23;
	v57 =	vld [tilespmem:s30+$0x280]  }
0x185: {  	s9 =	sadd.s32 $0x1C980, s23;
	s12 =	sadd.s32 $0x1C800, s23;
	v58 =	vld [tilespmem:s13+$0x1B700];
	s16 =	sor.u32 s0, s10  }
0x186: {  	s11 =	sadd.s32 $0x1C880, s23;
	s14 =	sadd.s32 $0x1C700, s23;
	s17 =	sor.u32 s0, s9;
	v46 =	vld [tilespmem:s16+$0x0]  }
0x187: {  	v36 =	vadd.f32 v38, v36;
	s18 =	sor.u32 s0, s12;
	v47 =	vld [tilespmem:s17+$0x0];
	s16 =	sadd.s32 $0x1C780, s23;
	s23 =	simm.s32 $0x2  }
0x188: {  	s19 =	sor.u32 s0, s11;
	v48 =	vld [tilespmem:s18+$0x0];
	s18 =	sand.u32 $0x7, s23  }
0x189: {  	v34 =	vadd.f32 v34, v36;
	s24 =	simm.s32 $0x20;
	v49 =	vld [tilespmem:s19+$0x0];
	s29 =	sor.u32 s0, s16;
	s7 =	sshll.u32 s18, $0x4  }
0x18a: {  	s17 =	sor.u32 s0, s14;
	v51 =	vld [tilespmem:s29+$0x0];
	s29 =	sor.u32 s24, s22;
	s7 =	sadd.s32 $0x100, s7  }
0x18b: {  	v33 =	vadd.f32 v33, v34;
	v50 =	vld [tilespmem:s17+$0x0];
	s30 =	sor.u32 $0x380, s29;
	s7 =	sadd.s32 $0x10, s7  }
0x18c: {  	v37 =	vadd.f32 v39, v37;
	v39 =	vld [tilespmem:s30+$0x1B700];
	s7 =	sor.u32 $0x300, s7  }
0x18d: {  	v30 =	vadd.f32 v30, v33;
	v59 =	vld [tilespmem:s7+$0x1B700]  }
0x18e: {  	v52 =	vld.idx.msk [tilespmem:v52+s3+$0x0], $0xffff  }
0x18f: {  	v30 =	vadd.f32 v21, v30;
	v53 =	vld.idx.msk [tilespmem:v53+s3+$0x0], $0xffff  }
0x190: {  	v54 =	vld.idx.msk [tilespmem:v54+s3+$0x0], $0xffff  }
0x191: {  	v14 =	vadd.f32 v14, v30;
	v55 =	vld.idx.msk [tilespmem:v55+s3+$0x0], $0xffff  }
0x192: {  	v56 =	vld.idx.msk [tilespmem:v56+s3+$0x0], $0xffff  }
0x193: {  	v11 =	vadd.f32 v11, v14;
	v57 =	vld.idx.msk [tilespmem:v57+s3+$0x0], $0xffff  }
0x194: {  	v58 =	vld.idx.msk [tilespmem:v58+s3+$0x0], $0xffff  }
0x195: {  	v9 =	vadd.f32 v9, v11;
	v11 =	vld.idx.msk [tilespmem:v44+s3+$0x0], $0xffff  }
0x196: {  	s7 =	sand.u32 $0x60, s24;
	v45 =	vld.idx.msk [tilespmem:v45+s3+$0x0], $0xffff  }
0x197: {  	v7 =	vadd.f32 v7, v9;
	v9 =	vld.idx.msk [tilespmem:v42+s3+$0x0], $0xffff;
	s19 =	sor.u32 s7, s20  }
0x198: {  	v60 =	vld [tilespmem:s19+$0x0]  }
0x199: {  	v61 =	vld [tilespmem:s19+$0x80]  }
0x19a: {  	v62 =	vld [tilespmem:s19+$0x100]  }
0x19b: {  	v63 =	vld [tilespmem:s19+$0x180]  }
0x19c: {  	v35 =	vadd.f32 v35, v37;
	v2 =	vld [tilespmem:s19+$0x200]  }
0x19d: {  	s14 =	sor.u32 s7, s14;
	v3 =	vld [tilespmem:s19+$0x280]  }
0x19e: {  	v32 =	vadd.f32 v32, v35;
	s16 =	sor.u32 s7, s16;
	v36 =	vld [tilespmem:s14+$0x0]  }
0x19f: {  	s12 =	sor.u32 s7, s12;
	v37 =	vld [tilespmem:s16+$0x0]  }
0x1a0: {  	v31 =	vadd.f32 v31, v32;
	s11 =	sor.u32 s7, s11;
	v34 =	vld [tilespmem:s12+$0x0]  }
0x1a1: {  	s10 =	sor.u32 s7, s10;
	v35 =	vld [tilespmem:s11+$0x0]  }
0x1a2: {  	v22 =	vadd.f32 v22, v31;
	s9 =	sor.u32 s7, s9;
	v32 =	vld [tilespmem:s10+$0x0]  }
0x1a3: {  	s8 =	sor.u32 s7, s8;
	v33 =	vld [tilespmem:s9+$0x0]  }
0x1a4: {  	v15 =	vadd.f32 v15, v22;
	s2 =	sor.u32 s7, s2;
	v31 =	vld [tilespmem:s8+$0x0]  }
0x1a5: {  	v21 =	vld [tilespmem:s2+$0x0]  }
0x1a6: {  	v12 =	vadd.f32 v12, v15;
	v22 =	vld.idx.msk [tilespmem:v48+s3+$0x0], $0xffff  }
0x1a7: {  	v49 =	vld.idx.msk [tilespmem:v49+s3+$0x0], $0xffff  }
0x1a8: {  	v10 =	vadd.f32 v10, v12;
	v14 =	vld.idx.msk [tilespmem:v46+s3+$0x0], $0xffff  }
0x1a9: {  	v59 =	vld.idx.msk [tilespmem:v59+s3+$0x0], $0xffff  }
0x1aa: {  	v8 =	vadd.f32 v8, v10;
	v15 =	vld.idx.msk [tilespmem:v47+s3+$0x0], $0xffff;
	v12 =	vadd.f32 v54, v52  }
0x1ab: {  	s20 =	simm.s32 $0x1;
	v50 =	vld.idx.msk [tilespmem:v50+s3+$0x0], $0xffff;
	v53 =	vadd.f32 v55, v53  }
0x1ac: {  	s15 =	sand.u32 $0x3, s20;
	v51 =	vld.idx.msk [tilespmem:v51+s3+$0x0], $0xffff;
	v55 =	vadd.f32 v8, v7;
	v10 =	vadd.f32 v56, v12  }
0x1ad: {  	s15 =	sshll.u32 s15, $0x5;
	v54 =	vld.idx.msk [tilespmem:v43+s3+$0x0], $0xffff;
	v7 =	vadd.f32 v24, v23;
	v12 =	vadd.f32 v57, v53  }
0x1ae: {  	s15 =	sadd.s32 $0x100, s15;
	v8 =	vld.idx.msk [tilespmem:v40+s3+$0x0], $0xffff;
	v10 =	vadd.f32 v59, v10  }
0x1af: {  	s15 =	sor.u32 $0x300, s15;
	v23 =	vld.idx.msk [tilespmem:v41+s3+$0x0], $0xffff;
	v7 =	vadd.f32 v25, v7;
	v12 =	vadd.f32 v58, v12  }
0x1b0: {  	v13 =	vadd.f32 v16, v13;
	v38 =	vld [tilespmem:s15+$0x1B700];
	v10 =	vadd.f32 v50, v10  }
0x1b1: {  	v7 =	vadd.f32 v26, v7;
	v56 =	vld.idx.msk [tilespmem:v60+s3+$0x0], $0xffff;
	v12 =	vadd.f32 v51, v12  }
0x1b2: {  	v13 =	vadd.f32 v17, v13;
	v57 =	vld.idx.msk [tilespmem:v61+s3+$0x0], $0xffff;
	v10 =	vadd.f32 v22, v10  }
0x1b3: {  	v7 =	vadd.f32 v27, v7;
	v12 =	vadd.f32 v49, v12;
	v22 =	vld.idx.msk [tilespmem:v63+s3+$0x0], $0xffff  }
0x1b4: {  	v13 =	vadd.f32 v18, v13;
	v58 =	vld.idx.msk [tilespmem:v62+s3+$0x0], $0xffff;
	v10 =	vadd.f32 v14, v10  }
0x1b5: {  	v3 =	vld.idx.msk [tilespmem:v3+s3+$0x0], $0xffff;
	v7 =	vadd.f32 v28, v7;
	v12 =	vadd.f32 v15, v12  }
0x1b6: {  	v13 =	vadd.f32 v19, v13;
	v2 =	vld.idx.msk [tilespmem:v2+s3+$0x0], $0xffff;
	v10 =	vadd.f32 v11, v10  }
0x1b7: {  	v15 =	vadd.f32 v29, v7;
	v11 =	vadd.f32 v45, v12;
	v12 =	vld.idx.msk [tilespmem:v39+s3+$0x0], $0xffff  }
0x1b8: {  	v14 =	vld.idx.msk [tilespmem:v38+s3+$0x0], $0xffff;
	v60 =	vadd.f32 v22, v57;
	v7 =	vadd.f32 v9, v10  }
0x1b9: {  	v61 =	vld.idx.msk [tilespmem:v34+s3+$0x0], $0xffff;
	v9 =	vadd.f32 v54, v11;
	v11 =	vadd.f32 v58, v56  }
0x1ba: {  	v59 =	vld.idx.msk [tilespmem:v36+s3+$0x0], $0xffff;
	v3 =	vadd.f32 v3, v60  }
0x1bb: {  	v13 =	vadd.f32 v20, v13;
	s29 =	sand.u32 $0x180, s26;
	s17 =	sor.u32 s7, s5;
	s19 =	rddreg [dreg:$0x5];
	v10 =	vld.idx.msk [tilespmem:v37+s3+$0x0], $0xffff;
	v2 =	vadd.f32 v2, v11  }
0x1bc: {  	s4 =	sor.u32 s7, s4;
	s2 =	sadd.s32 s29, s19;
	v62 =	vadd.f32 v8, v7;
	v8 =	vld [tilespmem:s17+$0x0];
	v3 =	vadd.f32 v12, v3;
	v12 =	vmul.f32 $5.000000070e-02, v55  }
0x1bd: {  	v11 =	vadd.f32 v6, v13;
	v6 =	vld [tilespmem:s4+$0x0];
	s4 =	sadd.s32 s25, s2;
	v2 =	vadd.f32 v14, v2  }
0x1be: {  	v9 =	vadd.f32 v23, v9;
	v13 =	vld.idx.msk [tilespmem:v35+s3+$0x0], $0xffff;
	[tilespmem:s4+$0x0] =	vst v12  }
0x1bf: {  	v14 =	vadd.f32 v4, v15;
	v15 =	vadd.f32 v59, v2;
	v2 =	vld [tilespmem:$0x1FFC0]  }
0x1c0: {  	s18 =	sor.u32 s7, s6;
	v9 =	vadd.f32 v9, v62;
	v63 =	vadd.f32 v10, v3;
	v3 =	vld [tilespmem:$0x1FFD0]  }
0x1c1: {  	s30 =	sand.u32 $0x180, s24;
	s1 =	sor.u32 s7, s1;
	s20 =	rddreg [dreg:$0x5];
	v7 =	vld [tilespmem:s18+$0x0]  }
0x1c2: {  	v5 =	vadd.f32 v5, v11;
	v4 =	vld [tilespmem:s1+$0x0];
	s1 =	sadd.s32 s30, s20;
	v11 =	vmul.f32 $5.000000070e-02, v9  }
0x1c3: {  	v10 =	vld.idx.msk [tilespmem:v32+s3+$0x0], $0xffff;
	s0 =	sadd.s32 s0, s1  }
0x1c4: {  	s26 =	simm.s32 $0x2;
	v9 =	vld.idx.msk [tilespmem:v33+s3+$0x0], $0xffff;
	[tilespmem:s0+$0x0] =	vst v11;
	v12 =	vadd.f32 v61, v15;
	v11 =	vadd.f32 v13, v63  }
0x1c5: {  	s25 =	sadd.s32 s28, s2;
	s28 =	simm.s32 $0x2;
	s1 =	sadd.s32 s7, s1;
	v2 =	vadd.f32 v2, v14;
	v3 =	vadd.f32 v3, v5;
	v5 =	vld.idx.msk [tilespmem:v31+s3+$0x0], $0xffff  }
.LBB2_5:
0x1c6: {  	_ = 	snop  }
0x1c7: {  	v13 =	vld.idx.msk [tilespmem:v21+s3+$0x0], $0xffff  }
0x1c8: {  	s22 =	sadd.s32 $0x100, s22;
	s24 =	sadd.s32 $0x20, s24;
	v8 =	vld.idx.msk [tilespmem:v8+s3+$0x0], $0xffff  }
0x1c9: {  	s2 =	sand.u32 $0xC00, s22;
	s11 =	sadd.s32 $0x10, s24;
	v7 =	vld.idx.msk [tilespmem:v7+s3+$0x0], $0xffff  }
0x1ca: {  	s9 =	sadd.s32 $0x1D800, s2;
	s5 =	sand.u32 $0x70, s11;
	v9 =	vadd.f32 v9, v11;
	v11 =	vld.idx.msk [tilespmem:v0+s3+$0x0], $0xffff  }
0x1cb: {  	s12 =	sadd.s32 $0x1D700, s2;
	s7 =	sor.u32 s5, s9;
	v0 =	vmov v6;
	v6 =	vld.idx.msk [tilespmem:v1+s3+$0x0], $0xffff  }
0x1cc: {  	s11 =	sor.u32 s11, s22;
	s15 =	sor.u32 s5, s12;
	v10 =	vadd.f32 v10, v12;
	v1 =	vmov v4;
	v4 =	vld [tilespmem:s7+$0x0]  }
0x1cd: {  	s17 =	sadd.s32 $0x1D880, s2;
	s11 =	sor.u32 $0x380, s11;
	v12 =	vld [tilespmem:s15+$0x0]  }
0x1ce: {  	s0 =	sand.u32 $0x3, s28;
	s10 =	sadd.s32 $0x1D780, s2;
	s13 =	sor.u32 s5, s17;
	v22 =	vld [tilespmem:s11+$0x1B700];
	v10 =	vadd.f32 v5, v10  }
0x1cf: {  	s4 =	sshll.u32 s0, $0x5;
	s16 =	sadd.s32 $0x1CA00, s2;
	s19 =	sor.u32 s5, s10;
	v5 =	vld [tilespmem:s13+$0x0];
	v9 =	vadd.f32 v13, v9  }
0x1d0: {  	s0 =	sand.u32 $0x60, s24;
	s20 =	sadd.s32 $0x1CA80, s2;
	s7 =	sor.u32 s5, s16;
	v8 =	vadd.f32 v8, v10;
	v10 =	vld [tilespmem:s19+$0x0];
	v11 =	vadd.f32 v11, v2  }
0x1d1: {  	s6 =	sor.u32 s24, s22;
	s30 =	sor.u32 s5, s20;
	s15 =	sadd.s32 $0x1C800, s2;
	v6 =	vadd.f32 v6, v3;
	v7 =	vadd.f32 v7, v9;
	v9 =	vld [tilespmem:s7+$0x0]  }
0x1d2: {  	s18 =	sor.u32 s0, s16;
	s16 =	sor.u32 s5, s15;
	s13 =	sadd.s32 $0x1C980, s2;
	v2 =	vmov v8;
	v8 =	vld [tilespmem:s30+$0x0]  }
0x1d3: {  	s19 =	sadd.s32 $0x1C880, s2;
	s7 =	sor.u32 s0, s13;
	s13 =	sor.u32 s5, s13;
	v6 =	vadd.f32 v6, v11;
	v11 =	vld [tilespmem:s16+$0x0]  }
0x1d4: {  	s4 =	sadd.s32 s4, s22;
	s14 =	sor.u32 $0x380, s6;
	s30 =	sor.u32 s5, s19;
	v13 =	vld [tilespmem:s13+$0x0]  }
0x1d5: {  	s8 =	sor.u32 $0x300, s4;
	s29 =	sor.u32 s0, s12;
	s12 =	sadd.s32 $0x1C900, s2;
	v14 =	vld [tilespmem:s30+$0x0]  }
0x1d6: {  	s4 =	sor.u32 s0, s20;
	s6 =	sor.u32 s0, s12;
	s12 =	sor.u32 s5, s12;
	v22 =	vld.idx.msk [tilespmem:v22+s3+$0x0], $0xffff  }
0x1d7: {  	s20 =	sor.u32 s0, s15;
	s15 =	sor.u32 s0, s19;
	s19 =	sadd.s32 $0x1C780, s2;
	v12 =	vld.idx.msk [tilespmem:v12+s3+$0x0], $0xffff  }
0x1d8: {  	s30 =	sor.u32 s5, s19;
	v3 =	vmov v7;
	v7 =	vld [tilespmem:s12+$0x0];
	s12 =	sadd.s32 $0x1C700, s2  }
0x1d9: {  	s16 =	sadd.s32 $0x1B700, s2;
	v6 =	vmul.f32 $5.000000070e-02, v6;
	v16 =	vld [tilespmem:s30+$0x0];
	s13 =	sor.u32 s0, s12;
	s12 =	sor.u32 s5, s12  }
0x1da: {  	v15 =	vld [tilespmem:s12+$0x0];
	s12 =	sor.u32 s0, s16;
	s16 =	sor.u32 s5, s16  }
0x1db: {  	[tilespmem:s25+$0x0] =	vst v6;
	v6 =	vld [tilespmem:s16+$0x0]  }
0x1dc: {  	s23 =	sadd.s32 $0x2, s23;
	v17 =	vld [tilespmem:s16+$0x80]  }
0x1dd: {  	s30 =	sand.u32 $0x7, s23;
	v18 =	vld [tilespmem:s16+$0x100]  }
0x1de: {  	s25 =	smov.u32 s1;
	s1 =	sshll.u32 s30, $0x4;
	v19 =	vld [tilespmem:s16+$0x180]  }
0x1df: {  	s1 =	sadd.s32 s22, s1;
	v20 =	vld [tilespmem:s16+$0x200]  }
0x1e0: {  	v21 =	vld [tilespmem:s16+$0x280];
	s1 =	sadd.s32 $0x10, s1  }
0x1e1: {  	v4 =	vld.idx.msk [tilespmem:v4+s3+$0x0], $0xffff;
	s1 =	sor.u32 $0x300, s1  }
0x1e2: {  	v23 =	vld [tilespmem:s1+$0x1B700]  }
0x1e3: {  	v6 =	vld.idx.msk [tilespmem:v6+s3+$0x0], $0xffff  }
0x1e4: {  	v17 =	vld.idx.msk [tilespmem:v17+s3+$0x0], $0xffff  }
0x1e5: {  	v18 =	vld.idx.msk [tilespmem:v18+s3+$0x0], $0xffff  }
0x1e6: {  	v19 =	vld.idx.msk [tilespmem:v19+s3+$0x0], $0xffff  }
0x1e7: {  	v20 =	vld.idx.msk [tilespmem:v20+s3+$0x0], $0xffff  }
0x1e8: {  	v21 =	vld.idx.msk [tilespmem:v21+s3+$0x0], $0xffff  }
0x1e9: {  	v5 =	vld.idx.msk [tilespmem:v5+s3+$0x0], $0xffff  }
0x1ea: {  	v23 =	vld.idx.msk [tilespmem:v23+s3+$0x0], $0xffff  }
0x1eb: {  	v16 =	vld.idx.msk [tilespmem:v16+s3+$0x0], $0xffff;
	v6 =	vadd.f32 v18, v6;
	v17 =	vadd.f32 v19, v17  }
0x1ec: {  	v15 =	vld.idx.msk [tilespmem:v15+s3+$0x0], $0xffff  }
0x1ed: {  	v11 =	vld.idx.msk [tilespmem:v11+s3+$0x0], $0xffff;
	v6 =	vadd.f32 v20, v6;
	v17 =	vadd.f32 v21, v17  }
0x1ee: {  	v14 =	vld.idx.msk [tilespmem:v14+s3+$0x0], $0xffff  }
0x1ef: {  	v13 =	vld.idx.msk [tilespmem:v13+s3+$0x0], $0xffff;
	v6 =	vadd.f32 v23, v6;
	v17 =	vadd.f32 v22, v17  }
0x1f0: {  	v7 =	vld.idx.msk [tilespmem:v7+s3+$0x0], $0xffff  }
0x1f1: {  	v9 =	vld.idx.msk [tilespmem:v9+s3+$0x0], $0xffff;
	v6 =	vadd.f32 v15, v6;
	v15 =	vadd.f32 v16, v17  }
0x1f2: {  	v8 =	vld.idx.msk [tilespmem:v8+s3+$0x0], $0xffff  }
0x1f3: {  	v10 =	vld.idx.msk [tilespmem:v10+s3+$0x0], $0xffff;
	v6 =	vadd.f32 v11, v6;
	v11 =	vadd.f32 v14, v15  }
0x1f4: {  	v21 =	vld [tilespmem:s4+$0x0]  }
0x1f5: {  	v6 =	vadd.f32 v7, v6;
	v7 =	vadd.f32 v13, v11;
	v11 =	vld [tilespmem:s12+$0x0]  }
0x1f6: {  	v13 =	vld [tilespmem:s12+$0x80]  }
0x1f7: {  	v6 =	vadd.f32 v9, v6;
	v7 =	vadd.f32 v8, v7;
	v8 =	vld [tilespmem:s12+$0x100]  }
0x1f8: {  	v9 =	vld [tilespmem:s12+$0x180]  }
0x1f9: {  	v6 =	vadd.f32 v12, v6;
	v7 =	vadd.f32 v10, v7;
	v10 =	vld [tilespmem:s12+$0x200]  }
0x1fa: {  	v12 =	vld [tilespmem:s12+$0x280]  }
0x1fb: {  	v4 =	vadd.f32 v4, v6;
	v5 =	vadd.f32 v5, v7;
	v6 =	vld [tilespmem:s8+$0x1B700]  }
0x1fc: {  	v7 =	vld [tilespmem:s14+$0x1B700]  }
0x1fd: {  	v4 =	vadd.f32 v5, v4;
	v5 =	vld.idx.msk [tilespmem:v11+s3+$0x0], $0xffff  }
0x1fe: {  	s2 =	sor.u32 s0, s19;
	s19 =	sor.u32 s0, s10;
	s10 =	sor.u32 s0, s9;
	v11 =	vld.idx.msk [tilespmem:v13+s3+$0x0], $0xffff  }
0x1ff: {  	s9 =	sor.u32 s0, s17;
	s17 =	sand.u32 $0x180, s24;
	s16 =	rddreg [dreg:$0x5];
	v13 =	vld [tilespmem:s2+$0x0]  }
0x200: {  	s8 =	sadd.s32 s17, s16;
	v4 =	vmul.f32 $5.000000070e-02, v4;
	v8 =	vld.idx.msk [tilespmem:v8+s3+$0x0], $0xffff  }
0x201: {  	s30 =	sadd.s32 s5, s8;
	v9 =	vld.idx.msk [tilespmem:v9+s3+$0x0], $0xffff  }
0x202: {  	[tilespmem:s30+$0x0] =	vst v4;
	v4 =	vld [tilespmem:s13+$0x0]  }
0x203: {  	v10 =	vld.idx.msk [tilespmem:v10+s3+$0x0], $0xffff  }
0x204: {  	v12 =	vld.idx.msk [tilespmem:v12+s3+$0x0], $0xffff  }
0x205: {  	v6 =	vld.idx.msk [tilespmem:v6+s3+$0x0], $0xffff  }
0x206: {  	v7 =	vld.idx.msk [tilespmem:v7+s3+$0x0], $0xffff  }
0x207: {  	v5 =	vadd.f32 v8, v5;
	v8 =	vld [tilespmem:s20+$0x0]  }
0x208: {  	v9 =	vadd.f32 v9, v11;
	v11 =	vld [tilespmem:s15+$0x0]  }
0x209: {  	v14 =	vld [tilespmem:s18+$0x0]  }
0x20a: {  	v5 =	vadd.f32 v10, v5;
	v10 =	vld [tilespmem:s6+$0x0]  }
0x20b: {  	v9 =	vadd.f32 v12, v9;
	v12 =	vld [tilespmem:s7+$0x0]  }
0x20c: {  	v13 =	vld.idx.msk [tilespmem:v13+s3+$0x0], $0xffff  }
0x20d: {  	v5 =	vadd.f32 v6, v5;
	v6 =	vadd.f32 v7, v9;
	v7 =	vld [tilespmem:s19+$0x0]  }
0x20e: {  	v4 =	vld.idx.msk [tilespmem:v4+s3+$0x0], $0xffff  }
0x20f: {  	v15 =	vld.idx.msk [tilespmem:v8+s3+$0x0], $0xffff  }
0x210: {  	s26 =	sadd.s32 $0x2, s26;
	v11 =	vld.idx.msk [tilespmem:v11+s3+$0x0], $0xffff  }
0x211: {  	p0 =	slt.u32 s26, $0x1E;
	v8 =	vld [tilespmem:s29+$0x0]  }
.Ltmp1:
0x212: {  	v10 =	vld.idx.msk [tilespmem:v10+s3+$0x0], $0xffff;
	(pc) =	sbr.rel @p0 .LBB2_5-.Ltmp1, $4  }
0x213: {  	v4 =	vadd.f32 v4, v5;
	v9 =	vld.idx.msk [tilespmem:v12+s3+$0x0], $0xffff  }
0x214: {  	v5 =	vadd.f32 v13, v6;
	v6 =	vld [tilespmem:s10+$0x0]  }
0x215: {  	v12 =	vadd.f32 v15, v4;
	v4 =	vld [tilespmem:s9+$0x0]  }
0x216: {  	s28 =	sadd.s32 $0x1, s28;
	s1 =	sadd.s32 s0, s8;
	v11 =	vadd.f32 v11, v5;
	v5 =	vld.idx.msk [tilespmem:v14+s3+$0x0], $0xffff  }
0x217: {  	_ =	sdelay $0x3  }
0x218: {  	v13 =	vld.idx.msk [tilespmem:v21+s3+$0x0], $0xffff  }
0x219: {  	v8 =	vld.idx.msk [tilespmem:v8+s3+$0x0], $0xffff  }
0x21a: {  	v7 =	vld.idx.msk [tilespmem:v7+s3+$0x0], $0xffff  }
0x21b: {  	v0 =	vld.idx.msk [tilespmem:v0+s3+$0x0], $0xffff  }
0x21c: {  	v1 =	vld.idx.msk [tilespmem:v1+s3+$0x0], $0xffff  }
0x21d: {  	v10 =	vadd.f32 v10, v12;
	v9 =	vadd.f32 v9, v11;
	v6 =	vld.idx.msk [tilespmem:v6+s3+$0x0], $0xffff  }
0x21e: {  	v4 =	vld.idx.msk [tilespmem:v4+s3+$0x0], $0xffff  }
0x21f: {  	v5 =	vadd.f32 v5, v10;
	v9 =	vadd.f32 v13, v9;
	_ =	sdelay $0x1  }
0x220: {  	v5 =	vadd.f32 v8, v5;
	v7 =	vadd.f32 v7, v9  }
0x221: {  	v0 =	vadd.f32 v0, v2;
	v1 =	vadd.f32 v1, v3  }
0x222: {  	s21 =	sadd.s32 $0x1, s21;
	v61 =	vadd.f32 v6, v5;
	v62 =	vadd.f32 v4, v7  }
0x223: {  	p0 =	sne.s32 s21, $0x4;
	v0 =	vadd.f32 v1, v0  }
.Ltmp2:
0x224: {  	v63 =	vadd.f32 v62, v61;
	(pc) =	sbr.rel @p0 .LBB2_2-.Ltmp2, $4  }
0x225: {  	v0 =	vmul.f32 $5.000000070e-02, v0  }
0x226: {  	v1 =	vmul.f32 $5.000000070e-02, v63  }
0x227: {  	[tilespmem:s25+$0x0] =	vst v0  }
0x228: {  	[tilespmem:s1+$0x0] =	vst v1  }
0x229: {  	s0 =	simm.s32 $0x2  }
0x22a: {  	s1 =	simm.s32 $0x80;
	_ =	swait.ge [sflag:s0], $0x3000  }
0x22b: {  	s2 =	simm.s32 $0x400;
	s4 =	simm.s32 $0x1E700;
	[sflag:s0] =	ssyncset.done $0x0  }
0x22c: {  	s23 =	simm.s32 $0x4;
	s22 =	rddreg [dreg:$0x9];
	[sflag:s0] =	ssyncadd.s32 $0xFFFFD000  }
0x22d: {  	[hbm4b:s22+s1] =	stream.strided.scatter [tilespmem:s4], [sflag:$0x4], $0x1000, s2, s1, $0x38;
	[tilespmem:$0x1F700] =	vst v63  }
0x22e: {  	_ =	swait.ge [sflag:s23], $0x1000  }
0x22f: {  	s24 =	simm.s32 $0x0;
	[sflag:s23] =	ssyncset.done $0x0  }
0x230: {  	s26 =	simm.s32 $0x1000;
	s25 =	rddreg [dreg:$0xa];
	[sflag:s23] =	ssyncadd.s32 $0xFFFFF000  }
0x231: {  	[tilespmem:s24], [sflag:$0x1] =	stream.strided.gather [hbm4b:s25+s1], $0x18700, s2, s1, $0x38;
	[tilespmem:$0x1F700] =	vst v63  }
0x232: {  	s28 =	simm.s32 $0x8000;
	s29 =	simm.s32 $0x18700;
	s30 =	simm.s32 $0x1  }
0x233: {  	[tilespmem:s29], [sflag:$0x2] =	stream.strided.gather [hbm4b:s31+s26], $0x3000, s28, s26, $0x38;
	[tilespmem:$0x1F700] =	vst v63  }
0x234: {  	_ =	swait.ge [sflag:s30], $0x18700  }
0x235: {  	[sflag:s30] =	ssyncset.done $0x0  }
0x236: {  	s22 =	simm.s32 $0x0;
	[sflag:s30] =	ssyncadd.s32 $0xFFFE7900  }
.LBB2_8:
0x237: {  	s24 =	sshll.u32 s22, $0xA;
	s1 =	simm.s32 $0x1000;
	s2 =	simm.s32 $0x8000  }
0x238: {  	s4 =	simm.s32 $0x1B700;
	s14 =	simm.s32 $0x2;
	s0 =	sor.u32 $0x200, s24  }
0x239: {  	s18 =	simm.s32 $0x0;
	[dreg:$0xf] =	wrdreg s0;
	s0 =	sadd.s32 s31, s0  }
0x23a: {  	[tilespmem:s4], [sflag:$0x3] =	stream.strided.gather [hbm4b:s0+s1], $0x3000, s2, s1, $0x38;
	[tilespmem:$0x1F700] =	vst v63  }
0x23b: {  	s13 =	sand.u32 $0xC00, s18;
	_ =	swait.ge [sflag:s14], $0x3000  }
0x23c: {  	s15 =	sadd.s32 $0x1E700, s24;
	s25 =	sor.u32 s18, s18;
	[sflag:s14] =	ssyncset.done $0x0  }
0x23d: {  	s26 =	sor.u32 $0x380, s25;
	[sflag:s14] =	ssyncadd.s32 $0xFFFFD000;
	s14 =	simm.s32 $0x10  }
0x23e: {  	s0 =	sadd.s32 $0x1A800, s13;
	[dreg:$0x6] =	wrdreg s15;
	s29 =	sand.u32 $0x70, s14  }
0x23f: {  	s1 =	sadd.s32 $0x1A880, s13;
	v48 =	vld [tilespmem:s26+$0x18700];
	s16 =	sor.u32 s29, s0  }
0x240: {  	s2 =	sadd.s32 $0x1A700, s13;
	s5 =	sor.u32 s29, s1;
	v0 =	vld [tilespmem:s16+$0x0]  }
0x241: {  	s4 =	sadd.s32 $0x1A780, s13;
	s6 =	sor.u32 s29, s2;
	v1 =	vld [tilespmem:s5+$0x0]  }
0x242: {  	s17 =	sadd.s32 $0x19780, s13;
	s7 =	sor.u32 s29, s4;
	v2 =	vld [tilespmem:s6+$0x0]  }
0x243: {  	s14 =	sor.u32 s14, s18;
	s19 =	sor.u32 s29, s17;
	v3 =	vld [tilespmem:s7+$0x0]  }
0x244: {  	s14 =	sor.u32 $0x380, s14;
	s5 =	sadd.s32 $0x19A00, s13;
	v11 =	vld [tilespmem:s19+$0x0]  }
0x245: {  	s6 =	sadd.s32 $0x19A80, s13;
	v18 =	vld [tilespmem:s14+$0x18700];
	s8 =	sor.u32 s29, s5  }
0x246: {  	s7 =	sadd.s32 $0x19900, s13;
	s9 =	sor.u32 s29, s6;
	v4 =	vld [tilespmem:s8+$0x0]  }
0x247: {  	s30 =	sand.u32 $0x60, s18;
	s10 =	sor.u32 s29, s7;
	v5 =	vld [tilespmem:s9+$0x0]  }
0x248: {  	s5 =	sor.u32 s30, s5;
	v6 =	vld [tilespmem:s10+$0x0]  }
0x249: {  	s6 =	sor.u32 s30, s6;
	s8 =	sadd.s32 $0x19980, s13;
	v40 =	vld [tilespmem:s5+$0x0]  }
0x24a: {  	s9 =	sadd.s32 $0x19800, s13;
	v41 =	vld [tilespmem:s6+$0x0];
	s11 =	sor.u32 s29, s8  }
0x24b: {  	s10 =	sadd.s32 $0x19880, s13;
	s12 =	sor.u32 s29, s9;
	v7 =	vld [tilespmem:s11+$0x0]  }
0x24c: {  	s15 =	sor.u32 s29, s10;
	s11 =	sadd.s32 $0x19700, s13;
	v8 =	vld [tilespmem:s12+$0x0]  }
0x24d: {  	v9 =	vld [tilespmem:s15+$0x0];
	s13 =	sadd.s32 $0x18700, s13;
	s16 =	sor.u32 s29, s11  }
0x24e: {  	s20 =	sor.u32 s29, s13;
	v10 =	vld [tilespmem:s16+$0x0]  }
0x24f: {  	v12 =	vld [tilespmem:s20+$0x0]  }
0x250: {  	s21 =	sand.u32 $0x7, s18;
	v13 =	vld [tilespmem:s20+$0x80]  }
0x251: {  	s15 =	sshll.u32 s21, $0x4;
	v14 =	vld [tilespmem:s20+$0x100]  }
0x252: {  	s15 =	sadd.s32 $0x0, s15;
	v15 =	vld [tilespmem:s20+$0x180]  }
0x253: {  	v16 =	vld [tilespmem:s20+$0x200];
	s15 =	sadd.s32 $0x10, s15  }
0x254: {  	v17 =	vld [tilespmem:s20+$0x280];
	s15 =	sor.u32 $0x300, s15  }
0x255: {  	v19 =	vld [tilespmem:s15+$0x18700]  }
0x256: {  	v32 =	vld.idx.msk [tilespmem:v18+s3+$0x0], $0xffff  }
0x257: {  	v31 =	vld.idx.msk [tilespmem:v11+s3+$0x0], $0xffff  }
0x258: {  	v18 =	vld.idx.msk [tilespmem:v48+s3+$0x0], $0xffff  }
0x259: {  	s13 =	sor.u32 s30, s13;
	v11 =	vld.idx.msk [tilespmem:v4+s3+$0x0], $0xffff  }
0x25a: {  	v4 =	vld [tilespmem:s13+$0x200]  }
0x25b: {  	v21 =	vld.idx.msk [tilespmem:v8+s3+$0x0], $0xffff  }
0x25c: {  	v22 =	vld.idx.msk [tilespmem:v9+s3+$0x0], $0xffff  }
0x25d: {  	v9 =	vld.idx.msk [tilespmem:v2+s3+$0x0], $0xffff  }
0x25e: {  	v8 =	vld.idx.msk [tilespmem:v1+s3+$0x0], $0xffff  }
0x25f: {  	v1 =	vld [tilespmem:s13+$0x80]  }
0x260: {  	v2 =	vld [tilespmem:s13+$0x100]  }
0x261: {  	v36 =	vld.idx.msk [tilespmem:v12+s3+$0x0], $0xffff  }
0x262: {  	v37 =	vld.idx.msk [tilespmem:v13+s3+$0x0], $0xffff  }
0x263: {  	v38 =	vld.idx.msk [tilespmem:v14+s3+$0x0], $0xffff  }
0x264: {  	v39 =	vld.idx.msk [tilespmem:v15+s3+$0x0], $0xffff  }
0x265: {  	v34 =	vld.idx.msk [tilespmem:v16+s3+$0x0], $0xffff  }
0x266: {  	v35 =	vld.idx.msk [tilespmem:v17+s3+$0x0], $0xffff  }
0x267: {  	v30 =	vld.idx.msk [tilespmem:v10+s3+$0x0], $0xffff  }
0x268: {  	v14 =	vld.idx.msk [tilespmem:v6+s3+$0x0], $0xffff  }
0x269: {  	v15 =	vld.idx.msk [tilespmem:v7+s3+$0x0], $0xffff  }
0x26a: {  	v12 =	vld.idx.msk [tilespmem:v5+s3+$0x0], $0xffff  }
0x26b: {  	v10 =	vld.idx.msk [tilespmem:v3+s3+$0x0], $0xffff  }
0x26c: {  	s23 =	sand.u32 $0x3, s18;
	v7 =	vld.idx.msk [tilespmem:v0+s3+$0x0], $0xffff  }
0x26d: {  	s14 =	sshll.u32 s23, $0x5;
	v0 =	vld [tilespmem:s13+$0x0]  }
0x26e: {  	s14 =	sadd.s32 $0x0, s14;
	v3 =	vld [tilespmem:s13+$0x180]  }
0x26f: {  	s14 =	sor.u32 $0x300, s14;
	v5 =	vld [tilespmem:s13+$0x280]  }
0x270: {  	v6 =	vld [tilespmem:s14+$0x18700]  }
0x271: {  	v33 =	vld.idx.msk [tilespmem:v19+s3+$0x0], $0xffff  }
0x272: {  	s7 =	sor.u32 s30, s7;
	v25 =	vld.idx.msk [tilespmem:v4+s3+$0x0], $0xffff  }
0x273: {  	v4 =	vld [tilespmem:s7+$0x0]  }
0x274: {  	s9 =	sor.u32 s30, s9;
	v24 =	vld.idx.msk [tilespmem:v2+s3+$0x0], $0xffff  }
0x275: {  	v2 =	vld [tilespmem:s9+$0x0]  }
0x276: {  	s12 =	sor.u32 s30, s17;
	v13 =	vld.idx.msk [tilespmem:v1+s3+$0x0], $0xffff  }
0x277: {  	v1 =	vld [tilespmem:s12+$0x0]  }
0x278: {  	v23 =	vld.idx.msk [tilespmem:v0+s3+$0x0], $0xffff  }
0x279: {  	s11 =	sor.u32 s30, s11;
	v16 =	vld.idx.msk [tilespmem:v3+s3+$0x0], $0xffff  }
0x27a: {  	s10 =	sor.u32 s30, s10;
	v0 =	vld [tilespmem:s11+$0x0]  }
0x27b: {  	v3 =	vld [tilespmem:s10+$0x0]  }
0x27c: {  	v17 =	vld.idx.msk [tilespmem:v5+s3+$0x0], $0xffff  }
0x27d: {  	s2 =	sor.u32 s30, s2;
	v28 =	vld.idx.msk [tilespmem:v2+s3+$0x0], $0xffff  }
0x27e: {  	v2 =	vld [tilespmem:s2+$0x0]  }
0x27f: {  	s8 =	sor.u32 s30, s8;
	v26 =	vld.idx.msk [tilespmem:v6+s3+$0x0], $0xffff  }
0x280: {  	v5 =	vld [tilespmem:s8+$0x0]  }
0x281: {  	v29 =	vld.idx.msk [tilespmem:v4+s3+$0x0], $0xffff  }
0x282: {  	v4 =	vld.idx.msk [tilespmem:v40+s3+$0x0], $0xffff  }
0x283: {  	s4 =	sor.u32 s30, s4;
	v20 =	vld.idx.msk [tilespmem:v3+s3+$0x0], $0xffff  }
0x284: {  	v3 =	vld [tilespmem:s4+$0x0]  }
0x285: {  	v19 =	vld.idx.msk [tilespmem:v1+s3+$0x0], $0xffff  }
0x286: {  	s1 =	sor.u32 s30, s1;
	v2 =	vld.idx.msk [tilespmem:v2+s3+$0x0], $0xffff  }
0x287: {  	v1 =	vld [tilespmem:s1+$0x0]  }
0x288: {  	v27 =	vld.idx.msk [tilespmem:v0+s3+$0x0], $0xffff  }
0x289: {  	s0 =	sor.u32 s30, s0;
	v6 =	vld.idx.msk [tilespmem:v5+s3+$0x0], $0xffff  }
0x28a: {  	v0 =	vld [tilespmem:s0+$0x0]  }
0x28b: {  	v5 =	vld.idx.msk [tilespmem:v41+s3+$0x0], $0xffff;
	[tilespmem:$0x1FFA0] =	vst v2  }
0x28c: {  	v2 =	vld.idx.msk [tilespmem:v3+s3+$0x0], $0xffff;
	_ =	sdelay $0x1  }
0x28d: {  	s25 =	simm.s32 $0x100  }
0x28e: {  	s13 =	simm.s32 $0x30;
	s7 =	sand.u32 $0xC00, s25  }
0x28f: {  	s4 =	sadd.s32 $0x1A800, s7;
	s0 =	sand.u32 $0x70, s13  }
0x290: {  	s1 =	sadd.s32 $0x1A880, s7;
	s12 =	sor.u32 s0, s4;
	[tilespmem:$0x1FFB0] =	vst v2  }
0x291: {  	s5 =	sadd.s32 $0x1A700, s7;
	s14 =	sor.u32 s0, s1;
	v40 =	vld [tilespmem:s12+$0x0]  }
0x292: {  	s6 =	sadd.s32 $0x1A780, s7;
	s15 =	sor.u32 s0, s5;
	v41 =	vld [tilespmem:s14+$0x0]  }
0x293: {  	s8 =	sadd.s32 $0x19A00, s7;
	s16 =	sor.u32 s0, s6;
	v42 =	vld [tilespmem:s15+$0x0]  }
0x294: {  	s2 =	sadd.s32 $0x19A80, s7;
	s17 =	sor.u32 s0, s8;
	v43 =	vld [tilespmem:s16+$0x0]  }
0x295: {  	s10 =	sadd.s32 $0x19900, s7;
	s19 =	sor.u32 s0, s2;
	v44 =	vld [tilespmem:s17+$0x0]  }
0x296: {  	s9 =	sadd.s32 $0x19980, s7;
	s20 =	sor.u32 s0, s10;
	v45 =	vld [tilespmem:s19+$0x0]  }
0x297: {  	s11 =	sadd.s32 $0x19880, s7;
	s21 =	sor.u32 s0, s9;
	v46 =	vld [tilespmem:s20+$0x0]  }
0x298: {  	s13 =	sor.u32 s13, s25;
	s26 =	sor.u32 s0, s11;
	v47 =	vld [tilespmem:s21+$0x0]  }
0x299: {  	s13 =	sor.u32 $0x380, s13;
	s12 =	sadd.s32 $0x19800, s7;
	v49 =	vld [tilespmem:s26+$0x0]  }
0x29a: {  	s14 =	sadd.s32 $0x19700, s7;
	v58 =	vld [tilespmem:s13+$0x18700];
	s23 =	sor.u32 s0, s12  }
0x29b: {  	s16 =	sadd.s32 $0x19780, s7;
	s17 =	sor.u32 s0, s14;
	v48 =	vld [tilespmem:s23+$0x0]  }
0x29c: {  	v36 =	vadd.f32 v38, v36;
	s19 =	sadd.s32 $0x18700, s7;
	s20 =	sor.u32 s0, s16;
	v50 =	vld [tilespmem:s17+$0x0]  }
0x29d: {  	v37 =	vadd.f32 v39, v37;
	s21 =	sor.u32 s0, s19;
	v51 =	vld [tilespmem:s20+$0x0]  }
0x29e: {  	v34 =	vadd.f32 v34, v36;
	v52 =	vld [tilespmem:s21+$0x0]  }
0x29f: {  	v35 =	vadd.f32 v35, v37;
	s26 =	simm.s32 $0x2;
	v53 =	vld [tilespmem:s21+$0x80]  }
0x2a0: {  	v33 =	vadd.f32 v33, v34;
	s23 =	sand.u32 $0x7, s26;
	v54 =	vld [tilespmem:s21+$0x100]  }
0x2a1: {  	s28 =	simm.s32 $0x20;
	v32 =	vadd.f32 v32, v35;
	v55 =	vld [tilespmem:s21+$0x180];
	s7 =	sshll.u32 s23, $0x4  }
0x2a2: {  	v30 =	vadd.f32 v30, v33;
	v56 =	vld [tilespmem:s21+$0x200];
	s20 =	sor.u32 s28, s25;
	s7 =	sadd.s32 $0x100, s7  }
0x2a3: {  	v31 =	vadd.f32 v31, v32;
	v57 =	vld [tilespmem:s21+$0x280];
	s21 =	sor.u32 $0x380, s20;
	s7 =	sadd.s32 $0x10, s7  }
0x2a4: {  	v30 =	vadd.f32 v21, v30;
	v39 =	vld [tilespmem:s21+$0x18700];
	s7 =	sor.u32 $0x300, s7  }
0x2a5: {  	v22 =	vadd.f32 v22, v31;
	v59 =	vld [tilespmem:s7+$0x18700]  }
0x2a6: {  	v14 =	vadd.f32 v14, v30;
	v58 =	vld.idx.msk [tilespmem:v58+s3+$0x0], $0xffff  }
0x2a7: {  	v15 =	vadd.f32 v15, v22;
	v49 =	vld.idx.msk [tilespmem:v49+s3+$0x0], $0xffff  }
0x2a8: {  	v11 =	vadd.f32 v11, v14;
	v14 =	vld.idx.msk [tilespmem:v46+s3+$0x0], $0xffff  }
0x2a9: {  	v12 =	vadd.f32 v12, v15;
	v15 =	vld.idx.msk [tilespmem:v47+s3+$0x0], $0xffff  }
0x2aa: {  	v9 =	vadd.f32 v9, v11;
	v11 =	vld.idx.msk [tilespmem:v44+s3+$0x0], $0xffff  }
0x2ab: {  	s7 =	sand.u32 $0x60, s28;
	v45 =	vld.idx.msk [tilespmem:v45+s3+$0x0], $0xffff  }
0x2ac: {  	v7 =	vadd.f32 v7, v9;
	s17 =	sor.u32 s7, s19;
	v9 =	vld.idx.msk [tilespmem:v42+s3+$0x0], $0xffff  }
0x2ad: {  	v60 =	vld [tilespmem:s17+$0x0]  }
0x2ae: {  	v61 =	vld [tilespmem:s17+$0x80]  }
0x2af: {  	v62 =	vld [tilespmem:s17+$0x100]  }
0x2b0: {  	v63 =	vld [tilespmem:s17+$0x180]  }
0x2b1: {  	v2 =	vld [tilespmem:s17+$0x200]  }
0x2b2: {  	s14 =	sor.u32 s7, s14;
	v3 =	vld [tilespmem:s17+$0x280]  }
0x2b3: {  	s23 =	sor.u32 s7, s16;
	v36 =	vld [tilespmem:s14+$0x0]  }
0x2b4: {  	s12 =	sor.u32 s7, s12;
	v37 =	vld [tilespmem:s23+$0x0]  }
0x2b5: {  	s11 =	sor.u32 s7, s11;
	v34 =	vld [tilespmem:s12+$0x0]  }
0x2b6: {  	s10 =	sor.u32 s7, s10;
	v35 =	vld [tilespmem:s11+$0x0]  }
0x2b7: {  	s9 =	sor.u32 s7, s9;
	v32 =	vld [tilespmem:s10+$0x0]  }
0x2b8: {  	s8 =	sor.u32 s7, s8;
	v33 =	vld [tilespmem:s9+$0x0]  }
0x2b9: {  	s2 =	sor.u32 s7, s2;
	v31 =	vld [tilespmem:s8+$0x0]  }
0x2ba: {  	v21 =	vld [tilespmem:s2+$0x0]  }
0x2bb: {  	v52 =	vld.idx.msk [tilespmem:v52+s3+$0x0], $0xffff  }
0x2bc: {  	v53 =	vld.idx.msk [tilespmem:v53+s3+$0x0], $0xffff  }
0x2bd: {  	v54 =	vld.idx.msk [tilespmem:v54+s3+$0x0], $0xffff  }
0x2be: {  	v55 =	vld.idx.msk [tilespmem:v55+s3+$0x0], $0xffff  }
0x2bf: {  	v56 =	vld.idx.msk [tilespmem:v56+s3+$0x0], $0xffff  }
0x2c0: {  	v10 =	vadd.f32 v10, v12;
	s19 =	simm.s32 $0x1;
	v57 =	vld.idx.msk [tilespmem:v57+s3+$0x0], $0xffff  }
0x2c1: {  	s15 =	sand.u32 $0x3, s19;
	v59 =	vld.idx.msk [tilespmem:v59+s3+$0x0], $0xffff  }
0x2c2: {  	v8 =	vadd.f32 v8, v10;
	v50 =	vld.idx.msk [tilespmem:v50+s3+$0x0], $0xffff;
	s15 =	sshll.u32 s15, $0x5;
	v12 =	vadd.f32 v54, v52  }
0x2c3: {  	v51 =	vld.idx.msk [tilespmem:v51+s3+$0x0], $0xffff;
	s15 =	sadd.s32 $0x100, s15;
	v53 =	vadd.f32 v55, v53  }
0x2c4: {  	v22 =	vld.idx.msk [tilespmem:v48+s3+$0x0], $0xffff;
	s15 =	sor.u32 $0x300, s15;
	v55 =	vadd.f32 v8, v7;
	v10 =	vadd.f32 v56, v12  }
0x2c5: {  	v38 =	vld [tilespmem:s15+$0x18700];
	v7 =	vadd.f32 v24, v23;
	v12 =	vadd.f32 v57, v53  }
0x2c6: {  	v54 =	vld.idx.msk [tilespmem:v43+s3+$0x0], $0xffff;
	v10 =	vadd.f32 v59, v10  }
0x2c7: {  	v8 =	vld.idx.msk [tilespmem:v40+s3+$0x0], $0xffff;
	v7 =	vadd.f32 v25, v7;
	v12 =	vadd.f32 v58, v12  }
0x2c8: {  	v13 =	vadd.f32 v16, v13;
	v23 =	vld.idx.msk [tilespmem:v41+s3+$0x0], $0xffff;
	v10 =	vadd.f32 v50, v10  }
0x2c9: {  	v56 =	vld.idx.msk [tilespmem:v60+s3+$0x0], $0xffff;
	v7 =	vadd.f32 v26, v7;
	v12 =	vadd.f32 v51, v12  }
0x2ca: {  	v13 =	vadd.f32 v17, v13;
	v57 =	vld.idx.msk [tilespmem:v61+s3+$0x0], $0xffff;
	v10 =	vadd.f32 v22, v10  }
0x2cb: {  	v7 =	vadd.f32 v27, v7;
	v12 =	vadd.f32 v49, v12;
	v22 =	vld.idx.msk [tilespmem:v63+s3+$0x0], $0xffff  }
0x2cc: {  	v13 =	vadd.f32 v18, v13;
	v58 =	vld.idx.msk [tilespmem:v62+s3+$0x0], $0xffff;
	v10 =	vadd.f32 v14, v10  }
0x2cd: {  	v3 =	vld.idx.msk [tilespmem:v3+s3+$0x0], $0xffff;
	v7 =	vadd.f32 v28, v7;
	v12 =	vadd.f32 v15, v12  }
0x2ce: {  	v13 =	vadd.f32 v19, v13;
	v2 =	vld.idx.msk [tilespmem:v2+s3+$0x0], $0xffff;
	v10 =	vadd.f32 v11, v10  }
0x2cf: {  	v15 =	vadd.f32 v29, v7;
	v11 =	vadd.f32 v45, v12;
	v12 =	vld.idx.msk [tilespmem:v39+s3+$0x0], $0xffff  }
0x2d0: {  	v14 =	vld.idx.msk [tilespmem:v38+s3+$0x0], $0xffff;
	v60 =	vadd.f32 v22, v57;
	v7 =	vadd.f32 v9, v10  }
0x2d1: {  	v61 =	vld.idx.msk [tilespmem:v34+s3+$0x0], $0xffff;
	v9 =	vadd.f32 v54, v11;
	v11 =	vadd.f32 v58, v56  }
0x2d2: {  	v59 =	vld.idx.msk [tilespmem:v36+s3+$0x0], $0xffff;
	v3 =	vadd.f32 v3, v60  }
0x2d3: {  	v13 =	vadd.f32 v20, v13;
	s20 =	sand.u32 $0x180, s18;
	s17 =	rddreg [dreg:$0x6];
	s15 =	sor.u32 s7, s5;
	v10 =	vld.idx.msk [tilespmem:v37+s3+$0x0], $0xffff;
	v2 =	vadd.f32 v2, v11  }
0x2d4: {  	s4 =	sor.u32 s7, s4;
	s2 =	sadd.s32 s20, s17;
	v62 =	vadd.f32 v8, v7;
	v8 =	vld [tilespmem:s15+$0x0];
	v3 =	vadd.f32 v12, v3;
	v12 =	vmul.f32 $5.000000070e-02, v55  }
0x2d5: {  	v11 =	vadd.f32 v6, v13;
	v6 =	vld [tilespmem:s4+$0x0];
	s4 =	sadd.s32 s29, s2;
	v2 =	vadd.f32 v14, v2  }
0x2d6: {  	v9 =	vadd.f32 v23, v9;
	v13 =	vld.idx.msk [tilespmem:v35+s3+$0x0], $0xffff;
	[tilespmem:s4+$0x0] =	vst v12  }
0x2d7: {  	v14 =	vadd.f32 v4, v15;
	v15 =	vadd.f32 v59, v2;
	v2 =	vld [tilespmem:$0x1FFA0]  }
0x2d8: {  	s16 =	sor.u32 s7, s6;
	v9 =	vadd.f32 v9, v62;
	v63 =	vadd.f32 v10, v3;
	v3 =	vld [tilespmem:$0x1FFB0]  }
0x2d9: {  	s21 =	sand.u32 $0x180, s28;
	s1 =	sor.u32 s7, s1;
	s19 =	rddreg [dreg:$0x6];
	v7 =	vld [tilespmem:s16+$0x0]  }
0x2da: {  	v5 =	vadd.f32 v5, v11;
	v4 =	vld [tilespmem:s1+$0x0];
	s1 =	sadd.s32 s21, s19;
	v11 =	vmul.f32 $5.000000070e-02, v9  }
0x2db: {  	v10 =	vld.idx.msk [tilespmem:v32+s3+$0x0], $0xffff;
	s23 =	sadd.s32 s0, s1  }
0x2dc: {  	s31 =	simm.s32 $0x2;
	v9 =	vld.idx.msk [tilespmem:v33+s3+$0x0], $0xffff;
	[tilespmem:s23+$0x0] =	vst v11;
	v12 =	vadd.f32 v61, v15;
	v11 =	vadd.f32 v13, v63  }
0x2dd: {  	s29 =	sadd.s32 s30, s2;
	s30 =	simm.s32 $0x2;
	s0 =	sadd.s32 s7, s1;
	v2 =	vadd.f32 v2, v14;
	v3 =	vadd.f32 v3, v5;
	v5 =	vld.idx.msk [tilespmem:v31+s3+$0x0], $0xffff  }
.LBB2_9:
0x2de: {  	_ = 	snop  }
0x2df: {  	s1 =	sand.u32 $0x3, s31;
	s28 =	sadd.s32 $0x20, s28;
	v13 =	vld.idx.msk [tilespmem:v21+s3+$0x0], $0xffff  }
0x2e0: {  	s25 =	sadd.s32 $0x100, s25;
	s1 =	sshll.u32 s1, $0x5;
	s18 =	sand.u32 $0x60, s28;
	v8 =	vld.idx.msk [tilespmem:v8+s3+$0x0], $0xffff  }
0x2e1: {  	s11 =	sand.u32 $0xC00, s25;
	s12 =	sadd.s32 $0x10, s28;
	s2 =	sor.u32 s28, s25;
	v7 =	vld.idx.msk [tilespmem:v7+s3+$0x0], $0xffff  }
0x2e2: {  	s1 =	sadd.s32 s1, s25;
	s10 =	sadd.s32 $0x1A800, s11;
	s6 =	sand.u32 $0x70, s12;
	v9 =	vadd.f32 v9, v11;
	v11 =	vld.idx.msk [tilespmem:v0+s3+$0x0], $0xffff  }
0x2e3: {  	s16 =	sadd.s32 $0x1A880, s11;
	s12 =	sor.u32 s12, s25;
	s4 =	sor.u32 s6, s10;
	v0 =	vmov v6;
	v6 =	vld.idx.msk [tilespmem:v1+s3+$0x0], $0xffff  }
0x2e4: {  	s7 =	sadd.s32 $0x1A700, s11;
	s19 =	sor.u32 $0x380, s2;
	s12 =	sor.u32 $0x380, s12;
	v10 =	vadd.f32 v10, v12;
	v1 =	vmov v4;
	v4 =	vld [tilespmem:s4+$0x0]  }
0x2e5: {  	s14 =	sadd.s32 $0x1A780, s11;
	s5 =	sadd.s32 $0x19A00, s11;
	s13 =	sor.u32 s6, s7;
	v22 =	vld [tilespmem:s12+$0x18700]  }
0x2e6: {  	s17 =	sadd.s32 $0x19900, s11;
	s9 =	sor.u32 $0x300, s1;
	s8 =	sor.u32 s6, s16;
	v12 =	vld [tilespmem:s13+$0x0];
	v10 =	vadd.f32 v5, v10  }
0x2e7: {  	s1 =	sor.u32 s18, s7;
	s15 =	sor.u32 s6, s14;
	s13 =	sadd.s32 $0x19980, s11;
	v5 =	vld [tilespmem:s8+$0x0]  }
0x2e8: {  	s7 =	sadd.s32 $0x19A80, s11;
	s2 =	sor.u32 s6, s17;
	s21 =	sor.u32 s6, s13;
	v9 =	vadd.f32 v13, v9;
	v8 =	vadd.f32 v8, v10;
	v10 =	vld [tilespmem:s15+$0x0]  }
0x2e9: {  	s4 =	sor.u32 s18, s5;
	s20 =	sor.u32 s6, s7;
	s8 =	sor.u32 s6, s5;
	v11 =	vadd.f32 v11, v2;
	v13 =	vld [tilespmem:s21+$0x0]  }
0x2ea: {  	s5 =	sor.u32 s18, s7;
	s7 =	sor.u32 s18, s17;
	s17 =	sadd.s32 $0x19800, s11;
	v6 =	vadd.f32 v6, v3;
	v7 =	vadd.f32 v7, v9;
	v9 =	vld [tilespmem:s8+$0x0]  }
0x2eb: {  	s15 =	sor.u32 s18, s17;
	s17 =	sor.u32 s6, s17;
	v2 =	vmov v8;
	v8 =	vld [tilespmem:s20+$0x0]  }
0x2ec: {  	v6 =	vadd.f32 v6, v11;
	v11 =	vld [tilespmem:s17+$0x0]  }
0x2ed: {  	v22 =	vld.idx.msk [tilespmem:v22+s3+$0x0], $0xffff  }
0x2ee: {  	v12 =	vld.idx.msk [tilespmem:v12+s3+$0x0], $0xffff  }
0x2ef: {  	s20 =	sadd.s32 $0x19880, s11;
	v4 =	vld.idx.msk [tilespmem:v4+s3+$0x0], $0xffff  }
0x2f0: {  	s21 =	sadd.s32 $0x19700, s11;
	s23 =	sor.u32 s6, s20;
	v3 =	vmov v7;
	v7 =	vld [tilespmem:s2+$0x0]  }
0x2f1: {  	s2 =	sor.u32 s18, s21;
	s21 =	sor.u32 s6, s21;
	v14 =	vld [tilespmem:s23+$0x0];
	v6 =	vmul.f32 $5.000000070e-02, v6;
	s23 =	sadd.s32 $0x18700, s11  }
0x2f2: {  	s26 =	sadd.s32 $0x2, s26;
	v15 =	vld [tilespmem:s21+$0x0];
	s17 =	sor.u32 s18, s23;
	s23 =	sor.u32 s6, s23  }
0x2f3: {  	s8 =	sor.u32 s18, s13;
	s13 =	sor.u32 s18, s20;
	s20 =	sadd.s32 $0x19780, s11;
	[tilespmem:s29+$0x0] =	vst v6;
	v6 =	vld [tilespmem:s23+$0x0]  }
0x2f4: {  	s11 =	sor.u32 s18, s20;
	s21 =	sor.u32 s6, s20;
	s20 =	sor.u32 s18, s14;
	v17 =	vld [tilespmem:s23+$0x80]  }
0x2f5: {  	s14 =	sor.u32 s18, s10;
	s10 =	sor.u32 s18, s16;
	s16 =	sand.u32 $0x7, s26;
	v18 =	vld [tilespmem:s23+$0x100]  }
0x2f6: {  	s29 =	smov.u32 s0;
	s0 =	sshll.u32 s16, $0x4;
	v19 =	vld [tilespmem:s23+$0x180]  }
0x2f7: {  	v20 =	vld [tilespmem:s23+$0x200];
	s0 =	sadd.s32 s25, s0  }
0x2f8: {  	v21 =	vld [tilespmem:s23+$0x280];
	s0 =	sadd.s32 $0x10, s0  }
0x2f9: {  	v16 =	vld [tilespmem:s21+$0x0];
	s0 =	sor.u32 $0x300, s0  }
0x2fa: {  	v23 =	vld [tilespmem:s0+$0x18700]  }
0x2fb: {  	v6 =	vld.idx.msk [tilespmem:v6+s3+$0x0], $0xffff  }
0x2fc: {  	v17 =	vld.idx.msk [tilespmem:v17+s3+$0x0], $0xffff  }
0x2fd: {  	v18 =	vld.idx.msk [tilespmem:v18+s3+$0x0], $0xffff  }
0x2fe: {  	v19 =	vld.idx.msk [tilespmem:v19+s3+$0x0], $0xffff  }
0x2ff: {  	v20 =	vld.idx.msk [tilespmem:v20+s3+$0x0], $0xffff  }
0x300: {  	v21 =	vld.idx.msk [tilespmem:v21+s3+$0x0], $0xffff  }
0x301: {  	v5 =	vld.idx.msk [tilespmem:v5+s3+$0x0], $0xffff  }
0x302: {  	v23 =	vld.idx.msk [tilespmem:v23+s3+$0x0], $0xffff  }
0x303: {  	v15 =	vld.idx.msk [tilespmem:v15+s3+$0x0], $0xffff;
	v6 =	vadd.f32 v18, v6;
	v17 =	vadd.f32 v19, v17  }
0x304: {  	v16 =	vld.idx.msk [tilespmem:v16+s3+$0x0], $0xffff  }
0x305: {  	v11 =	vld.idx.msk [tilespmem:v11+s3+$0x0], $0xffff;
	v6 =	vadd.f32 v20, v6;
	v17 =	vadd.f32 v21, v17  }
0x306: {  	v14 =	vld.idx.msk [tilespmem:v14+s3+$0x0], $0xffff  }
0x307: {  	v13 =	vld.idx.msk [tilespmem:v13+s3+$0x0], $0xffff;
	v6 =	vadd.f32 v23, v6;
	v17 =	vadd.f32 v22, v17  }
0x308: {  	v7 =	vld.idx.msk [tilespmem:v7+s3+$0x0], $0xffff  }
0x309: {  	v9 =	vld.idx.msk [tilespmem:v9+s3+$0x0], $0xffff;
	v6 =	vadd.f32 v15, v6;
	v15 =	vadd.f32 v16, v17  }
0x30a: {  	v8 =	vld.idx.msk [tilespmem:v8+s3+$0x0], $0xffff  }
0x30b: {  	v10 =	vld.idx.msk [tilespmem:v10+s3+$0x0], $0xffff;
	v6 =	vadd.f32 v11, v6;
	v11 =	vadd.f32 v14, v15  }
0x30c: {  	v21 =	vld [tilespmem:s5+$0x0]  }
0x30d: {  	v6 =	vadd.f32 v7, v6;
	v7 =	vadd.f32 v13, v11;
	v11 =	vld [tilespmem:s17+$0x0]  }
0x30e: {  	v13 =	vld [tilespmem:s17+$0x80]  }
0x30f: {  	v6 =	vadd.f32 v9, v6;
	v7 =	vadd.f32 v8, v7;
	v8 =	vld [tilespmem:s17+$0x100]  }
0x310: {  	v9 =	vld [tilespmem:s17+$0x180]  }
0x311: {  	v6 =	vadd.f32 v12, v6;
	v7 =	vadd.f32 v10, v7;
	v10 =	vld [tilespmem:s17+$0x200]  }
0x312: {  	v12 =	vld [tilespmem:s17+$0x280]  }
0x313: {  	v4 =	vadd.f32 v4, v6;
	v5 =	vadd.f32 v5, v7;
	v6 =	vld [tilespmem:s9+$0x18700]  }
0x314: {  	v7 =	vld [tilespmem:s19+$0x18700]  }
0x315: {  	v4 =	vadd.f32 v5, v4;
	v5 =	vld.idx.msk [tilespmem:v11+s3+$0x0], $0xffff  }
0x316: {  	v11 =	vld.idx.msk [tilespmem:v13+s3+$0x0], $0xffff  }
0x317: {  	s21 =	rddreg [dreg:$0x6];
	s23 =	sand.u32 $0x180, s28;
	v13 =	vld [tilespmem:s11+$0x0]  }
0x318: {  	s9 =	sadd.s32 s23, s21;
	v4 =	vmul.f32 $5.000000070e-02, v4;
	v8 =	vld.idx.msk [tilespmem:v8+s3+$0x0], $0xffff  }
0x319: {  	s6 =	sadd.s32 s6, s9;
	v9 =	vld.idx.msk [tilespmem:v9+s3+$0x0], $0xffff  }
0x31a: {  	[tilespmem:s6+$0x0] =	vst v4;
	v4 =	vld [tilespmem:s2+$0x0]  }
0x31b: {  	v10 =	vld.idx.msk [tilespmem:v10+s3+$0x0], $0xffff  }
0x31c: {  	v12 =	vld.idx.msk [tilespmem:v12+s3+$0x0], $0xffff  }
0x31d: {  	v6 =	vld.idx.msk [tilespmem:v6+s3+$0x0], $0xffff  }
0x31e: {  	v7 =	vld.idx.msk [tilespmem:v7+s3+$0x0], $0xffff  }
0x31f: {  	v5 =	vadd.f32 v8, v5;
	v8 =	vld [tilespmem:s15+$0x0]  }
0x320: {  	v9 =	vadd.f32 v9, v11;
	v11 =	vld [tilespmem:s13+$0x0]  }
0x321: {  	v14 =	vld [tilespmem:s4+$0x0]  }
0x322: {  	v5 =	vadd.f32 v10, v5;
	v10 =	vld [tilespmem:s7+$0x0]  }
0x323: {  	v9 =	vadd.f32 v12, v9;
	v12 =	vld [tilespmem:s8+$0x0]  }
0x324: {  	v13 =	vld.idx.msk [tilespmem:v13+s3+$0x0], $0xffff  }
0x325: {  	v5 =	vadd.f32 v6, v5;
	v6 =	vadd.f32 v7, v9;
	v7 =	vld [tilespmem:s20+$0x0]  }
0x326: {  	v4 =	vld.idx.msk [tilespmem:v4+s3+$0x0], $0xffff  }
0x327: {  	v15 =	vld.idx.msk [tilespmem:v8+s3+$0x0], $0xffff  }
0x328: {  	s30 =	sadd.s32 $0x2, s30;
	v11 =	vld.idx.msk [tilespmem:v11+s3+$0x0], $0xffff  }
0x329: {  	p0 =	slt.u32 s30, $0x1E;
	v8 =	vld [tilespmem:s1+$0x0]  }
.Ltmp3:
0x32a: {  	v10 =	vld.idx.msk [tilespmem:v10+s3+$0x0], $0xffff;
	(pc) =	sbr.rel @p0 .LBB2_9-.Ltmp3, $4  }
0x32b: {  	v4 =	vadd.f32 v4, v5;
	v9 =	vld.idx.msk [tilespmem:v12+s3+$0x0], $0xffff  }
0x32c: {  	v5 =	vadd.f32 v13, v6;
	v6 =	vld [tilespmem:s14+$0x0]  }
0x32d: {  	v12 =	vadd.f32 v15, v4;
	v4 =	vld [tilespmem:s10+$0x0]  }
0x32e: {  	s31 =	sadd.s32 $0x1, s31;
	s0 =	sadd.s32 s18, s9;
	v11 =	vadd.f32 v11, v5;
	v5 =	vld.idx.msk [tilespmem:v14+s3+$0x0], $0xffff  }
0x32f: {  	_ =	sdelay $0x3  }
0x330: {  	v13 =	vld.idx.msk [tilespmem:v21+s3+$0x0], $0xffff  }
0x331: {  	v8 =	vld.idx.msk [tilespmem:v8+s3+$0x0], $0xffff  }
0x332: {  	v7 =	vld.idx.msk [tilespmem:v7+s3+$0x0], $0xffff  }
0x333: {  	v0 =	vld.idx.msk [tilespmem:v0+s3+$0x0], $0xffff  }
0x334: {  	v1 =	vld.idx.msk [tilespmem:v1+s3+$0x0], $0xffff  }
0x335: {  	v10 =	vadd.f32 v10, v12;
	v9 =	vadd.f32 v9, v11;
	v6 =	vld.idx.msk [tilespmem:v6+s3+$0x0], $0xffff  }
0x336: {  	v4 =	vld.idx.msk [tilespmem:v4+s3+$0x0], $0xffff  }
0x337: {  	v5 =	vadd.f32 v5, v10;
	v9 =	vadd.f32 v13, v9;
	_ =	sdelay $0x1  }
0x338: {  	v5 =	vadd.f32 v8, v5;
	v7 =	vadd.f32 v7, v9  }
0x339: {  	v0 =	vadd.f32 v0, v2;
	v1 =	vadd.f32 v1, v3  }
0x33a: {  	v2 =	vadd.f32 v6, v5;
	v3 =	vadd.f32 v4, v7  }
0x33b: {  	v0 =	vadd.f32 v1, v0  }
0x33c: {  	v1 =	vadd.f32 v3, v2  }
0x33d: {  	v0 =	vmul.f32 $5.000000070e-02, v0  }
0x33e: {  	s1 =	sadd.s32 $0x400, s24;
	s31 =	rddreg [dreg:$0x1];
	s20 =	simm.s32 $0x1000;
	v1 =	vmul.f32 $5.000000070e-02, v1  }
0x33f: {  	s2 =	simm.s32 $0x8000;
	s4 =	simm.s32 $0x18700;
	s1 =	sand.u32 $0xC00, s1;
	[tilespmem:s29+$0x0] =	vst v0  }
0x340: {  	s21 =	simm.s32 $0x3;
	s28 =	simm.s32 $0x0;
	s19 =	sadd.s32 s31, s1;
	[tilespmem:s0+$0x0] =	vst v1  }
0x341: {  	[tilespmem:s4], [sflag:$0x2] =	stream.strided.gather [hbm4b:s19+s20], $0x3000, s2, s20, $0x38;
	[tilespmem:$0x1F700] =	vst v63  }
0x342: {  	s14 =	simm.s32 $0x10;
	s13 =	sand.u32 $0xC00, s28;
	_ =	swait.ge [sflag:s21], $0x3000  }
0x343: {  	s26 =	sand.u32 $0x70, s14;
	s1 =	sadd.s32 $0x1D880, s13;
	s23 =	rddreg [dreg:$0xf]  }
0x344: {  	s0 =	sadd.s32 $0x1D800, s13;
	[sflag:s21] =	ssyncset.done $0x0;
	s24 =	sadd.s32 $0x1E700, s23  }
0x345: {  	s25 =	sor.u32 s26, s0;
	[sflag:s21] =	ssyncadd.s32 $0xFFFFD000;
	[dreg:$0x7] =	wrdreg s24  }
0x346: {  	s5 =	sor.u32 s26, s1;
	s2 =	sadd.s32 $0x1D700, s13;
	v0 =	vld [tilespmem:s25+$0x0]  }
0x347: {  	s4 =	sadd.s32 $0x1D780, s13;
	s6 =	sor.u32 s26, s2;
	v1 =	vld [tilespmem:s5+$0x0]  }
0x348: {  	s30 =	sadd.s32 $0x1C880, s13;
	s7 =	sor.u32 s26, s4;
	v2 =	vld [tilespmem:s6+$0x0]  }
0x349: {  	s17 =	sadd.s32 $0x1C700, s13;
	s15 =	sor.u32 s26, s30;
	v3 =	vld [tilespmem:s7+$0x0]  }
0x34a: {  	s18 =	sadd.s32 $0x1C780, s13;
	s16 =	sor.u32 s26, s17;
	v9 =	vld [tilespmem:s15+$0x0]  }
0x34b: {  	s14 =	sor.u32 s14, s28;
	s19 =	sor.u32 s26, s18;
	v10 =	vld [tilespmem:s16+$0x0]  }
0x34c: {  	s14 =	sor.u32 $0x380, s14;
	s24 =	sor.u32 s28, s28;
	v11 =	vld [tilespmem:s19+$0x0]  }
0x34d: {  	s5 =	sadd.s32 $0x1CA00, s13;
	v18 =	vld [tilespmem:s14+$0x1B700];
	s25 =	sor.u32 $0x380, s24  }
0x34e: {  	s6 =	sadd.s32 $0x1CA80, s13;
	s8 =	sor.u32 s26, s5;
	v48 =	vld [tilespmem:s25+$0x1B700]  }
0x34f: {  	s7 =	sadd.s32 $0x1C900, s13;
	s9 =	sor.u32 s26, s6;
	v4 =	vld [tilespmem:s8+$0x0]  }
0x350: {  	s29 =	sand.u32 $0x60, s28;
	s10 =	sor.u32 s26, s7;
	v5 =	vld [tilespmem:s9+$0x0]  }
0x351: {  	s5 =	sor.u32 s29, s5;
	v6 =	vld [tilespmem:s10+$0x0]  }
0x352: {  	s6 =	sor.u32 s29, s6;
	s8 =	sadd.s32 $0x1C980, s13;
	v40 =	vld [tilespmem:s5+$0x0]  }
0x353: {  	s9 =	sadd.s32 $0x1C800, s13;
	v41 =	vld [tilespmem:s6+$0x0];
	s11 =	sor.u32 s26, s8  }
0x354: {  	s13 =	sadd.s32 $0x1B700, s13;
	s12 =	sor.u32 s26, s9;
	v7 =	vld [tilespmem:s11+$0x0]  }
0x355: {  	s20 =	sor.u32 s26, s13;
	v8 =	vld [tilespmem:s12+$0x0]  }
0x356: {  	v12 =	vld [tilespmem:s20+$0x0]  }
0x357: {  	s21 =	sand.u32 $0x7, s28;
	v13 =	vld [tilespmem:s20+$0x80]  }
0x358: {  	s15 =	sshll.u32 s21, $0x4;
	v14 =	vld [tilespmem:s20+$0x100]  }
0x359: {  	s15 =	sadd.s32 $0x0, s15;
	v15 =	vld [tilespmem:s20+$0x180]  }
0x35a: {  	s15 =	sadd.s32 $0x10, s15;
	v16 =	vld [tilespmem:s20+$0x200]  }
0x35b: {  	s15 =	sor.u32 $0x300, s15;
	v17 =	vld [tilespmem:s20+$0x280]  }
0x35c: {  	v19 =	vld [tilespmem:s15+$0x1B700]  }
0x35d: {  	v32 =	vld.idx.msk [tilespmem:v18+s3+$0x0], $0xffff  }
0x35e: {  	v30 =	vld.idx.msk [tilespmem:v10+s3+$0x0], $0xffff  }
0x35f: {  	v31 =	vld.idx.msk [tilespmem:v11+s3+$0x0], $0xffff  }
0x360: {  	v22 =	vld.idx.msk [tilespmem:v9+s3+$0x0], $0xffff  }
0x361: {  	v9 =	vld.idx.msk [tilespmem:v2+s3+$0x0], $0xffff  }
0x362: {  	s13 =	sor.u32 s29, s13;
	v10 =	vld.idx.msk [tilespmem:v3+s3+$0x0], $0xffff  }
0x363: {  	v2 =	vld [tilespmem:s13+$0x100]  }
0x364: {  	v3 =	vld [tilespmem:s13+$0x180]  }
0x365: {  	v18 =	vld.idx.msk [tilespmem:v48+s3+$0x0], $0xffff  }
0x366: {  	v11 =	vld.idx.msk [tilespmem:v4+s3+$0x0], $0xffff  }
0x367: {  	v4 =	vld [tilespmem:s13+$0x200]  }
0x368: {  	v36 =	vld.idx.msk [tilespmem:v12+s3+$0x0], $0xffff  }
0x369: {  	v37 =	vld.idx.msk [tilespmem:v13+s3+$0x0], $0xffff  }
0x36a: {  	v38 =	vld.idx.msk [tilespmem:v14+s3+$0x0], $0xffff  }
0x36b: {  	v39 =	vld.idx.msk [tilespmem:v15+s3+$0x0], $0xffff  }
0x36c: {  	v34 =	vld.idx.msk [tilespmem:v16+s3+$0x0], $0xffff  }
0x36d: {  	v35 =	vld.idx.msk [tilespmem:v17+s3+$0x0], $0xffff  }
0x36e: {  	v33 =	vld.idx.msk [tilespmem:v19+s3+$0x0], $0xffff  }
0x36f: {  	v21 =	vld.idx.msk [tilespmem:v8+s3+$0x0], $0xffff  }
0x370: {  	v14 =	vld.idx.msk [tilespmem:v6+s3+$0x0], $0xffff  }
0x371: {  	v15 =	vld.idx.msk [tilespmem:v7+s3+$0x0], $0xffff  }
0x372: {  	v12 =	vld.idx.msk [tilespmem:v5+s3+$0x0], $0xffff  }
0x373: {  	v7 =	vld.idx.msk [tilespmem:v0+s3+$0x0], $0xffff  }
0x374: {  	s23 =	sand.u32 $0x3, s28;
	v8 =	vld.idx.msk [tilespmem:v1+s3+$0x0], $0xffff  }
0x375: {  	s14 =	sshll.u32 s23, $0x5;
	v0 =	vld [tilespmem:s13+$0x0]  }
0x376: {  	s14 =	sadd.s32 $0x0, s14;
	v1 =	vld [tilespmem:s13+$0x80]  }
0x377: {  	s14 =	sor.u32 $0x300, s14;
	v5 =	vld [tilespmem:s13+$0x280]  }
0x378: {  	v6 =	vld [tilespmem:s14+$0x1B700]  }
0x379: {  	v24 =	vld.idx.msk [tilespmem:v2+s3+$0x0], $0xffff  }
0x37a: {  	s9 =	sor.u32 s29, s9;
	v16 =	vld.idx.msk [tilespmem:v3+s3+$0x0], $0xffff  }
0x37b: {  	s10 =	sor.u32 s29, s30;
	v2 =	vld [tilespmem:s9+$0x0]  }
0x37c: {  	v3 =	vld [tilespmem:s10+$0x0]  }
0x37d: {  	s7 =	sor.u32 s29, s7;
	v25 =	vld.idx.msk [tilespmem:v4+s3+$0x0], $0xffff  }
0x37e: {  	v4 =	vld [tilespmem:s7+$0x0]  }
0x37f: {  	v23 =	vld.idx.msk [tilespmem:v0+s3+$0x0], $0xffff  }
0x380: {  	s11 =	sor.u32 s29, s17;
	v13 =	vld.idx.msk [tilespmem:v1+s3+$0x0], $0xffff  }
0x381: {  	s12 =	sor.u32 s29, s18;
	v0 =	vld [tilespmem:s11+$0x0]  }
0x382: {  	v1 =	vld [tilespmem:s12+$0x0]  }
0x383: {  	v17 =	vld.idx.msk [tilespmem:v5+s3+$0x0], $0xffff  }
0x384: {  	s2 =	sor.u32 s29, s2;
	v28 =	vld.idx.msk [tilespmem:v2+s3+$0x0], $0xffff  }
0x385: {  	v2 =	vld [tilespmem:s2+$0x0]  }
0x386: {  	s8 =	sor.u32 s29, s8;
	v26 =	vld.idx.msk [tilespmem:v6+s3+$0x0], $0xffff  }
0x387: {  	v5 =	vld [tilespmem:s8+$0x0]  }
0x388: {  	s4 =	sor.u32 s29, s4;
	v20 =	vld.idx.msk [tilespmem:v3+s3+$0x0], $0xffff  }
0x389: {  	v3 =	vld [tilespmem:s4+$0x0]  }
0x38a: {  	v29 =	vld.idx.msk [tilespmem:v4+s3+$0x0], $0xffff  }
0x38b: {  	v4 =	vld.idx.msk [tilespmem:v40+s3+$0x0], $0xffff  }
0x38c: {  	v27 =	vld.idx.msk [tilespmem:v0+s3+$0x0], $0xffff  }
0x38d: {  	v2 =	vld.idx.msk [tilespmem:v2+s3+$0x0], $0xffff  }
0x38e: {  	v19 =	vld.idx.msk [tilespmem:v1+s3+$0x0], $0xffff  }
0x38f: {  	s0 =	sor.u32 s29, s0;
	v6 =	vld.idx.msk [tilespmem:v5+s3+$0x0], $0xffff  }
0x390: {  	s1 =	sor.u32 s29, s1;
	v0 =	vld [tilespmem:s0+$0x0]  }
0x391: {  	v1 =	vld [tilespmem:s1+$0x0]  }
0x392: {  	v5 =	vld.idx.msk [tilespmem:v41+s3+$0x0], $0xffff;
	[tilespmem:$0x1FF80] =	vst v2  }
0x393: {  	v2 =	vld.idx.msk [tilespmem:v3+s3+$0x0], $0xffff;
	_ =	sdelay $0x1  }
0x394: {  	s23 =	simm.s32 $0x100  }
0x395: {  	s30 =	sand.u32 $0xC00, s23;
	s13 =	simm.s32 $0x30  }
0x396: {  	s4 =	sadd.s32 $0x1D800, s30;
	s0 =	sand.u32 $0x70, s13  }
0x397: {  	s1 =	sadd.s32 $0x1D880, s30;
	s10 =	sor.u32 s0, s4;
	[tilespmem:$0x1FF90] =	vst v2  }
0x398: {  	s5 =	sadd.s32 $0x1D700, s30;
	s11 =	sor.u32 s0, s1;
	v40 =	vld [tilespmem:s10+$0x0]  }
0x399: {  	s6 =	sadd.s32 $0x1D780, s30;
	s12 =	sor.u32 s0, s5;
	v41 =	vld [tilespmem:s11+$0x0]  }
0x39a: {  	s8 =	sadd.s32 $0x1CA00, s30;
	s14 =	sor.u32 s0, s6;
	v42 =	vld [tilespmem:s12+$0x0]  }
0x39b: {  	s2 =	sadd.s32 $0x1CA80, s30;
	s15 =	sor.u32 s0, s8;
	v43 =	vld [tilespmem:s14+$0x0]  }
0x39c: {  	s9 =	sadd.s32 $0x1C980, s30;
	s13 =	sor.u32 s13, s23;
	s16 =	sor.u32 s0, s2;
	v44 =	vld [tilespmem:s15+$0x0]  }
0x39d: {  	s21 =	sadd.s32 $0x1B700, s30;
	s18 =	sor.u32 s0, s9;
	s13 =	sor.u32 $0x380, s13;
	v45 =	vld [tilespmem:s16+$0x0]  }
0x39e: {  	s10 =	sadd.s32 $0x1C900, s30;
	s12 =	sadd.s32 $0x1C800, s30;
	s11 =	sadd.s32 $0x1C880, s30;
	v47 =	vld [tilespmem:s18+$0x0]  }
0x39f: {  	s14 =	sadd.s32 $0x1C700, s30;
	s16 =	sadd.s32 $0x1C780, s30;
	s30 =	sor.u32 s0, s21;
	v58 =	vld [tilespmem:s13+$0x1B700]  }
0x3a0: {  	v52 =	vld [tilespmem:s30+$0x0]  }
0x3a1: {  	v53 =	vld [tilespmem:s30+$0x80]  }
0x3a2: {  	v54 =	vld [tilespmem:s30+$0x100]  }
0x3a3: {  	v55 =	vld [tilespmem:s30+$0x180]  }
0x3a4: {  	s24 =	simm.s32 $0x2;
	v56 =	vld [tilespmem:s30+$0x200]  }
0x3a5: {  	s18 =	sand.u32 $0x7, s24;
	s17 =	sor.u32 s0, s10;
	v57 =	vld [tilespmem:s30+$0x280]  }
0x3a6: {  	s19 =	sor.u32 s0, s12;
	s7 =	sshll.u32 s18, $0x4;
	v46 =	vld [tilespmem:s17+$0x0]  }
0x3a7: {  	s20 =	sor.u32 s0, s11;
	v48 =	vld [tilespmem:s19+$0x0];
	s7 =	sadd.s32 $0x100, s7  }
0x3a8: {  	s25 =	sor.u32 s0, s16;
	v49 =	vld [tilespmem:s20+$0x0];
	s7 =	sadd.s32 $0x10, s7  }
0x3a9: {  	v51 =	vld [tilespmem:s25+$0x0];
	s25 =	simm.s32 $0x20;
	s7 =	sor.u32 $0x300, s7  }
0x3aa: {  	s17 =	sor.u32 s0, s14;
	v59 =	vld [tilespmem:s7+$0x1B700];
	s7 =	sand.u32 $0x60, s25  }
0x3ab: {  	v50 =	vld [tilespmem:s17+$0x0];
	s19 =	sor.u32 s7, s21  }
0x3ac: {  	v60 =	vld [tilespmem:s19+$0x0]  }
0x3ad: {  	s20 =	simm.s32 $0x1;
	v61 =	vld [tilespmem:s19+$0x80]  }
0x3ae: {  	s15 =	sand.u32 $0x3, s20;
	v62 =	vld [tilespmem:s19+$0x100]  }
0x3af: {  	s15 =	sshll.u32 s15, $0x5;
	v63 =	vld [tilespmem:s19+$0x180]  }
0x3b0: {  	v36 =	vadd.f32 v38, v36;
	v37 =	vadd.f32 v39, v37;
	s15 =	sadd.s32 $0x100, s15;
	v2 =	vld [tilespmem:s19+$0x200]  }
0x3b1: {  	s15 =	sor.u32 $0x300, s15;
	v3 =	vld [tilespmem:s19+$0x280]  }
0x3b2: {  	v34 =	vadd.f32 v34, v36;
	v35 =	vadd.f32 v35, v37;
	s14 =	sor.u32 s7, s14;
	v38 =	vld [tilespmem:s15+$0x1B700]  }
0x3b3: {  	s12 =	sor.u32 s7, s12;
	v36 =	vld [tilespmem:s14+$0x0]  }
0x3b4: {  	v33 =	vadd.f32 v33, v34;
	v32 =	vadd.f32 v32, v35;
	s11 =	sor.u32 s7, s11;
	v34 =	vld [tilespmem:s12+$0x0]  }
0x3b5: {  	s10 =	sor.u32 s7, s10;
	v35 =	vld [tilespmem:s11+$0x0]  }
0x3b6: {  	v30 =	vadd.f32 v30, v33;
	v31 =	vadd.f32 v31, v32;
	s9 =	sor.u32 s7, s9;
	v32 =	vld [tilespmem:s10+$0x0]  }
0x3b7: {  	s8 =	sor.u32 s7, s8;
	v33 =	vld [tilespmem:s9+$0x0]  }
0x3b8: {  	v30 =	vadd.f32 v21, v30;
	v22 =	vadd.f32 v22, v31;
	s2 =	sor.u32 s7, s2;
	v31 =	vld [tilespmem:s8+$0x0]  }
0x3b9: {  	s21 =	sor.u32 s25, s23;
	v21 =	vld [tilespmem:s2+$0x0]  }
0x3ba: {  	v14 =	vadd.f32 v14, v30;
	s30 =	sor.u32 $0x380, s21;
	v58 =	vld.idx.msk [tilespmem:v58+s3+$0x0], $0xffff  }
0x3bb: {  	v15 =	vadd.f32 v15, v22;
	s15 =	sor.u32 s7, s16;
	v39 =	vld [tilespmem:s30+$0x1B700]  }
0x3bc: {  	v11 =	vadd.f32 v11, v14;
	v37 =	vld [tilespmem:s15+$0x0]  }
0x3bd: {  	v12 =	vadd.f32 v12, v15;
	v15 =	vld.idx.msk [tilespmem:v47+s3+$0x0], $0xffff  }
0x3be: {  	v9 =	vadd.f32 v9, v11;
	v11 =	vld.idx.msk [tilespmem:v44+s3+$0x0], $0xffff  }
0x3bf: {  	v45 =	vld.idx.msk [tilespmem:v45+s3+$0x0], $0xffff  }
0x3c0: {  	v7 =	vadd.f32 v7, v9;
	v9 =	vld.idx.msk [tilespmem:v42+s3+$0x0], $0xffff  }
0x3c1: {  	v52 =	vld.idx.msk [tilespmem:v52+s3+$0x0], $0xffff  }
0x3c2: {  	v53 =	vld.idx.msk [tilespmem:v53+s3+$0x0], $0xffff  }
0x3c3: {  	v54 =	vld.idx.msk [tilespmem:v54+s3+$0x0], $0xffff  }
0x3c4: {  	v55 =	vld.idx.msk [tilespmem:v55+s3+$0x0], $0xffff  }
0x3c5: {  	v56 =	vld.idx.msk [tilespmem:v56+s3+$0x0], $0xffff  }
0x3c6: {  	v57 =	vld.idx.msk [tilespmem:v57+s3+$0x0], $0xffff  }
0x3c7: {  	v10 =	vadd.f32 v10, v12;
	v51 =	vld.idx.msk [tilespmem:v51+s3+$0x0], $0xffff  }
0x3c8: {  	v59 =	vld.idx.msk [tilespmem:v59+s3+$0x0], $0xffff  }
0x3c9: {  	v8 =	vadd.f32 v8, v10;
	v22 =	vld.idx.msk [tilespmem:v48+s3+$0x0], $0xffff;
	v12 =	vadd.f32 v54, v52  }
0x3ca: {  	v50 =	vld.idx.msk [tilespmem:v50+s3+$0x0], $0xffff;
	v53 =	vadd.f32 v55, v53  }
0x3cb: {  	v49 =	vld.idx.msk [tilespmem:v49+s3+$0x0], $0xffff;
	v55 =	vadd.f32 v8, v7;
	v10 =	vadd.f32 v56, v12  }
0x3cc: {  	v14 =	vld.idx.msk [tilespmem:v46+s3+$0x0], $0xffff;
	v7 =	vadd.f32 v24, v23;
	v12 =	vadd.f32 v57, v53  }
0x3cd: {  	v54 =	vld.idx.msk [tilespmem:v43+s3+$0x0], $0xffff;
	v10 =	vadd.f32 v59, v10  }
0x3ce: {  	v8 =	vld.idx.msk [tilespmem:v40+s3+$0x0], $0xffff;
	v7 =	vadd.f32 v25, v7;
	v12 =	vadd.f32 v58, v12  }
0x3cf: {  	v13 =	vadd.f32 v16, v13;
	v23 =	vld.idx.msk [tilespmem:v41+s3+$0x0], $0xffff;
	v10 =	vadd.f32 v50, v10  }
0x3d0: {  	v56 =	vld.idx.msk [tilespmem:v60+s3+$0x0], $0xffff;
	v7 =	vadd.f32 v26, v7;
	v12 =	vadd.f32 v51, v12  }
0x3d1: {  	v13 =	vadd.f32 v17, v13;
	v57 =	vld.idx.msk [tilespmem:v61+s3+$0x0], $0xffff;
	v10 =	vadd.f32 v22, v10  }
0x3d2: {  	v7 =	vadd.f32 v27, v7;
	v12 =	vadd.f32 v49, v12;
	v22 =	vld.idx.msk [tilespmem:v63+s3+$0x0], $0xffff  }
0x3d3: {  	v13 =	vadd.f32 v18, v13;
	v58 =	vld.idx.msk [tilespmem:v62+s3+$0x0], $0xffff;
	v10 =	vadd.f32 v14, v10  }
0x3d4: {  	v3 =	vld.idx.msk [tilespmem:v3+s3+$0x0], $0xffff;
	v7 =	vadd.f32 v28, v7;
	v12 =	vadd.f32 v15, v12  }
0x3d5: {  	v13 =	vadd.f32 v19, v13;
	v2 =	vld.idx.msk [tilespmem:v2+s3+$0x0], $0xffff;
	v10 =	vadd.f32 v11, v10  }
0x3d6: {  	v15 =	vadd.f32 v29, v7;
	v11 =	vadd.f32 v45, v12;
	v12 =	vld.idx.msk [tilespmem:v39+s3+$0x0], $0xffff  }
0x3d7: {  	v14 =	vld.idx.msk [tilespmem:v38+s3+$0x0], $0xffff;
	v60 =	vadd.f32 v22, v57;
	v7 =	vadd.f32 v9, v10  }
0x3d8: {  	v61 =	vld.idx.msk [tilespmem:v34+s3+$0x0], $0xffff;
	v9 =	vadd.f32 v54, v11;
	v11 =	vadd.f32 v58, v56  }
0x3d9: {  	v59 =	vld.idx.msk [tilespmem:v36+s3+$0x0], $0xffff;
	v3 =	vadd.f32 v3, v60  }
0x3da: {  	v13 =	vadd.f32 v20, v13;
	s18 =	rddreg [dreg:$0x7];
	s20 =	sand.u32 $0x180, s28;
	s16 =	sor.u32 s7, s5;
	v10 =	vld.idx.msk [tilespmem:v37+s3+$0x0], $0xffff;
	v2 =	vadd.f32 v2, v11  }
0x3db: {  	s4 =	sor.u32 s7, s4;
	s2 =	sadd.s32 s20, s18;
	v62 =	vadd.f32 v8, v7;
	v8 =	vld [tilespmem:s16+$0x0];
	v3 =	vadd.f32 v12, v3;
	v12 =	vmul.f32 $5.000000070e-02, v55  }
0x3dc: {  	v11 =	vadd.f32 v6, v13;
	v6 =	vld [tilespmem:s4+$0x0];
	s4 =	sadd.s32 s26, s2;
	v2 =	vadd.f32 v14, v2  }
0x3dd: {  	v9 =	vadd.f32 v23, v9;
	v13 =	vld.idx.msk [tilespmem:v35+s3+$0x0], $0xffff;
	[tilespmem:s4+$0x0] =	vst v12  }
0x3de: {  	v14 =	vadd.f32 v4, v15;
	v15 =	vadd.f32 v59, v2;
	v2 =	vld [tilespmem:$0x1FF80]  }
0x3df: {  	s17 =	sor.u32 s7, s6;
	v9 =	vadd.f32 v9, v62;
	v63 =	vadd.f32 v10, v3;
	v3 =	vld [tilespmem:$0x1FF90]  }
0x3e0: {  	s1 =	sor.u32 s7, s1;
	s19 =	rddreg [dreg:$0x7];
	s21 =	sand.u32 $0x180, s25;
	v7 =	vld [tilespmem:s17+$0x0]  }
0x3e1: {  	v5 =	vadd.f32 v5, v11;
	v4 =	vld [tilespmem:s1+$0x0];
	s1 =	sadd.s32 s21, s19;
	v11 =	vmul.f32 $5.000000070e-02, v9  }
0x3e2: {  	v10 =	vld.idx.msk [tilespmem:v32+s3+$0x0], $0xffff;
	s30 =	sadd.s32 s0, s1  }
0x3e3: {  	s28 =	simm.s32 $0x2;
	v9 =	vld.idx.msk [tilespmem:v33+s3+$0x0], $0xffff;
	[tilespmem:s30+$0x0] =	vst v11;
	v12 =	vadd.f32 v61, v15;
	v11 =	vadd.f32 v13, v63  }
0x3e4: {  	s26 =	sadd.s32 s29, s2;
	s29 =	simm.s32 $0x2;
	s0 =	sadd.s32 s7, s1;
	v2 =	vadd.f32 v2, v14;
	v3 =	vadd.f32 v3, v5;
	v5 =	vld.idx.msk [tilespmem:v31+s3+$0x0], $0xffff  }
.LBB2_11:
0x3e5: {  	_ = 	snop  }
0x3e6: {  	s1 =	sand.u32 $0x3, s29;
	s25 =	sadd.s32 $0x20, s25;
	v13 =	vld.idx.msk [tilespmem:v21+s3+$0x0], $0xffff  }
0x3e7: {  	s23 =	sadd.s32 $0x100, s23;
	s1 =	sshll.u32 s1, $0x5;
	s18 =	sand.u32 $0x60, s25;
	v8 =	vld.idx.msk [tilespmem:v8+s3+$0x0], $0xffff  }
0x3e8: {  	s11 =	sand.u32 $0xC00, s23;
	s12 =	sadd.s32 $0x10, s25;
	s2 =	sor.u32 s25, s23;
	v7 =	vld.idx.msk [tilespmem:v7+s3+$0x0], $0xffff  }
0x3e9: {  	s1 =	sadd.s32 s1, s23;
	s10 =	sadd.s32 $0x1D800, s11;
	s6 =	sand.u32 $0x70, s12;
	v9 =	vadd.f32 v9, v11;
	v11 =	vld.idx.msk [tilespmem:v0+s3+$0x0], $0xffff  }
0x3ea: {  	s16 =	sadd.s32 $0x1D880, s11;
	s12 =	sor.u32 s12, s23;
	s4 =	sor.u32 s6, s10;
	v0 =	vmov v6;
	v6 =	vld.idx.msk [tilespmem:v1+s3+$0x0], $0xffff  }
0x3eb: {  	s7 =	sadd.s32 $0x1D700, s11;
	s19 =	sor.u32 $0x380, s2;
	s12 =	sor.u32 $0x380, s12;
	v10 =	vadd.f32 v10, v12;
	v1 =	vmov v4;
	v4 =	vld [tilespmem:s4+$0x0]  }
0x3ec: {  	s14 =	sadd.s32 $0x1D780, s11;
	s5 =	sadd.s32 $0x1CA00, s11;
	s13 =	sor.u32 s6, s7;
	v22 =	vld [tilespmem:s12+$0x1B700]  }
0x3ed: {  	s17 =	sadd.s32 $0x1C900, s11;
	s9 =	sor.u32 $0x300, s1;
	s8 =	sor.u32 s6, s16;
	v12 =	vld [tilespmem:s13+$0x0];
	v10 =	vadd.f32 v5, v10  }
0x3ee: {  	s1 =	sor.u32 s18, s7;
	s15 =	sor.u32 s6, s14;
	s13 =	sadd.s32 $0x1C980, s11;
	v5 =	vld [tilespmem:s8+$0x0]  }
0x3ef: {  	s7 =	sadd.s32 $0x1CA80, s11;
	s2 =	sor.u32 s6, s17;
	s21 =	sor.u32 s6, s13;
	v9 =	vadd.f32 v13, v9;
	v8 =	vadd.f32 v8, v10;
	v10 =	vld [tilespmem:s15+$0x0]  }
0x3f0: {  	s4 =	sor.u32 s18, s5;
	s20 =	sor.u32 s6, s7;
	s8 =	sor.u32 s6, s5;
	v11 =	vadd.f32 v11, v2;
	v13 =	vld [tilespmem:s21+$0x0]  }
0x3f1: {  	s5 =	sor.u32 s18, s7;
	s7 =	sor.u32 s18, s17;
	s17 =	sadd.s32 $0x1C800, s11;
	v6 =	vadd.f32 v6, v3;
	v7 =	vadd.f32 v7, v9;
	v9 =	vld [tilespmem:s8+$0x0]  }
0x3f2: {  	s15 =	sor.u32 s18, s17;
	s17 =	sor.u32 s6, s17;
	v2 =	vmov v8;
	v8 =	vld [tilespmem:s20+$0x0]  }
0x3f3: {  	v6 =	vadd.f32 v6, v11;
	v11 =	vld [tilespmem:s17+$0x0]  }
0x3f4: {  	v22 =	vld.idx.msk [tilespmem:v22+s3+$0x0], $0xffff  }
0x3f5: {  	v12 =	vld.idx.msk [tilespmem:v12+s3+$0x0], $0xffff  }
0x3f6: {  	s20 =	sadd.s32 $0x1C880, s11;
	v4 =	vld.idx.msk [tilespmem:v4+s3+$0x0], $0xffff  }
0x3f7: {  	s21 =	sadd.s32 $0x1C700, s11;
	s30 =	sor.u32 s6, s20;
	v3 =	vmov v7;
	v7 =	vld [tilespmem:s2+$0x0]  }
0x3f8: {  	s2 =	sor.u32 s18, s21;
	s21 =	sor.u32 s6, s21;
	v14 =	vld [tilespmem:s30+$0x0];
	v6 =	vmul.f32 $5.000000070e-02, v6;
	s30 =	sadd.s32 $0x1B700, s11  }
0x3f9: {  	s24 =	sadd.s32 $0x2, s24;
	v15 =	vld [tilespmem:s21+$0x0];
	s17 =	sor.u32 s18, s30;
	s30 =	sor.u32 s6, s30  }
0x3fa: {  	s8 =	sor.u32 s18, s13;
	s13 =	sor.u32 s18, s20;
	s20 =	sadd.s32 $0x1C780, s11;
	[tilespmem:s26+$0x0] =	vst v6;
	v6 =	vld [tilespmem:s30+$0x0]  }
0x3fb: {  	s11 =	sor.u32 s18, s20;
	s21 =	sor.u32 s6, s20;
	s20 =	sor.u32 s18, s14;
	v17 =	vld [tilespmem:s30+$0x80]  }
0x3fc: {  	s14 =	sor.u32 s18, s10;
	s10 =	sor.u32 s18, s16;
	s16 =	sand.u32 $0x7, s24;
	v18 =	vld [tilespmem:s30+$0x100]  }
0x3fd: {  	s26 =	smov.u32 s0;
	s0 =	sshll.u32 s16, $0x4;
	v19 =	vld [tilespmem:s30+$0x180]  }
0x3fe: {  	v20 =	vld [tilespmem:s30+$0x200];
	s0 =	sadd.s32 s23, s0  }
0x3ff: {  	v21 =	vld [tilespmem:s30+$0x280];
	s0 =	sadd.s32 $0x10, s0  }
0x400: {  	v16 =	vld [tilespmem:s21+$0x0];
	s0 =	sor.u32 $0x300, s0  }
0x401: {  	v23 =	vld [tilespmem:s0+$0x1B700]  }
0x402: {  	v6 =	vld.idx.msk [tilespmem:v6+s3+$0x0], $0xffff  }
0x403: {  	v17 =	vld.idx.msk [tilespmem:v17+s3+$0x0], $0xffff  }
0x404: {  	v18 =	vld.idx.msk [tilespmem:v18+s3+$0x0], $0xffff  }
0x405: {  	v19 =	vld.idx.msk [tilespmem:v19+s3+$0x0], $0xffff  }
0x406: {  	v20 =	vld.idx.msk [tilespmem:v20+s3+$0x0], $0xffff  }
0x407: {  	v21 =	vld.idx.msk [tilespmem:v21+s3+$0x0], $0xffff  }
0x408: {  	v5 =	vld.idx.msk [tilespmem:v5+s3+$0x0], $0xffff  }
0x409: {  	v23 =	vld.idx.msk [tilespmem:v23+s3+$0x0], $0xffff  }
0x40a: {  	v15 =	vld.idx.msk [tilespmem:v15+s3+$0x0], $0xffff;
	v6 =	vadd.f32 v18, v6;
	v17 =	vadd.f32 v19, v17  }
0x40b: {  	v16 =	vld.idx.msk [tilespmem:v16+s3+$0x0], $0xffff  }
0x40c: {  	v11 =	vld.idx.msk [tilespmem:v11+s3+$0x0], $0xffff;
	v6 =	vadd.f32 v20, v6;
	v17 =	vadd.f32 v21, v17  }
0x40d: {  	v14 =	vld.idx.msk [tilespmem:v14+s3+$0x0], $0xffff  }
0x40e: {  	v13 =	vld.idx.msk [tilespmem:v13+s3+$0x0], $0xffff;
	v6 =	vadd.f32 v23, v6;
	v17 =	vadd.f32 v22, v17  }
0x40f: {  	v7 =	vld.idx.msk [tilespmem:v7+s3+$0x0], $0xffff  }
0x410: {  	v9 =	vld.idx.msk [tilespmem:v9+s3+$0x0], $0xffff;
	v6 =	vadd.f32 v15, v6;
	v15 =	vadd.f32 v16, v17  }
0x411: {  	v8 =	vld.idx.msk [tilespmem:v8+s3+$0x0], $0xffff  }
0x412: {  	v10 =	vld.idx.msk [tilespmem:v10+s3+$0x0], $0xffff;
	v6 =	vadd.f32 v11, v6;
	v11 =	vadd.f32 v14, v15  }
0x413: {  	v21 =	vld [tilespmem:s5+$0x0]  }
0x414: {  	v6 =	vadd.f32 v7, v6;
	v7 =	vadd.f32 v13, v11;
	v11 =	vld [tilespmem:s17+$0x0]  }
0x415: {  	v13 =	vld [tilespmem:s17+$0x80]  }
0x416: {  	v6 =	vadd.f32 v9, v6;
	v7 =	vadd.f32 v8, v7;
	v8 =	vld [tilespmem:s17+$0x100]  }
0x417: {  	v9 =	vld [tilespmem:s17+$0x180]  }
0x418: {  	v6 =	vadd.f32 v12, v6;
	v7 =	vadd.f32 v10, v7;
	v10 =	vld [tilespmem:s17+$0x200]  }
0x419: {  	v12 =	vld [tilespmem:s17+$0x280]  }
0x41a: {  	v4 =	vadd.f32 v4, v6;
	v5 =	vadd.f32 v5, v7;
	v6 =	vld [tilespmem:s9+$0x1B700]  }
0x41b: {  	v7 =	vld [tilespmem:s19+$0x1B700]  }
0x41c: {  	v4 =	vadd.f32 v5, v4;
	v5 =	vld.idx.msk [tilespmem:v11+s3+$0x0], $0xffff  }
0x41d: {  	v11 =	vld.idx.msk [tilespmem:v13+s3+$0x0], $0xffff  }
0x41e: {  	s21 =	rddreg [dreg:$0x7];
	s30 =	sand.u32 $0x180, s25;
	v13 =	vld [tilespmem:s11+$0x0]  }
0x41f: {  	s9 =	sadd.s32 s30, s21;
	v4 =	vmul.f32 $5.000000070e-02, v4;
	v8 =	vld.idx.msk [tilespmem:v8+s3+$0x0], $0xffff  }
0x420: {  	s6 =	sadd.s32 s6, s9;
	v9 =	vld.idx.msk [tilespmem:v9+s3+$0x0], $0xffff  }
0x421: {  	[tilespmem:s6+$0x0] =	vst v4;
	v4 =	vld [tilespmem:s2+$0x0]  }
0x422: {  	v10 =	vld.idx.msk [tilespmem:v10+s3+$0x0], $0xffff  }
0x423: {  	v12 =	vld.idx.msk [tilespmem:v12+s3+$0x0], $0xffff  }
0x424: {  	v6 =	vld.idx.msk [tilespmem:v6+s3+$0x0], $0xffff  }
0x425: {  	v7 =	vld.idx.msk [tilespmem:v7+s3+$0x0], $0xffff  }
0x426: {  	v5 =	vadd.f32 v8, v5;
	v8 =	vld [tilespmem:s15+$0x0]  }
0x427: {  	v9 =	vadd.f32 v9, v11;
	v11 =	vld [tilespmem:s13+$0x0]  }
0x428: {  	v14 =	vld [tilespmem:s4+$0x0]  }
0x429: {  	v5 =	vadd.f32 v10, v5;
	v10 =	vld [tilespmem:s7+$0x0]  }
0x42a: {  	v9 =	vadd.f32 v12, v9;
	v12 =	vld [tilespmem:s8+$0x0]  }
0x42b: {  	v13 =	vld.idx.msk [tilespmem:v13+s3+$0x0], $0xffff  }
0x42c: {  	v5 =	vadd.f32 v6, v5;
	v6 =	vadd.f32 v7, v9;
	v7 =	vld [tilespmem:s20+$0x0]  }
0x42d: {  	v4 =	vld.idx.msk [tilespmem:v4+s3+$0x0], $0xffff  }
0x42e: {  	v15 =	vld.idx.msk [tilespmem:v8+s3+$0x0], $0xffff  }
0x42f: {  	s28 =	sadd.s32 $0x2, s28;
	v11 =	vld.idx.msk [tilespmem:v11+s3+$0x0], $0xffff  }
0x430: {  	p0 =	slt.u32 s28, $0x1E;
	v8 =	vld [tilespmem:s1+$0x0]  }
.Ltmp4:
0x431: {  	v10 =	vld.idx.msk [tilespmem:v10+s3+$0x0], $0xffff;
	(pc) =	sbr.rel @p0 .LBB2_11-.Ltmp4, $4  }
0x432: {  	v4 =	vadd.f32 v4, v5;
	v9 =	vld.idx.msk [tilespmem:v12+s3+$0x0], $0xffff  }
0x433: {  	v5 =	vadd.f32 v13, v6;
	v6 =	vld [tilespmem:s14+$0x0]  }
0x434: {  	v12 =	vadd.f32 v15, v4;
	v4 =	vld [tilespmem:s10+$0x0]  }
0x435: {  	s29 =	sadd.s32 $0x1, s29;
	s0 =	sadd.s32 s18, s9;
	v11 =	vadd.f32 v11, v5;
	v5 =	vld.idx.msk [tilespmem:v14+s3+$0x0], $0xffff  }
0x436: {  	_ =	sdelay $0x3  }
0x437: {  	v13 =	vld.idx.msk [tilespmem:v21+s3+$0x0], $0xffff  }
0x438: {  	v8 =	vld.idx.msk [tilespmem:v8+s3+$0x0], $0xffff  }
0x439: {  	v7 =	vld.idx.msk [tilespmem:v7+s3+$0x0], $0xffff  }
0x43a: {  	v0 =	vld.idx.msk [tilespmem:v0+s3+$0x0], $0xffff  }
0x43b: {  	v1 =	vld.idx.msk [tilespmem:v1+s3+$0x0], $0xffff  }
0x43c: {  	v10 =	vadd.f32 v10, v12;
	v9 =	vadd.f32 v9, v11;
	v6 =	vld.idx.msk [tilespmem:v6+s3+$0x0], $0xffff  }
0x43d: {  	v4 =	vld.idx.msk [tilespmem:v4+s3+$0x0], $0xffff  }
0x43e: {  	v5 =	vadd.f32 v5, v10;
	v9 =	vadd.f32 v13, v9;
	_ =	sdelay $0x1  }
0x43f: {  	v5 =	vadd.f32 v8, v5;
	v7 =	vadd.f32 v7, v9  }
0x440: {  	v0 =	vadd.f32 v0, v2;
	v1 =	vadd.f32 v1, v3  }
0x441: {  	s22 =	sadd.s32 $0x1, s22;
	v61 =	vadd.f32 v6, v5;
	v62 =	vadd.f32 v4, v7  }
0x442: {  	p0 =	sne.s32 s22, $0x4;
	v0 =	vadd.f32 v1, v0  }
.Ltmp5:
0x443: {  	v63 =	vadd.f32 v62, v61;
	(pc) =	sbr.rel @p0 .LBB2_8-.Ltmp5, $4  }
0x444: {  	v0 =	vmul.f32 $5.000000070e-02, v0  }
0x445: {  	v1 =	vmul.f32 $5.000000070e-02, v63  }
0x446: {  	[tilespmem:s26+$0x0] =	vst v0  }
0x447: {  	[tilespmem:s0+$0x0] =	vst v1  }
0x448: {  	s0 =	simm.s32 $0x2  }
0x449: {  	s1 =	simm.s32 $0x80;
	_ =	swait.ge [sflag:s0], $0x3000  }
0x44a: {  	s2 =	simm.s32 $0x400;
	s4 =	simm.s32 $0x1E700;
	[sflag:s0] =	ssyncset.done $0x0  }
0x44b: {  	s29 =	simm.s32 $0x4;
	s28 =	rddreg [dreg:$0xb];
	[sflag:s0] =	ssyncadd.s32 $0xFFFFD000  }
0x44c: {  	[hbm4b:s28+s1] =	stream.strided.scatter [tilespmem:s4], [sflag:$0x4], $0x1000, s2, s1, $0x38;
	[tilespmem:$0x1F700] =	vst v63  }
0x44d: {  	_ =	swait.ge [sflag:s29], $0x1000  }
0x44e: {  	s5 =	rddreg [dreg:$0xd]  }
0x44f: {  	s30 =	rddreg [dreg:$0xc];
	s5 =	sadd.s32 $0x1, s5  }
0x450: {  	p0 =	sne.s32 s5, s30  }
.Ltmp6:
0x451: {  	_ = 	snop;
	(pc) =	sbr.rel @p0 .LBB2_1-.Ltmp6, $3  }
0x452: {  	_ =	sdelay $0x1  }
0x453: {  	[sflag:s29] =	ssyncset.done $0x0  }
0x454: {  	[sflag:s29] =	ssyncadd.s32 $0xFFFFF000  }
0x455: {  	_ =	sfence.sel $0x180000  }
0x456: {  	[bflag:$0x0] =	sbarrier.arrive $0xFFFF  }
0x457: {  	_ =	strace $0x90000047  }
0x458: {  	s0 =	stileid.u32;
	[bflag:$0x2] =	sbarrier.arrive $0xFFFF  }
0x459: {  	p0 =	sne.s32 s0, $0x0;
	s0 =	rddreg [dreg:$0x3]  }
0x45a: {  	s0 =	sadd.s32 @!p0 $0x100000, s0  }
0x45b: {  	[sflag:s0] =	ssyncadd.tile.s32 @!p0 $0x1;
	_ =	shalt  }
.Lfunc_end2:
_tile_overlayer_lowered:
.L_overlay_start_2:
0x45c: {  	(tag) =	ssettag $0x2  }
0x45d: {  	s0 =	rddreg [dreg:$0x0];
	s2 =	stileid.u32  }
0x45e: {  	s1 =	rddreg [dreg:$0x1];
	p0 =	sne.s32 s2, $0x0  }
0x45f: {  	s3 =	rddreg [dreg:$0x2];
	[bflag:$0x3] =	sbarrier.arrive $0xFFFF;
	s2 =	simm.s32 @!p0 $0x1C04  }
0x460: {  	[timem:s3], [sflag:s2] =	dma.local @!p0 [hbm:s0], s1  }
0x461: {  	s0 =	simm.s32 @!p0 $0x4  }
0x462: {  	_ =	swait.ge @!p0 [sflag:s0], s1  }
0x463: {  	s1 =	ssub.s32 @!p0 $0x0, s1;
	[sflag:s0] =	ssyncset.done @!p0 $0x0  }
0x464: {  	[sflag:s0] =	ssyncadd.s32 @!p0 s1  }
0x465: {  	[bflag:$0x3] =	sbarrier.arrive $0xFFFF  }
0x466: {  	_ =	shalt  }

</sc_bundles>
